<compile_context>
chip_gen: v7x
topology: tpu7x:2x2x1
jax: 0.10.2.dev20260603
libtpu: 0.0.44.dev20260713+nightly
codegen_flags: <defaults>
</compile_context>

<pallas_src>
import functools

import jax
import jax.numpy as jnp
from jax import lax
from jax.experimental import pallas as pl
from jax.experimental.pallas import tpu as pltpu
from jax.experimental.pallas import tpu_sc as plsc

N = 10000
D = 128
G = 128
RELU_COEF = 0.05

NTILES = 32
CHUNKS = 80
CB = 128
EP = NTILES * CHUNKS * CB
NP = 10240
ROWS_PER_TILE = NP // 16


def _leaky(v):
    return jnp.where(v > 0, v, RELU_COEF * v)


def _dotT(a, w):
    return lax.dot_general(a, w, (((1,), (1,)), ((), ())),
                           preferred_element_type=jnp.float32)


def _sc_agg_body(x_hbm, src_hbm, dst_hbm, ew_hbm, out_hbm,
                 src_v, dst_v, ew_v, r0, acc, gs0):
    cid = lax.axis_index("c")
    sid = lax.axis_index("s")
    wid = cid * 16 + sid

    pltpu.sync_copy(src_hbm.at[wid], src_v)
    pltpu.sync_copy(dst_hbm.at[wid], dst_v)
    pltpu.sync_copy(ew_hbm.at[wid], ew_v)

    def zrow(r, carry):
        for k in range(D // 16):
            r0[r, pl.ds(k * 16, 16)] = jnp.zeros((16,), jnp.float32)
        return carry
    lax.fori_loop(0, CB, zrow, 0)
    base = sid * ROWS_PER_TILE
    for j in range(ROWS_PER_TILE // CB):
        pltpu.sync_copy(r0, acc.at[pl.ds(base + j * CB, CB)])
    plsc.subcore_barrier()

    def scale(c, rows):
        @plsc.parallel_loop(0, CB, 1, unroll=8)
        def _(e):
            w = plsc.load_gather(
                ew_v, [jnp.full((16,), c, jnp.int32),
                       jnp.full((16,), e, jnp.int32)])
            for k in range(D // 16):
                rows[e, pl.ds(k * 16, 16)] = rows[e, pl.ds(k * 16, 16)] * w

    def body(c, carry):
        pltpu.async_copy(x_hbm.at[src_v.at[c]], r0, gs0).wait()
        scale(c, r0)
        pltpu.sync_copy(r0, acc.at[dst_v.at[c]], add=True)
        return carry
    lax.fori_loop(0, CHUNKS, body, 0)
    plsc.subcore_barrier()

    for j in range(ROWS_PER_TILE // CB):
        pltpu.sync_copy(acc.at[pl.ds(base + j * CB, CB)],
                        out_hbm.at[cid, pl.ds(base + j * CB, CB)])


_sc_agg = functools.partial(
    pl.kernel,
    out_type=jax.ShapeDtypeStruct((2, NP, D), jnp.float32),
    mesh=plsc.VectorSubcoreMesh(core_axis_name="c", subcore_axis_name="s"),
    scratch_types=[
        pltpu.VMEM((CHUNKS, CB), jnp.int32),
        pltpu.VMEM((CHUNKS, CB), jnp.int32),
        pltpu.VMEM((CHUNKS, CB), jnp.float32),
        pltpu.VMEM((CB, D), jnp.float32),
        pltpu.VMEM_SHARED((NP, D), jnp.float32),
        pltpu.SemaphoreType.DMA,
    ],
    compiler_params=pltpu.CompilerParams(needs_layout_passes=False),
)(_sc_agg_body)


BN = 1000
NGRID = N // BN


def _tc1_body(p_ref, x_ref, wr_ref, br_ref, wo_ref, o_ref):
    agg = p_ref[0] + p_ref[1]
    h = _dotT(agg, wr_ref[...]) + br_ref[...] + _dotT(x_ref[...], wo_ref[...])
    o_ref[...] = _leaky(h)


def _tc_dense1(p, x, Wr1, br1, Wo1):
    return pl.pallas_call(
        _tc1_body,
        grid=(NGRID,),
        in_specs=[
            pl.BlockSpec((2, BN, D), lambda i: (0, i, 0)),
            pl.BlockSpec((BN, D), lambda i: (i, 0)),
            pl.BlockSpec((D, D), lambda i: (0, 0)),
            pl.BlockSpec((1, D), lambda i: (0, 0)),
            pl.BlockSpec((D, D), lambda i: (0, 0)),
        ],
        out_specs=pl.BlockSpec((BN, D), lambda i: (i, 0)),
        out_shape=jax.ShapeDtypeStruct((N, D), jnp.float32),
    )(p, x, Wr1, br1, Wo1)


def _tc2_body(q_ref, h1_ref, x_ref, b_ref,
              wr_ref, br_ref, wo_ref,
              wsh_ref, wsx_ref, bs_ref, wth_ref, wtx_ref, bt_ref,
              w1_ref, b1_ref, w2_ref, b2_ref, wf_ref, bf_ref,
              o_ref, acc_ref):
    i = pl.program_id(0)
    agg = q_ref[0] + q_ref[1]
    h1 = h1_ref[...]
    x = x_ref[...]
    h2 = _leaky(_dotT(agg, wr_ref[...]) + br_ref[...]
                + _dotT(h1, wo_ref[...]))
    sx = _dotT(h2, wsh_ref[...]) + _dotT(x, wsx_ref[...]) + bs_ref[...]
    tx = _dotT(h2, wth_ref[...]) + _dotT(x, wtx_ref[...]) + bt_ref[...]
    sx = jnp.clip(sx, -30.0, 30.0)
    h3 = (1.0 / (1.0 + jnp.exp(sx))) * jnp.tanh(tx)

    g_iota = lax.broadcasted_iota(jnp.int32, (G, BN), 0)
    oh = (b_ref[0] == g_iota).astype(jnp.float32)
    pooled = lax.dot_general(oh, h3, (((1,), (0,)), ((), ())),
                             preferred_element_type=jnp.float32,
                             precision=lax.Precision.HIGHEST)

    @pl.when(i == 0)
    def _():
        acc_ref[...] = pooled

    @pl.when(i > 0)
    def _():
        acc_ref[...] = acc_ref[...] + pooled

    @pl.when(i == NGRID - 1)
    def _():
        f = _leaky(_dotT(acc_ref[...], w1_ref[...]) + b1_ref[...])
        f = _leaky(_dotT(f, w2_ref[...]) + b2_ref[...])
        out = _dotT(f, wf_ref[...])[:, 0:1] + bf_ref[0, 0]
        o_ref[...] = 1.0 / (1.0 + jnp.exp(-out))


def _tc_head(q, h1, x, batch2d, Wr2, br2, Wo2,
             Wsh, Wsx, bs, Wth, Wtx, bt, W1, b1, W2, b2, Wf, bf):
    full = lambda shape: pl.BlockSpec(shape, lambda i: tuple(0 for _ in shape))
    return pl.pallas_call(
        _tc2_body,
        grid=(NGRID,),
        in_specs=[
            pl.BlockSpec((2, BN, D), lambda i: (0, i, 0)),
            pl.BlockSpec((BN, D), lambda i: (i, 0)),
            pl.BlockSpec((BN, D), lambda i: (i, 0)),
            pl.BlockSpec((1, 1, BN), lambda i: (i, 0, 0)),
            full((D, D)), full((1, D)), full((D, D)),
            full((D, D)), full((D, D)), full((1, D)),
            full((D, D)), full((D, D)), full((1, D)),
            full((D, D)), full((1, D)),
            full((258, D)), full((1, 258)),
            full((G, 258)), full((1, 1)),
        ],
        out_specs=pl.BlockSpec((G, 1), lambda i: (0, 0)),
        out_shape=jax.ShapeDtypeStruct((G, 1), jnp.float32),
        scratch_shapes=[pltpu.VMEM((G, D), jnp.float32)],
    )(q, h1, x, batch2d, Wr2, br2, Wo2,
      Wsh, Wsx, bs, Wth, Wtx, bt, W1, b1, W2, b2, Wf, bf)


def kernel(x, edge_index, batch, edge_attr, Wr1, br1, Wo1, Wr2, br2, Wo2,
           Ws, bs, Wt, bt, W1, b1, W2, b2, Wf, bf):
    E = edge_index.shape[1]
    pad = EP - E
    src3 = jnp.pad(edge_index[0], (0, pad)).reshape(NTILES, CHUNKS, CB)
    dst3 = jnp.pad(edge_index[1], (0, pad)).reshape(NTILES, CHUNKS, CB)
    ew3 = jnp.pad(edge_attr, (0, pad)).reshape(NTILES, CHUNKS, CB)
    batch2d = batch.reshape(NGRID, 1, BN)

    br1_2 = br1.reshape(1, D)
    br2_2 = br2.reshape(1, D)
    bs_2 = bs.reshape(1, D)
    bt_2 = bt.reshape(1, D)
    b1_2 = b1.reshape(1, D)
    b2_2 = b2.reshape(1, 258)
    bf_2 = bf.reshape(1, 1)
    Wf_pad = jnp.zeros((G, 258), jnp.float32).at[0].set(Wf[0])
    Wsh, Wsx = Ws[:, :D], Ws[:, D:]
    Wth, Wtx = Wt[:, :D], Wt[:, D:]

    p = _sc_agg(x, src3, dst3, ew3)
    h1 = _tc_dense1(p, x, Wr1, br1_2, Wo1)
    q = _sc_agg(h1, src3, dst3, ew3)
    return _tc_head(q, h1, x, batch2d, Wr2, br2_2, Wo2,
                    Wsh, Wsx, bs_2, Wth, Wtx, bt_2,
                    W1, b1_2, W2, b2_2, Wf_pad, bf_2)

# --- scband reference (transcript-rebuilt; emitter-appended) ---
"""Pipeline reference for scband-rgdiscrimininator-32504312496833 (READ-ONLY COPY).

The authoritative reference and input builder live on the scoring server;
editing this copy changes nothing except your own understanding.
"""

import jax, jax.numpy as jnp
import numpy as np

N = 10000
E = 320000
D = 128
H = 128
LH = 128
G = 128
O1 = 128
O2 = 258
RELU_COEF = 0.05


def _lin(k, o, i):
    return jax.random.normal(k, (o, i), jnp.float32) * (1.0 / np.sqrt(i))


def setup_inputs(seed: int = 0) -> dict:
    key = jax.random.key(seed)
    ks = jax.random.split(key, 24)
    inp = {}
    inp["x"] = jax.random.normal(ks[0], (N, D), jnp.float32)
    inp["edge_index"] = jax.random.randint(ks[1], (2, E), 0, N, jnp.int32)
    inp["batch"] = jnp.sort(jax.random.randint(ks[2], (N,), 0, G, jnp.int32))
    inp["edge_attr"] = jax.random.uniform(ks[3], (E,), jnp.float32)
    # GraphConv 1: lin_rel (weight+bias) applied to aggregated msgs, lin_root (no bias)
    inp["Wr1"] = _lin(ks[4], H, D)
    inp["br1"] = jnp.zeros((H,), jnp.float32)
    inp["Wo1"] = _lin(ks[5], H, D)
    # GraphConv 2
    inp["Wr2"] = _lin(ks[6], H, H)
    inp["br2"] = jnp.zeros((H,), jnp.float32)
    inp["Wo2"] = _lin(ks[7], H, H)
    # sig_ln / tanh_ln over concat [h, x0] -> H + D
    inp["Ws"] = _lin(ks[8], LH, H + D)
    inp["bs"] = jnp.zeros((LH,), jnp.float32)
    inp["Wt"] = _lin(ks[9], LH, H + D)
    inp["bt"] = jnp.zeros((LH,), jnp.float32)
    # final MLP
    inp["W1"] = _lin(ks[10], O1, LH)
    inp["b1"] = jnp.zeros((O1,), jnp.float32)
    inp["W2"] = _lin(ks[11], O2, O1)
    inp["b2"] = jnp.zeros((O2,), jnp.float32)
    inp["Wf"] = _lin(ks[12], 1, O2)
    inp["bf"] = jnp.zeros((1,), jnp.float32)
    return inp


def _leaky(x):
    return jnp.where(x > 0, x, RELU_COEF * x)


def _graph_conv(x, src, dst, ew, Wr, br, Wo):
    # PyG GraphConv: out = lin_rel(sum_j e_ji * x_j) + lin_root(x)
    msg = x[src] * ew[:, None]
    agg = jax.ops.segment_sum(msg, dst, num_segments=N)
    return agg @ Wr.T + br + x @ Wo.T


def reference(x, edge_index, batch, edge_attr, Wr1, br1, Wo1, Wr2, br2, Wo2,
              Ws, bs, Wt, bt, W1, b1, W2, b2, Wf, bf):
    src = edge_index[0]
    dst = edge_index[1]
    h = _leaky(_graph_conv(x, src, dst, edge_attr, Wr1, br1, Wo1))
    h = _leaky(_graph_conv(h, src, dst, edge_attr, Wr2, br2, Wo2))
    h = jnp.concatenate([h, x], axis=1)
    sx = jnp.clip(h @ Ws.T + bs, -30.0, 30.0)
    h = 1.0 / (1.0 + jnp.exp(sx)) * jnp.tanh(h @ Wt.T + bt)
    pooled = jax.ops.segment_sum(h, batch, num_segments=G)
    # final_lns (dropout is identity in eval): Lin -> LeakyReLU, Lin -> LeakyReLU
    f = _leaky(pooled @ W1.T + b1)
    f = _leaky(f @ W2.T + b2)
    out = f @ Wf.T + bf
    return jax.nn.sigmoid(out)

if __name__ == "__main__":
    import jax
    _d = setup_inputs()
    print(jax.jit(kernel)(*tuple(_d.values())))

</pallas_src>

<mosaic_0001>
#map = affine_map<(d0, d1) -> (0, 0)>
#map1 = affine_map<(d0, d1) -> (0, 0, 0)>
module attributes {stable_mosaic.version = 14 : i64} {
  func.func @_sc_agg_body(%arg0: i32, %arg1: i32, %arg2: memref<10000x128xf32, #tpu.memory_space<hbm>>, %arg3: memref<32x80x128xi32, #tpu.memory_space<hbm>>, %arg4: memref<32x80x128xi32, #tpu.memory_space<hbm>>, %arg5: memref<32x80x128xf32, #tpu.memory_space<hbm>>, %arg6: memref<2x10240x128xf32, #tpu.memory_space<hbm>>, %arg7: memref<80x128xi32, #tpu.memory_space<vmem>>, %arg8: memref<80x128xi32, #tpu.memory_space<vmem>>, %arg9: memref<80x128xf32, #tpu.memory_space<vmem>>, %arg10: memref<128x128xf32, #tpu.memory_space<vmem>>, %arg11: memref<10240x128xf32, #tpu.memory_space<vmem_shared>>, %arg12: memref<!tpu.dma_semaphore, #tpu.memory_space<semaphore_mem>>) attributes {dimension_semantics = [#tpu.dimension_semantics<core_parallel>, #tpu.dimension_semantics<subcore_parallel>], iteration_bounds = array<i64: 2, 16>, scalar_prefetch = 0 : i64, scratch_operands = 6 : i64, tpu.core_type = #tpu.core_type<sc_vector_subcore>, window_params = [{transform_indices = #map}, {transform_indices = #map1}, {transform_indices = #map1}, {transform_indices = #map1}, {transform_indices = #map1}]} {
    %mul3A = arith.constant 16 : i32
    %mul3A_0 = arith.muli %arg0, %mul3A : i32
    %add3A = arith.addi %mul3A_0, %arg1 : i32
    "tpu.region"() ({
      %run_scoped3A = tpu.sem_alloc : memref<!tpu.dma_semaphore, #tpu.memory_space<semaphore_mem>>
      %dma_start3A = arith.constant 0 : i32
      %dma_start3A_45 = arith.constant 0 : i32
      %dma_start3A_46 = tpu.memref_slice %arg3[%add3A, %dma_start3A, %dma_start3A_45] : memref<32x80x128xi32, #tpu.memory_space<hbm>> -> memref<1x80x128xi32, #tpu.memory_space<hbm>>
      %dma_start3A_47 = tpu.memref_squeeze %dma_start3A_46 : memref<1x80x128xi32, #tpu.memory_space<hbm>> -> memref<80x128xi32, #tpu.memory_space<hbm>>
      %dma_start3A_48 = arith.constant 0 : i32
      %dma_start3A_49 = arith.constant 0 : i32
      %dma_start3A_50 = tpu.memref_slice %arg3[%add3A, %dma_start3A_48, %dma_start3A_49] : memref<32x80x128xi32, #tpu.memory_space<hbm>> -> memref<1x80x128xi32, #tpu.memory_space<hbm>>
      %dma_start3A_51 = tpu.memref_squeeze %dma_start3A_50 : memref<1x80x128xi32, #tpu.memory_space<hbm>> -> memref<80x128xi32, #tpu.memory_space<hbm>>
      tpu.enqueue_dma source(%dma_start3A_51 : memref<80x128xi32, #tpu.memory_space<hbm>>) target(%arg7 : memref<80x128xi32, #tpu.memory_space<vmem>>) target_semaphore(%run_scoped3A : memref<!tpu.dma_semaphore, #tpu.memory_space<semaphore_mem>>)
      %dma_wait3A = arith.constant 0 : i32
      %dma_wait3A_52 = arith.constant 0 : i32
      %dma_wait3A_53 = tpu.memref_slice %arg3[%add3A, %dma_wait3A, %dma_wait3A_52] : memref<32x80x128xi32, #tpu.memory_space<hbm>> -> memref<1x80x128xi32, #tpu.memory_space<hbm>>
      %dma_wait3A_54 = tpu.memref_squeeze %dma_wait3A_53 : memref<1x80x128xi32, #tpu.memory_space<hbm>> -> memref<80x128xi32, #tpu.memory_space<hbm>>
      %dma_wait3A_55 = arith.constant 0 : i32
      %dma_wait3A_56 = arith.constant 0 : i32
      %dma_wait3A_57 = tpu.memref_slice %arg3[%add3A, %dma_wait3A_55, %dma_wait3A_56] : memref<32x80x128xi32, #tpu.memory_space<hbm>> -> memref<1x80x128xi32, #tpu.memory_space<hbm>>
      %dma_wait3A_58 = tpu.memref_squeeze %dma_wait3A_57 : memref<1x80x128xi32, #tpu.memory_space<hbm>> -> memref<80x128xi32, #tpu.memory_space<hbm>>
      tpu.wait_dma2 semaphore(%run_scoped3A : memref<!tpu.dma_semaphore, #tpu.memory_space<semaphore_mem>>) src(%dma_wait3A_58 : memref<80x128xi32, #tpu.memory_space<hbm>>) dst(%arg7 : memref<80x128xi32, #tpu.memory_space<vmem>>)
      tpu.yield
    }) : () -> ()
    "tpu.region"() ({
      %run_scoped3A = tpu.sem_alloc : memref<!tpu.dma_semaphore, #tpu.memory_space<semaphore_mem>>
      %dma_start3A = arith.constant 0 : i32
      %dma_start3A_45 = arith.constant 0 : i32
      %dma_start3A_46 = tpu.memref_slice %arg4[%add3A, %dma_start3A, %dma_start3A_45] : memref<32x80x128xi32, #tpu.memory_space<hbm>> -> memref<1x80x128xi32, #tpu.memory_space<hbm>>
      %dma_start3A_47 = tpu.memref_squeeze %dma_start3A_46 : memref<1x80x128xi32, #tpu.memory_space<hbm>> -> memref<80x128xi32, #tpu.memory_space<hbm>>
      %dma_start3A_48 = arith.constant 0 : i32
      %dma_start3A_49 = arith.constant 0 : i32
      %dma_start3A_50 = tpu.memref_slice %arg4[%add3A, %dma_start3A_48, %dma_start3A_49] : memref<32x80x128xi32, #tpu.memory_space<hbm>> -> memref<1x80x128xi32, #tpu.memory_space<hbm>>
      %dma_start3A_51 = tpu.memref_squeeze %dma_start3A_50 : memref<1x80x128xi32, #tpu.memory_space<hbm>> -> memref<80x128xi32, #tpu.memory_space<hbm>>
      tpu.enqueue_dma source(%dma_start3A_51 : memref<80x128xi32, #tpu.memory_space<hbm>>) target(%arg8 : memref<80x128xi32, #tpu.memory_space<vmem>>) target_semaphore(%run_scoped3A : memref<!tpu.dma_semaphore, #tpu.memory_space<semaphore_mem>>)
      %dma_wait3A = arith.constant 0 : i32
      %dma_wait3A_52 = arith.constant 0 : i32
      %dma_wait3A_53 = tpu.memref_slice %arg4[%add3A, %dma_wait3A, %dma_wait3A_52] : memref<32x80x128xi32, #tpu.memory_space<hbm>> -> memref<1x80x128xi32, #tpu.memory_space<hbm>>
      %dma_wait3A_54 = tpu.memref_squeeze %dma_wait3A_53 : memref<1x80x128xi32, #tpu.memory_space<hbm>> -> memref<80x128xi32, #tpu.memory_space<hbm>>
      %dma_wait3A_55 = arith.constant 0 : i32
      %dma_wait3A_56 = arith.constant 0 : i32
      %dma_wait3A_57 = tpu.memref_slice %arg4[%add3A, %dma_wait3A_55, %dma_wait3A_56] : memref<32x80x128xi32, #tpu.memory_space<hbm>> -> memref<1x80x128xi32, #tpu.memory_space<hbm>>
      %dma_wait3A_58 = tpu.memref_squeeze %dma_wait3A_57 : memref<1x80x128xi32, #tpu.memory_space<hbm>> -> memref<80x128xi32, #tpu.memory_space<hbm>>
      tpu.wait_dma2 semaphore(%run_scoped3A : memref<!tpu.dma_semaphore, #tpu.memory_space<semaphore_mem>>) src(%dma_wait3A_58 : memref<80x128xi32, #tpu.memory_space<hbm>>) dst(%arg8 : memref<80x128xi32, #tpu.memory_space<vmem>>)
      tpu.yield
    }) : () -> ()
    "tpu.region"() ({
      %run_scoped3A = tpu.sem_alloc : memref<!tpu.dma_semaphore, #tpu.memory_space<semaphore_mem>>
      %dma_start3A = arith.constant 0 : i32
      %dma_start3A_45 = arith.constant 0 : i32
      %dma_start3A_46 = tpu.memref_slice %arg5[%add3A, %dma_start3A, %dma_start3A_45] : memref<32x80x128xf32, #tpu.memory_space<hbm>> -> memref<1x80x128xf32, #tpu.memory_space<hbm>>
      %dma_start3A_47 = tpu.memref_squeeze %dma_start3A_46 : memref<1x80x128xf32, #tpu.memory_space<hbm>> -> memref<80x128xf32, #tpu.memory_space<hbm>>
      %dma_start3A_48 = arith.constant 0 : i32
      %dma_start3A_49 = arith.constant 0 : i32
      %dma_start3A_50 = tpu.memref_slice %arg5[%add3A, %dma_start3A_48, %dma_start3A_49] : memref<32x80x128xf32, #tpu.memory_space<hbm>> -> memref<1x80x128xf32, #tpu.memory_space<hbm>>
      %dma_start3A_51 = tpu.memref_squeeze %dma_start3A_50 : memref<1x80x128xf32, #tpu.memory_space<hbm>> -> memref<80x128xf32, #tpu.memory_space<hbm>>
      tpu.enqueue_dma source(%dma_start3A_51 : memref<80x128xf32, #tpu.memory_space<hbm>>) target(%arg9 : memref<80x128xf32, #tpu.memory_space<vmem>>) target_semaphore(%run_scoped3A : memref<!tpu.dma_semaphore, #tpu.memory_space<semaphore_mem>>)
      %dma_wait3A = arith.constant 0 : i32
      %dma_wait3A_52 = arith.constant 0 : i32
      %dma_wait3A_53 = tpu.memref_slice %arg5[%add3A, %dma_wait3A, %dma_wait3A_52] : memref<32x80x128xf32, #tpu.memory_space<hbm>> -> memref<1x80x128xf32, #tpu.memory_space<hbm>>
      %dma_wait3A_54 = tpu.memref_squeeze %dma_wait3A_53 : memref<1x80x128xf32, #tpu.memory_space<hbm>> -> memref<80x128xf32, #tpu.memory_space<hbm>>
      %dma_wait3A_55 = arith.constant 0 : i32
      %dma_wait3A_56 = arith.constant 0 : i32
      %dma_wait3A_57 = tpu.memref_slice %arg5[%add3A, %dma_wait3A_55, %dma_wait3A_56] : memref<32x80x128xf32, #tpu.memory_space<hbm>> -> memref<1x80x128xf32, #tpu.memory_space<hbm>>
      %dma_wait3A_58 = tpu.memref_squeeze %dma_wait3A_57 : memref<1x80x128xf32, #tpu.memory_space<hbm>> -> memref<80x128xf32, #tpu.memory_space<hbm>>
      tpu.wait_dma2 semaphore(%run_scoped3A : memref<!tpu.dma_semaphore, #tpu.memory_space<semaphore_mem>>) src(%dma_wait3A_58 : memref<80x128xf32, #tpu.memory_space<hbm>>) dst(%arg9 : memref<80x128xf32, #tpu.memory_space<vmem>>)
      tpu.yield
    }) : () -> ()
    %scan3A = arith.constant 0 : i32
    %scan3A_1 = arith.constant 0 : i32
    %scan3A_2 = arith.constant 128 : i32
    %scan3A_3 = arith.addi %scan3A_1, %scan3A_2 : i32
    %scan3A_4 = arith.constant 1 : i32
    scf.for %scan3A_45 = %scan3A_1 to %scan3A_3 step %scan3A_4  : i32 {
      %broadcast_in_dim3A = arith.constant 0.000000e+00 : f32
      %broadcast_in_dim3A_46 = vector.broadcast %broadcast_in_dim3A : f32 to vector<16xf32>
      %swap3A = arith.index_cast %scan3A_45 : i32 to index
      %swap3A_47 = arith.constant 0 : index
      %swap3A_48 = tpu.vector_load %arg10[%swap3A, %swap3A_47] {strides = array<i32>} : memref<128x128xf32, #tpu.memory_space<vmem>>, vector<16xf32>,
      tpu.vector_store %arg10[%swap3A, %swap3A_47], %broadcast_in_dim3A_46 {strides = array<i32>} : memref<128x128xf32, #tpu.memory_space<vmem>>, vector<16xf32>,
      %broadcast_in_dim3A_49 = arith.constant 0.000000e+00 : f32
      %broadcast_in_dim3A_50 = vector.broadcast %broadcast_in_dim3A_49 : f32 to vector<16xf32>
      %swap3A_51 = arith.index_cast %scan3A_45 : i32 to index
      %swap3A_52 = arith.constant 16 : index
      %swap3A_53 = tpu.vector_load %arg10[%swap3A_51, %swap3A_52] {strides = array<i32>} : memref<128x128xf32, #tpu.memory_space<vmem>>, vector<16xf32>,
      tpu.vector_store %arg10[%swap3A_51, %swap3A_52], %broadcast_in_dim3A_50 {strides = array<i32>} : memref<128x128xf32, #tpu.memory_space<vmem>>, vector<16xf32>,
      %broadcast_in_dim3A_54 = arith.constant 0.000000e+00 : f32
      %broadcast_in_dim3A_55 = vector.broadcast %broadcast_in_dim3A_54 : f32 to vector<16xf32>
      %swap3A_56 = arith.index_cast %scan3A_45 : i32 to index
      %swap3A_57 = arith.constant 32 : index
      %swap3A_58 = tpu.vector_load %arg10[%swap3A_56, %swap3A_57] {strides = array<i32>} : memref<128x128xf32, #tpu.memory_space<vmem>>, vector<16xf32>,
      tpu.vector_store %arg10[%swap3A_56, %swap3A_57], %broadcast_in_dim3A_55 {strides = array<i32>} : memref<128x128xf32, #tpu.memory_space<vmem>>, vector<16xf32>,
      %broadcast_in_dim3A_59 = arith.constant 0.000000e+00 : f32
      %broadcast_in_dim3A_60 = vector.broadcast %broadcast_in_dim3A_59 : f32 to vector<16xf32>
      %swap3A_61 = arith.index_cast %scan3A_45 : i32 to index
      %swap3A_62 = arith.constant 48 : index
      %swap3A_63 = tpu.vector_load %arg10[%swap3A_61, %swap3A_62] {strides = array<i32>} : memref<128x128xf32, #tpu.memory_space<vmem>>, vector<16xf32>,
      tpu.vector_store %arg10[%swap3A_61, %swap3A_62], %broadcast_in_dim3A_60 {strides = array<i32>} : memref<128x128xf32, #tpu.memory_space<vmem>>, vector<16xf32>,
      %broadcast_in_dim3A_64 = arith.constant 0.000000e+00 : f32
      %broadcast_in_dim3A_65 = vector.broadcast %broadcast_in_dim3A_64 : f32 to vector<16xf32>
      %swap3A_66 = arith.index_cast %scan3A_45 : i32 to index
      %swap3A_67 = arith.constant 64 : index
      %swap3A_68 = tpu.vector_load %arg10[%swap3A_66, %swap3A_67] {strides = array<i32>} : memref<128x128xf32, #tpu.memory_space<vmem>>, vector<16xf32>,
      tpu.vector_store %arg10[%swap3A_66, %swap3A_67], %broadcast_in_dim3A_65 {strides = array<i32>} : memref<128x128xf32, #tpu.memory_space<vmem>>, vector<16xf32>,
      %broadcast_in_dim3A_69 = arith.constant 0.000000e+00 : f32
      %broadcast_in_dim3A_70 = vector.broadcast %broadcast_in_dim3A_69 : f32 to vector<16xf32>
      %swap3A_71 = arith.index_cast %scan3A_45 : i32 to index
      %swap3A_72 = arith.constant 80 : index
      %swap3A_73 = tpu.vector_load %arg10[%swap3A_71, %swap3A_72] {strides = array<i32>} : memref<128x128xf32, #tpu.memory_space<vmem>>, vector<16xf32>,
      tpu.vector_store %arg10[%swap3A_71, %swap3A_72], %broadcast_in_dim3A_70 {strides = array<i32>} : memref<128x128xf32, #tpu.memory_space<vmem>>, vector<16xf32>,
      %broadcast_in_dim3A_74 = arith.constant 0.000000e+00 : f32
      %broadcast_in_dim3A_75 = vector.broadcast %broadcast_in_dim3A_74 : f32 to vector<16xf32>
      %swap3A_76 = arith.index_cast %scan3A_45 : i32 to index
      %swap3A_77 = arith.constant 96 : index
      %swap3A_78 = tpu.vector_load %arg10[%swap3A_76, %swap3A_77] {strides = array<i32>} : memref<128x128xf32, #tpu.memory_space<vmem>>, vector<16xf32>,
      tpu.vector_store %arg10[%swap3A_76, %swap3A_77], %broadcast_in_dim3A_75 {strides = array<i32>} : memref<128x128xf32, #tpu.memory_space<vmem>>, vector<16xf32>,
      %broadcast_in_dim3A_79 = arith.constant 0.000000e+00 : f32
      %broadcast_in_dim3A_80 = vector.broadcast %broadcast_in_dim3A_79 : f32 to vector<16xf32>
      %swap3A_81 = arith.index_cast %scan3A_45 : i32 to index
      %swap3A_82 = arith.constant 112 : index
      %swap3A_83 = tpu.vector_load %arg10[%swap3A_81, %swap3A_82] {strides = array<i32>} : memref<128x128xf32, #tpu.memory_space<vmem>>, vector<16xf32>,
      tpu.vector_store %arg10[%swap3A_81, %swap3A_82], %broadcast_in_dim3A_80 {strides = array<i32>} : memref<128x128xf32, #tpu.memory_space<vmem>>, vector<16xf32>,
    }
    %scan3A_5 = arith.constant 128 : i32
    %mul3A_6 = arith.constant 640 : i32
    %mul3A_7 = arith.muli %arg1, %mul3A_6 : i32
    %add3A_8 = arith.constant 0 : i32
    %add3A_9 = arith.addi %mul3A_7, %add3A_8 : i32
    "tpu.region"() ({
      %run_scoped3A = tpu.sem_alloc : memref<!tpu.dma_semaphore, #tpu.memory_space<semaphore_mem>>
      %dma_start3A = arith.constant 0 : i32
      %dma_start3A_45 = tpu.memref_slice %arg11[%add3A_9, %dma_start3A] : memref<10240x128xf32, #tpu.memory_space<vmem_shared>> -> memref<128x128xf32, #tpu.memory_space<vmem_shared>>
      %dma_start3A_46 = arith.constant 0 : i32
      %dma_start3A_47 = tpu.memref_slice %arg11[%add3A_9, %dma_start3A_46] : memref<10240x128xf32, #tpu.memory_space<vmem_shared>> -> memref<128x128xf32, #tpu.memory_space<vmem_shared>>
      tpu.enqueue_dma source(%arg10 : memref<128x128xf32, #tpu.memory_space<vmem>>) target(%dma_start3A_47 : memref<128x128xf32, #tpu.memory_space<vmem_shared>>) target_semaphore(%run_scoped3A : memref<!tpu.dma_semaphore, #tpu.memory_space<semaphore_mem>>)
      %dma_wait3A = arith.constant 0 : i32
      %dma_wait3A_48 = tpu.memref_slice %arg11[%add3A_9, %dma_wait3A] : memref<10240x128xf32, #tpu.memory_space<vmem_shared>> -> memref<128x128xf32, #tpu.memory_space<vmem_shared>>
      %dma_wait3A_49 = arith.constant 0 : i32
      %dma_wait3A_50 = tpu.memref_slice %arg11[%add3A_9, %dma_wait3A_49] : memref<10240x128xf32, #tpu.memory_space<vmem_shared>> -> memref<128x128xf32, #tpu.memory_space<vmem_shared>>
      tpu.wait_dma2 semaphore(%run_scoped3A : memref<!tpu.dma_semaphore, #tpu.memory_space<semaphore_mem>>) src(%arg10 : memref<128x128xf32, #tpu.memory_space<vmem>>) dst(%dma_wait3A_50 : memref<128x128xf32, #tpu.memory_space<vmem_shared>>)
      tpu.yield
    }) : () -> ()
    %add3A_10 = arith.constant 128 : i32
    %add3A_11 = arith.addi %mul3A_7, %add3A_10 : i32
    "tpu.region"() ({
      %run_scoped3A = tpu.sem_alloc : memref<!tpu.dma_semaphore, #tpu.memory_space<semaphore_mem>>
      %dma_start3A = arith.constant 0 : i32
      %dma_start3A_45 = tpu.memref_slice %arg11[%add3A_11, %dma_start3A] : memref<10240x128xf32, #tpu.memory_space<vmem_shared>> -> memref<128x128xf32, #tpu.memory_space<vmem_shared>>
      %dma_start3A_46 = arith.constant 0 : i32
      %dma_start3A_47 = tpu.memref_slice %arg11[%add3A_11, %dma_start3A_46] : memref<10240x128xf32, #tpu.memory_space<vmem_shared>> -> memref<128x128xf32, #tpu.memory_space<vmem_shared>>
      tpu.enqueue_dma source(%arg10 : memref<128x128xf32, #tpu.memory_space<vmem>>) target(%dma_start3A_47 : memref<128x128xf32, #tpu.memory_space<vmem_shared>>) target_semaphore(%run_scoped3A : memref<!tpu.dma_semaphore, #tpu.memory_space<semaphore_mem>>)
      %dma_wait3A = arith.constant 0 : i32
      %dma_wait3A_48 = tpu.memref_slice %arg11[%add3A_11, %dma_wait3A] : memref<10240x128xf32, #tpu.memory_space<vmem_shared>> -> memref<128x128xf32, #tpu.memory_space<vmem_shared>>
      %dma_wait3A_49 = arith.constant 0 : i32
      %dma_wait3A_50 = tpu.memref_slice %arg11[%add3A_11, %dma_wait3A_49] : memref<10240x128xf32, #tpu.memory_space<vmem_shared>> -> memref<128x128xf32, #tpu.memory_space<vmem_shared>>
      tpu.wait_dma2 semaphore(%run_scoped3A : memref<!tpu.dma_semaphore, #tpu.memory_space<semaphore_mem>>) src(%arg10 : memref<128x128xf32, #tpu.memory_space<vmem>>) dst(%dma_wait3A_50 : memref<128x128xf32, #tpu.memory_space<vmem_shared>>)
      tpu.yield
    }) : () -> ()
    %add3A_12 = arith.constant 256 : i32
    %add3A_13 = arith.addi %mul3A_7, %add3A_12 : i32
    "tpu.region"() ({
      %run_scoped3A = tpu.sem_alloc : memref<!tpu.dma_semaphore, #tpu.memory_space<semaphore_mem>>
      %dma_start3A = arith.constant 0 : i32
      %dma_start3A_45 = tpu.memref_slice %arg11[%add3A_13, %dma_start3A] : memref<10240x128xf32, #tpu.memory_space<vmem_shared>> -> memref<128x128xf32, #tpu.memory_space<vmem_shared>>
      %dma_start3A_46 = arith.constant 0 : i32
      %dma_start3A_47 = tpu.memref_slice %arg11[%add3A_13, %dma_start3A_46] : memref<10240x128xf32, #tpu.memory_space<vmem_shared>> -> memref<128x128xf32, #tpu.memory_space<vmem_shared>>
      tpu.enqueue_dma source(%arg10 : memref<128x128xf32, #tpu.memory_space<vmem>>) target(%dma_start3A_47 : memref<128x128xf32, #tpu.memory_space<vmem_shared>>) target_semaphore(%run_scoped3A : memref<!tpu.dma_semaphore, #tpu.memory_space<semaphore_mem>>)
      %dma_wait3A = arith.constant 0 : i32
      %dma_wait3A_48 = tpu.memref_slice %arg11[%add3A_13, %dma_wait3A] : memref<10240x128xf32, #tpu.memory_space<vmem_shared>> -> memref<128x128xf32, #tpu.memory_space<vmem_shared>>
      %dma_wait3A_49 = arith.constant 0 : i32
      %dma_wait3A_50 = tpu.memref_slice %arg11[%add3A_13, %dma_wait3A_49] : memref<10240x128xf32, #tpu.memory_space<vmem_shared>> -> memref<128x128xf32, #tpu.memory_space<vmem_shared>>
      tpu.wait_dma2 semaphore(%run_scoped3A : memref<!tpu.dma_semaphore, #tpu.memory_space<semaphore_mem>>) src(%arg10 : memref<128x128xf32, #tpu.memory_space<vmem>>) dst(%dma_wait3A_50 : memref<128x128xf32, #tpu.memory_space<vmem_shared>>)
      tpu.yield
    }) : () -> ()
    %add3A_14 = arith.constant 384 : i32
    %add3A_15 = arith.addi %mul3A_7, %add3A_14 : i32
    "tpu.region"() ({
      %run_scoped3A = tpu.sem_alloc : memref<!tpu.dma_semaphore, #tpu.memory_space<semaphore_mem>>
      %dma_start3A = arith.constant 0 : i32
      %dma_start3A_45 = tpu.memref_slice %arg11[%add3A_15, %dma_start3A] : memref<10240x128xf32, #tpu.memory_space<vmem_shared>> -> memref<128x128xf32, #tpu.memory_space<vmem_shared>>
      %dma_start3A_46 = arith.constant 0 : i32
      %dma_start3A_47 = tpu.memref_slice %arg11[%add3A_15, %dma_start3A_46] : memref<10240x128xf32, #tpu.memory_space<vmem_shared>> -> memref<128x128xf32, #tpu.memory_space<vmem_shared>>
      tpu.enqueue_dma source(%arg10 : memref<128x128xf32, #tpu.memory_space<vmem>>) target(%dma_start3A_47 : memref<128x128xf32, #tpu.memory_space<vmem_shared>>) target_semaphore(%run_scoped3A : memref<!tpu.dma_semaphore, #tpu.memory_space<semaphore_mem>>)
      %dma_wait3A = arith.constant 0 : i32
      %dma_wait3A_48 = tpu.memref_slice %arg11[%add3A_15, %dma_wait3A] : memref<10240x128xf32, #tpu.memory_space<vmem_shared>> -> memref<128x128xf32, #tpu.memory_space<vmem_shared>>
      %dma_wait3A_49 = arith.constant 0 : i32
      %dma_wait3A_50 = tpu.memref_slice %arg11[%add3A_15, %dma_wait3A_49] : memref<10240x128xf32, #tpu.memory_space<vmem_shared>> -> memref<128x128xf32, #tpu.memory_space<vmem_shared>>
      tpu.wait_dma2 semaphore(%run_scoped3A : memref<!tpu.dma_semaphore, #tpu.memory_space<semaphore_mem>>) src(%arg10 : memref<128x128xf32, #tpu.memory_space<vmem>>) dst(%dma_wait3A_50 : memref<128x128xf32, #tpu.memory_space<vmem_shared>>)
      tpu.yield
    }) : () -> ()
    %add3A_16 = arith.constant 512 : i32
    %add3A_17 = arith.addi %mul3A_7, %add3A_16 : i32
    "tpu.region"() ({
      %run_scoped3A = tpu.sem_alloc : memref<!tpu.dma_semaphore, #tpu.memory_space<semaphore_mem>>
      %dma_start3A = arith.constant 0 : i32
      %dma_start3A_45 = tpu.memref_slice %arg11[%add3A_17, %dma_start3A] : memref<10240x128xf32, #tpu.memory_space<vmem_shared>> -> memref<128x128xf32, #tpu.memory_space<vmem_shared>>
      %dma_start3A_46 = arith.constant 0 : i32
      %dma_start3A_47 = tpu.memref_slice %arg11[%add3A_17, %dma_start3A_46] : memref<10240x128xf32, #tpu.memory_space<vmem_shared>> -> memref<128x128xf32, #tpu.memory_space<vmem_shared>>
      tpu.enqueue_dma source(%arg10 : memref<128x128xf32, #tpu.memory_space<vmem>>) target(%dma_start3A_47 : memref<128x128xf32, #tpu.memory_space<vmem_shared>>) target_semaphore(%run_scoped3A : memref<!tpu.dma_semaphore, #tpu.memory_space<semaphore_mem>>)
      %dma_wait3A = arith.constant 0 : i32
      %dma_wait3A_48 = tpu.memref_slice %arg11[%add3A_17, %dma_wait3A] : memref<10240x128xf32, #tpu.memory_space<vmem_shared>> -> memref<128x128xf32, #tpu.memory_space<vmem_shared>>
      %dma_wait3A_49 = arith.constant 0 : i32
      %dma_wait3A_50 = tpu.memref_slice %arg11[%add3A_17, %dma_wait3A_49] : memref<10240x128xf32, #tpu.memory_space<vmem_shared>> -> memref<128x128xf32, #tpu.memory_space<vmem_shared>>
      tpu.wait_dma2 semaphore(%run_scoped3A : memref<!tpu.dma_semaphore, #tpu.memory_space<semaphore_mem>>) src(%arg10 : memref<128x128xf32, #tpu.memory_space<vmem>>) dst(%dma_wait3A_50 : memref<128x128xf32, #tpu.memory_space<vmem_shared>>)
      tpu.yield
    }) : () -> ()
    %barrier3A = arith.constant 0 : index
    tpu.barrier barrier_id(%barrier3A)
    %scan3A_18 = arith.constant 0 : i32
    %scan3A_19 = arith.constant 0 : i32
    %scan3A_20 = arith.constant 80 : i32
    %scan3A_21 = arith.addi %scan3A_19, %scan3A_20 : i32
    %scan3A_22 = arith.constant 1 : i32
    scf.for %scan3A_45 = %scan3A_19 to %scan3A_21 step %scan3A_22  : i32 {
      %dma_start3A = arith.constant 0 : i32
      %dma_start3A_46 = tpu.memref_slice %arg7[%scan3A_45, %dma_start3A] : memref<80x128xi32, #tpu.memory_space<vmem>> -> memref<1x128xi32, #tpu.memory_space<vmem>>
      %dma_start3A_47 = tpu.memref_squeeze %dma_start3A_46 : memref<1x128xi32, #tpu.memory_space<vmem>> -> memref<128xi32, #tpu.memory_space<vmem>>
      %dma_start3A_48 = arith.constant 0 : i32
      %dma_start3A_49 = arith.constant 0 : i32
      %dma_start3A_50 = tpu.memref_slice %arg2[%dma_start3A_48, %dma_start3A_49] : memref<10000x128xf32, #tpu.memory_space<hbm>> -> memref<10000x128xf32, #tpu.memory_space<hbm>>
      tpu.enqueue_indirect_dma source(%dma_start3A_50 : memref<10000x128xf32, #tpu.memory_space<hbm>>) target(%arg10 : memref<128x128xf32, #tpu.memory_space<vmem>>) offsets(%dma_start3A_47 : memref<128xi32, #tpu.memory_space<vmem>>) semaphore(%arg12 : memref<!tpu.dma_semaphore, #tpu.memory_space<semaphore_mem>>)
      %dma_wait3A = arith.constant 0 : i32
      %dma_wait3A_51 = tpu.memref_slice %arg7[%scan3A_45, %dma_wait3A] : memref<80x128xi32, #tpu.memory_space<vmem>> -> memref<1x128xi32, #tpu.memory_space<vmem>>
      %dma_wait3A_52 = tpu.memref_squeeze %dma_wait3A_51 : memref<1x128xi32, #tpu.memory_space<vmem>> -> memref<128xi32, #tpu.memory_space<vmem>>
      %dma_wait3A_53 = arith.constant 0 : i32
      %dma_wait3A_54 = arith.constant 0 : i32
      %dma_wait3A_55 = tpu.memref_slice %arg2[%dma_wait3A_53, %dma_wait3A_54] : memref<10000x128xf32, #tpu.memory_space<hbm>> -> memref<10000x128xf32, #tpu.memory_space<hbm>>
      tpu.wait_indirect_dma semaphore(%arg12 : memref<!tpu.dma_semaphore, #tpu.memory_space<semaphore_mem>>) src(%dma_wait3A_55 : memref<10000x128xf32, #tpu.memory_space<hbm>>) dst(%arg10 : memref<128x128xf32, #tpu.memory_space<vmem>>)
      %parallel_loop3A = arith.constant 0 : i32
      %parallel_loop3A_56 = arith.constant 128 : i32
      %parallel_loop3A_57 = arith.constant 1 : i32
      scf.for %parallel_loop3A_58 = %parallel_loop3A to %parallel_loop3A_56 step %parallel_loop3A_57  : i32 {
        %parallel_loop3A_59 = vector.broadcast %scan3A_45 : i32 to vector<16xi32>
        %parallel_loop3A_60 = vector.broadcast %parallel_loop3A_58 : i32 to vector<16xi32>
        %parallel_loop3A_61 = tpu.vector_load_idx %arg9[%parallel_loop3A_59, %parallel_loop3A_60] : memref<80x128xf32, #tpu.memory_space<vmem>>[vector<16xi32>, vector<16xi32>], vector<16xf32>,
        %parallel_loop3A_62 = arith.index_cast %parallel_loop3A_58 : i32 to index
        %parallel_loop3A_63 = arith.constant 0 : index
        %parallel_loop3A_64 = tpu.vector_load %arg10[%parallel_loop3A_62, %parallel_loop3A_63] {strides = array<i32>} : memref<128x128xf32, #tpu.memory_space<vmem>>, vector<16xf32>,
        %parallel_loop3A_65 = arith.mulf %parallel_loop3A_64, %parallel_loop3A_61 : vector<16xf32>
        %parallel_loop3A_66 = arith.index_cast %parallel_loop3A_58 : i32 to index
        %parallel_loop3A_67 = arith.constant 0 : index
        %parallel_loop3A_68 = tpu.vector_load %arg10[%parallel_loop3A_66, %parallel_loop3A_67] {strides = array<i32>} : memref<128x128xf32, #tpu.memory_space<vmem>>, vector<16xf32>,
        tpu.vector_store %arg10[%parallel_loop3A_66, %parallel_loop3A_67], %parallel_loop3A_65 {strides = array<i32>} : memref<128x128xf32, #tpu.memory_space<vmem>>, vector<16xf32>,
        %parallel_loop3A_69 = arith.index_cast %parallel_loop3A_58 : i32 to index
        %parallel_loop3A_70 = arith.constant 16 : index
        %parallel_loop3A_71 = tpu.vector_load %arg10[%parallel_loop3A_69, %parallel_loop3A_70] {strides = array<i32>} : memref<128x128xf32, #tpu.memory_space<vmem>>, vector<16xf32>,
        %parallel_loop3A_72 = arith.mulf %parallel_loop3A_71, %parallel_loop3A_61 : vector<16xf32>
        %parallel_loop3A_73 = arith.index_cast %parallel_loop3A_58 : i32 to index
        %parallel_loop3A_74 = arith.constant 16 : index
        %parallel_loop3A_75 = tpu.vector_load %arg10[%parallel_loop3A_73, %parallel_loop3A_74] {strides = array<i32>} : memref<128x128xf32, #tpu.memory_space<vmem>>, vector<16xf32>,
        tpu.vector_store %arg10[%parallel_loop3A_73, %parallel_loop3A_74], %parallel_loop3A_72 {strides = array<i32>} : memref<128x128xf32, #tpu.memory_space<vmem>>, vector<16xf32>,
        %parallel_loop3A_76 = arith.index_cast %parallel_loop3A_58 : i32 to index
        %parallel_loop3A_77 = arith.constant 32 : index
        %parallel_loop3A_78 = tpu.vector_load %arg10[%parallel_loop3A_76, %parallel_loop3A_77] {strides = array<i32>} : memref<128x128xf32, #tpu.memory_space<vmem>>, vector<16xf32>,
        %parallel_loop3A_79 = arith.mulf %parallel_loop3A_78, %parallel_loop3A_61 : vector<16xf32>
        %parallel_loop3A_80 = arith.index_cast %parallel_loop3A_58 : i32 to index
        %parallel_loop3A_81 = arith.constant 32 : index
        %parallel_loop3A_82 = tpu.vector_load %arg10[%parallel_loop3A_80, %parallel_loop3A_81] {strides = array<i32>} : memref<128x128xf32, #tpu.memory_space<vmem>>, vector<16xf32>,
        tpu.vector_store %arg10[%parallel_loop3A_80, %parallel_loop3A_81], %parallel_loop3A_79 {strides = array<i32>} : memref<128x128xf32, #tpu.memory_space<vmem>>, vector<16xf32>,
        %parallel_loop3A_83 = arith.index_cast %parallel_loop3A_58 : i32 to index
        %parallel_loop3A_84 = arith.constant 48 : index
        %parallel_loop3A_85 = tpu.vector_load %arg10[%parallel_loop3A_83, %parallel_loop3A_84] {strides = array<i32>} : memref<128x128xf32, #tpu.memory_space<vmem>>, vector<16xf32>,
        %parallel_loop3A_86 = arith.mulf %parallel_loop3A_85, %parallel_loop3A_61 : vector<16xf32>
        %parallel_loop3A_87 = arith.index_cast %parallel_loop3A_58 : i32 to index
        %parallel_loop3A_88 = arith.constant 48 : index
        %parallel_loop3A_89 = tpu.vector_load %arg10[%parallel_loop3A_87, %parallel_loop3A_88] {strides = array<i32>} : memref<128x128xf32, #tpu.memory_space<vmem>>, vector<16xf32>,
        tpu.vector_store %arg10[%parallel_loop3A_87, %parallel_loop3A_88], %parallel_loop3A_86 {strides = array<i32>} : memref<128x128xf32, #tpu.memory_space<vmem>>, vector<16xf32>,
        %parallel_loop3A_90 = arith.index_cast %parallel_loop3A_58 : i32 to index
        %parallel_loop3A_91 = arith.constant 64 : index
        %parallel_loop3A_92 = tpu.vector_load %arg10[%parallel_loop3A_90, %parallel_loop3A_91] {strides = array<i32>} : memref<128x128xf32, #tpu.memory_space<vmem>>, vector<16xf32>,
        %parallel_loop3A_93 = arith.mulf %parallel_loop3A_92, %parallel_loop3A_61 : vector<16xf32>
        %parallel_loop3A_94 = arith.index_cast %parallel_loop3A_58 : i32 to index
        %parallel_loop3A_95 = arith.constant 64 : index
        %parallel_loop3A_96 = tpu.vector_load %arg10[%parallel_loop3A_94, %parallel_loop3A_95] {strides = array<i32>} : memref<128x128xf32, #tpu.memory_space<vmem>>, vector<16xf32>,
        tpu.vector_store %arg10[%parallel_loop3A_94, %parallel_loop3A_95], %parallel_loop3A_93 {strides = array<i32>} : memref<128x128xf32, #tpu.memory_space<vmem>>, vector<16xf32>,
        %parallel_loop3A_97 = arith.index_cast %parallel_loop3A_58 : i32 to index
        %parallel_loop3A_98 = arith.constant 80 : index
        %parallel_loop3A_99 = tpu.vector_load %arg10[%parallel_loop3A_97, %parallel_loop3A_98] {strides = array<i32>} : memref<128x128xf32, #tpu.memory_space<vmem>>, vector<16xf32>,
        %parallel_loop3A_100 = arith.mulf %parallel_loop3A_99, %parallel_loop3A_61 : vector<16xf32>
        %parallel_loop3A_101 = arith.index_cast %parallel_loop3A_58 : i32 to index
        %parallel_loop3A_102 = arith.constant 80 : index
        %parallel_loop3A_103 = tpu.vector_load %arg10[%parallel_loop3A_101, %parallel_loop3A_102] {strides = array<i32>} : memref<128x128xf32, #tpu.memory_space<vmem>>, vector<16xf32>,
        tpu.vector_store %arg10[%parallel_loop3A_101, %parallel_loop3A_102], %parallel_loop3A_100 {strides = array<i32>} : memref<128x128xf32, #tpu.memory_space<vmem>>, vector<16xf32>,
        %parallel_loop3A_104 = arith.index_cast %parallel_loop3A_58 : i32 to index
        %parallel_loop3A_105 = arith.constant 96 : index
        %parallel_loop3A_106 = tpu.vector_load %arg10[%parallel_loop3A_104, %parallel_loop3A_105] {strides = array<i32>} : memref<128x128xf32, #tpu.memory_space<vmem>>, vector<16xf32>,
        %parallel_loop3A_107 = arith.mulf %parallel_loop3A_106, %parallel_loop3A_61 : vector<16xf32>
        %parallel_loop3A_108 = arith.index_cast %parallel_loop3A_58 : i32 to index
        %parallel_loop3A_109 = arith.constant 96 : index
        %parallel_loop3A_110 = tpu.vector_load %arg10[%parallel_loop3A_108, %parallel_loop3A_109] {strides = array<i32>} : memref<128x128xf32, #tpu.memory_space<vmem>>, vector<16xf32>,
        tpu.vector_store %arg10[%parallel_loop3A_108, %parallel_loop3A_109], %parallel_loop3A_107 {strides = array<i32>} : memref<128x128xf32, #tpu.memory_space<vmem>>, vector<16xf32>,
        %parallel_loop3A_111 = arith.index_cast %parallel_loop3A_58 : i32 to index
        %parallel_loop3A_112 = arith.constant 112 : index
        %parallel_loop3A_113 = tpu.vector_load %arg10[%parallel_loop3A_111, %parallel_loop3A_112] {strides = array<i32>} : memref<128x128xf32, #tpu.memory_space<vmem>>, vector<16xf32>,
        %parallel_loop3A_114 = arith.mulf %parallel_loop3A_113, %parallel_loop3A_61 : vector<16xf32>
        %parallel_loop3A_115 = arith.index_cast %parallel_loop3A_58 : i32 to index
        %parallel_loop3A_116 = arith.constant 112 : index
        %parallel_loop3A_117 = tpu.vector_load %arg10[%parallel_loop3A_115, %parallel_loop3A_116] {strides = array<i32>} : memref<128x128xf32, #tpu.memory_space<vmem>>, vector<16xf32>,
        tpu.vector_store %arg10[%parallel_loop3A_115, %parallel_loop3A_116], %parallel_loop3A_114 {strides = array<i32>} : memref<128x128xf32, #tpu.memory_space<vmem>>, vector<16xf32>,
      } {sc.loop_unroll_factor = 8 : i64, sc.parallel_access}
      "tpu.region"() ({
        %run_scoped3A = tpu.sem_alloc : memref<!tpu.dma_semaphore, #tpu.memory_space<semaphore_mem>>
        %dma_start3A_58 = arith.constant 0 : i32
        %dma_start3A_59 = tpu.memref_slice %arg8[%scan3A_45, %dma_start3A_58] : memref<80x128xi32, #tpu.memory_space<vmem>> -> memref<1x128xi32, #tpu.memory_space<vmem>>
        %dma_start3A_60 = tpu.memref_squeeze %dma_start3A_59 : memref<1x128xi32, #tpu.memory_space<vmem>> -> memref<128xi32, #tpu.memory_space<vmem>>
        %dma_start3A_61 = arith.constant 0 : i32
        %dma_start3A_62 = arith.constant 0 : i32
        %dma_start3A_63 = tpu.memref_slice %arg11[%dma_start3A_61, %dma_start3A_62] : memref<10240x128xf32, #tpu.memory_space<vmem_shared>> -> memref<10240x128xf32, #tpu.memory_space<vmem_shared>>
        tpu.enqueue_indirect_dma source(%arg10 : memref<128x128xf32, #tpu.memory_space<vmem>>) target(%dma_start3A_63 : memref<10240x128xf32, #tpu.memory_space<vmem_shared>>) offsets(%dma_start3A_60 : memref<128xi32, #tpu.memory_space<vmem>>) semaphore(%run_scoped3A : memref<!tpu.dma_semaphore, #tpu.memory_space<semaphore_mem>>) {add = true}
        %dma_wait3A_64 = arith.constant 0 : i32
        %dma_wait3A_65 = tpu.memref_slice %arg8[%scan3A_45, %dma_wait3A_64] : memref<80x128xi32, #tpu.memory_space<vmem>> -> memref<1x128xi32, #tpu.memory_space<vmem>>
        %dma_wait3A_66 = tpu.memref_squeeze %dma_wait3A_65 : memref<1x128xi32, #tpu.memory_space<vmem>> -> memref<128xi32, #tpu.memory_space<vmem>>
        %dma_wait3A_67 = arith.constant 0 : i32
        %dma_wait3A_68 = arith.constant 0 : i32
        %dma_wait3A_69 = tpu.memref_slice %arg11[%dma_wait3A_67, %dma_wait3A_68] : memref<10240x128xf32, #tpu.memory_space<vmem_shared>> -> memref<10240x128xf32, #tpu.memory_space<vmem_shared>>
        tpu.wait_indirect_dma semaphore(%run_scoped3A : memref<!tpu.dma_semaphore, #tpu.memory_space<semaphore_mem>>) src(%arg10 : memref<128x128xf32, #tpu.memory_space<vmem>>) dst(%dma_wait3A_69 : memref<10240x128xf32, #tpu.memory_space<vmem_shared>>)
        tpu.yield
      }) : () -> ()
    }
    %scan3A_23 = arith.constant 80 : i32
    %barrier3A_24 = arith.constant 0 : index
    tpu.barrier barrier_id(%barrier3A_24)
    %add3A_25 = arith.constant 0 : i32
    %add3A_26 = arith.addi %mul3A_7, %add3A_25 : i32
    %add3A_27 = arith.constant 0 : i32
    %add3A_28 = arith.addi %mul3A_7, %add3A_27 : i32
    "tpu.region"() ({
      %run_scoped3A = tpu.sem_alloc : memref<!tpu.dma_semaphore, #tpu.memory_space<semaphore_mem>>
      %dma_start3A = arith.constant 0 : i32
      %dma_start3A_45 = tpu.memref_slice %arg6[%arg0, %add3A_28, %dma_start3A] : memref<2x10240x128xf32, #tpu.memory_space<hbm>> -> memref<1x128x128xf32, #tpu.memory_space<hbm>>
      %dma_start3A_46 = tpu.memref_squeeze %dma_start3A_45 : memref<1x128x128xf32, #tpu.memory_space<hbm>> -> memref<128x128xf32, #tpu.memory_space<hbm>>
      %dma_start3A_47 = arith.constant 0 : i32
      %dma_start3A_48 = tpu.memref_slice %arg11[%add3A_26, %dma_start3A_47] : memref<10240x128xf32, #tpu.memory_space<vmem_shared>> -> memref<128x128xf32, #tpu.memory_space<vmem_shared>>
      tpu.enqueue_dma source(%dma_start3A_48 : memref<128x128xf32, #tpu.memory_space<vmem_shared>>) target(%dma_start3A_46 : memref<128x128xf32, #tpu.memory_space<hbm>>) target_semaphore(%run_scoped3A : memref<!tpu.dma_semaphore, #tpu.memory_space<semaphore_mem>>)
      %dma_wait3A = arith.constant 0 : i32
      %dma_wait3A_49 = tpu.memref_slice %arg6[%arg0, %add3A_28, %dma_wait3A] : memref<2x10240x128xf32, #tpu.memory_space<hbm>> -> memref<1x128x128xf32, #tpu.memory_space<hbm>>
      %dma_wait3A_50 = tpu.memref_squeeze %dma_wait3A_49 : memref<1x128x128xf32, #tpu.memory_space<hbm>> -> memref<128x128xf32, #tpu.memory_space<hbm>>
      %dma_wait3A_51 = arith.constant 0 : i32
      %dma_wait3A_52 = tpu.memref_slice %arg11[%add3A_26, %dma_wait3A_51] : memref<10240x128xf32, #tpu.memory_space<vmem_shared>> -> memref<128x128xf32, #tpu.memory_space<vmem_shared>>
      tpu.wait_dma2 semaphore(%run_scoped3A : memref<!tpu.dma_semaphore, #tpu.memory_space<semaphore_mem>>) src(%dma_wait3A_52 : memref<128x128xf32, #tpu.memory_space<vmem_shared>>) dst(%dma_wait3A_50 : memref<128x128xf32, #tpu.memory_space<hbm>>)
      tpu.yield
    }) : () -> ()
    %add3A_29 = arith.constant 128 : i32
    %add3A_30 = arith.addi %mul3A_7, %add3A_29 : i32
    %add3A_31 = arith.constant 128 : i32
    %add3A_32 = arith.addi %mul3A_7, %add3A_31 : i32
    "tpu.region"() ({
      %run_scoped3A = tpu.sem_alloc : memref<!tpu.dma_semaphore, #tpu.memory_space<semaphore_mem>>
      %dma_start3A = arith.constant 0 : i32
      %dma_start3A_45 = tpu.memref_slice %arg6[%arg0, %add3A_32, %dma_start3A] : memref<2x10240x128xf32, #tpu.memory_space<hbm>> -> memref<1x128x128xf32, #tpu.memory_space<hbm>>
      %dma_start3A_46 = tpu.memref_squeeze %dma_start3A_45 : memref<1x128x128xf32, #tpu.memory_space<hbm>> -> memref<128x128xf32, #tpu.memory_space<hbm>>
      %dma_start3A_47 = arith.constant 0 : i32
      %dma_start3A_48 = tpu.memref_slice %arg11[%add3A_30, %dma_start3A_47] : memref<10240x128xf32, #tpu.memory_space<vmem_shared>> -> memref<128x128xf32, #tpu.memory_space<vmem_shared>>
      tpu.enqueue_dma source(%dma_start3A_48 : memref<128x128xf32, #tpu.memory_space<vmem_shared>>) target(%dma_start3A_46 : memref<128x128xf32, #tpu.memory_space<hbm>>) target_semaphore(%run_scoped3A : memref<!tpu.dma_semaphore, #tpu.memory_space<semaphore_mem>>)
      %dma_wait3A = arith.constant 0 : i32
      %dma_wait3A_49 = tpu.memref_slice %arg6[%arg0, %add3A_32, %dma_wait3A] : memref<2x10240x128xf32, #tpu.memory_space<hbm>> -> memref<1x128x128xf32, #tpu.memory_space<hbm>>
      %dma_wait3A_50 = tpu.memref_squeeze %dma_wait3A_49 : memref<1x128x128xf32, #tpu.memory_space<hbm>> -> memref<128x128xf32, #tpu.memory_space<hbm>>
      %dma_wait3A_51 = arith.constant 0 : i32
      %dma_wait3A_52 = tpu.memref_slice %arg11[%add3A_30, %dma_wait3A_51] : memref<10240x128xf32, #tpu.memory_space<vmem_shared>> -> memref<128x128xf32, #tpu.memory_space<vmem_shared>>
      tpu.wait_dma2 semaphore(%run_scoped3A : memref<!tpu.dma_semaphore, #tpu.memory_space<semaphore_mem>>) src(%dma_wait3A_52 : memref<128x128xf32, #tpu.memory_space<vmem_shared>>) dst(%dma_wait3A_50 : memref<128x128xf32, #tpu.memory_space<hbm>>)
      tpu.yield
    }) : () -> ()
    %add3A_33 = arith.constant 256 : i32
    %add3A_34 = arith.addi %mul3A_7, %add3A_33 : i32
    %add3A_35 = arith.constant 256 : i32
    %add3A_36 = arith.addi %mul3A_7, %add3A_35 : i32
    "tpu.region"() ({
      %run_scoped3A = tpu.sem_alloc : memref<!tpu.dma_semaphore, #tpu.memory_space<semaphore_mem>>
      %dma_start3A = arith.constant 0 : i32
      %dma_start3A_45 = tpu.memref_slice %arg6[%arg0, %add3A_36, %dma_start3A] : memref<2x10240x128xf32, #tpu.memory_space<hbm>> -> memref<1x128x128xf32, #tpu.memory_space<hbm>>
      %dma_start3A_46 = tpu.memref_squeeze %dma_start3A_45 : memref<1x128x128xf32, #tpu.memory_space<hbm>> -> memref<128x128xf32, #tpu.memory_space<hbm>>
      %dma_start3A_47 = arith.constant 0 : i32
      %dma_start3A_48 = tpu.memref_slice %arg11[%add3A_34, %dma_start3A_47] : memref<10240x128xf32, #tpu.memory_space<vmem_shared>> -> memref<128x128xf32, #tpu.memory_space<vmem_shared>>
      tpu.enqueue_dma source(%dma_start3A_48 : memref<128x128xf32, #tpu.memory_space<vmem_shared>>) target(%dma_start3A_46 : memref<128x128xf32, #tpu.memory_space<hbm>>) target_semaphore(%run_scoped3A : memref<!tpu.dma_semaphore, #tpu.memory_space<semaphore_mem>>)
      %dma_wait3A = arith.constant 0 : i32
      %dma_wait3A_49 = tpu.memref_slice %arg6[%arg0, %add3A_36, %dma_wait3A] : memref<2x10240x128xf32, #tpu.memory_space<hbm>> -> memref<1x128x128xf32, #tpu.memory_space<hbm>>
      %dma_wait3A_50 = tpu.memref_squeeze %dma_wait3A_49 : memref<1x128x128xf32, #tpu.memory_space<hbm>> -> memref<128x128xf32, #tpu.memory_space<hbm>>
      %dma_wait3A_51 = arith.constant 0 : i32
      %dma_wait3A_52 = tpu.memref_slice %arg11[%add3A_34, %dma_wait3A_51] : memref<10240x128xf32, #tpu.memory_space<vmem_shared>> -> memref<128x128xf32, #tpu.memory_space<vmem_shared>>
      tpu.wait_dma2 semaphore(%run_scoped3A : memref<!tpu.dma_semaphore, #tpu.memory_space<semaphore_mem>>) src(%dma_wait3A_52 : memref<128x128xf32, #tpu.memory_space<vmem_shared>>) dst(%dma_wait3A_50 : memref<128x128xf32, #tpu.memory_space<hbm>>)
      tpu.yield
    }) : () -> ()
    %add3A_37 = arith.constant 384 : i32
    %add3A_38 = arith.addi %mul3A_7, %add3A_37 : i32
    %add3A_39 = arith.constant 384 : i32
    %add3A_40 = arith.addi %mul3A_7, %add3A_39 : i32
    "tpu.region"() ({
      %run_scoped3A = tpu.sem_alloc : memref<!tpu.dma_semaphore, #tpu.memory_space<semaphore_mem>>
      %dma_start3A = arith.constant 0 : i32
      %dma_start3A_45 = tpu.memref_slice %arg6[%arg0, %add3A_40, %dma_start3A] : memref<2x10240x128xf32, #tpu.memory_space<hbm>> -> memref<1x128x128xf32, #tpu.memory_space<hbm>>
      %dma_start3A_46 = tpu.memref_squeeze %dma_start3A_45 : memref<1x128x128xf32, #tpu.memory_space<hbm>> -> memref<128x128xf32, #tpu.memory_space<hbm>>
      %dma_start3A_47 = arith.constant 0 : i32
      %dma_start3A_48 = tpu.memref_slice %arg11[%add3A_38, %dma_start3A_47] : memref<10240x128xf32, #tpu.memory_space<vmem_shared>> -> memref<128x128xf32, #tpu.memory_space<vmem_shared>>
      tpu.enqueue_dma source(%dma_start3A_48 : memref<128x128xf32, #tpu.memory_space<vmem_shared>>) target(%dma_start3A_46 : memref<128x128xf32, #tpu.memory_space<hbm>>) target_semaphore(%run_scoped3A : memref<!tpu.dma_semaphore, #tpu.memory_space<semaphore_mem>>)
      %dma_wait3A = arith.constant 0 : i32
      %dma_wait3A_49 = tpu.memref_slice %arg6[%arg0, %add3A_40, %dma_wait3A] : memref<2x10240x128xf32, #tpu.memory_space<hbm>> -> memref<1x128x128xf32, #tpu.memory_space<hbm>>
      %dma_wait3A_50 = tpu.memref_squeeze %dma_wait3A_49 : memref<1x128x128xf32, #tpu.memory_space<hbm>> -> memref<128x128xf32, #tpu.memory_space<hbm>>
      %dma_wait3A_51 = arith.constant 0 : i32
      %dma_wait3A_52 = tpu.memref_slice %arg11[%add3A_38, %dma_wait3A_51] : memref<10240x128xf32, #tpu.memory_space<vmem_shared>> -> memref<128x128xf32, #tpu.memory_space<vmem_shared>>
      tpu.wait_dma2 semaphore(%run_scoped3A : memref<!tpu.dma_semaphore, #tpu.memory_space<semaphore_mem>>) src(%dma_wait3A_52 : memref<128x128xf32, #tpu.memory_space<vmem_shared>>) dst(%dma_wait3A_50 : memref<128x128xf32, #tpu.memory_space<hbm>>)
      tpu.yield
    }) : () -> ()
    %add3A_41 = arith.constant 512 : i32
    %add3A_42 = arith.addi %mul3A_7, %add3A_41 : i32
    %add3A_43 = arith.constant 512 : i32
    %add3A_44 = arith.addi %mul3A_7, %add3A_43 : i32
    "tpu.region"() ({
      %run_scoped3A = tpu.sem_alloc : memref<!tpu.dma_semaphore, #tpu.memory_space<semaphore_mem>>
      %dma_start3A = arith.constant 0 : i32
      %dma_start3A_45 = tpu.memref_slice %arg6[%arg0, %add3A_44, %dma_start3A] : memref<2x10240x128xf32, #tpu.memory_space<hbm>> -> memref<1x128x128xf32, #tpu.memory_space<hbm>>
      %dma_start3A_46 = tpu.memref_squeeze %dma_start3A_45 : memref<1x128x128xf32, #tpu.memory_space<hbm>> -> memref<128x128xf32, #tpu.memory_space<hbm>>
      %dma_start3A_47 = arith.constant 0 : i32
      %dma_start3A_48 = tpu.memref_slice %arg11[%add3A_42, %dma_start3A_47] : memref<10240x128xf32, #tpu.memory_space<vmem_shared>> -> memref<128x128xf32, #tpu.memory_space<vmem_shared>>
      tpu.enqueue_dma source(%dma_start3A_48 : memref<128x128xf32, #tpu.memory_space<vmem_shared>>) target(%dma_start3A_46 : memref<128x128xf32, #tpu.memory_space<hbm>>) target_semaphore(%run_scoped3A : memref<!tpu.dma_semaphore, #tpu.memory_space<semaphore_mem>>)
      %dma_wait3A = arith.constant 0 : i32
      %dma_wait3A_49 = tpu.memref_slice %arg6[%arg0, %add3A_44, %dma_wait3A] : memref<2x10240x128xf32, #tpu.memory_space<hbm>> -> memref<1x128x128xf32, #tpu.memory_space<hbm>>
      %dma_wait3A_50 = tpu.memref_squeeze %dma_wait3A_49 : memref<1x128x128xf32, #tpu.memory_space<hbm>> -> memref<128x128xf32, #tpu.memory_space<hbm>>
      %dma_wait3A_51 = arith.constant 0 : i32
      %dma_wait3A_52 = tpu.memref_slice %arg11[%add3A_42, %dma_wait3A_51] : memref<10240x128xf32, #tpu.memory_space<vmem_shared>> -> memref<128x128xf32, #tpu.memory_space<vmem_shared>>
      tpu.wait_dma2 semaphore(%run_scoped3A : memref<!tpu.dma_semaphore, #tpu.memory_space<semaphore_mem>>) src(%dma_wait3A_52 : memref<128x128xf32, #tpu.memory_space<vmem_shared>>) dst(%dma_wait3A_50 : memref<128x128xf32, #tpu.memory_space<hbm>>)
      tpu.yield
    }) : () -> ()
    return
  }
}

#map = affine_map<(d0, d1) -> (0, 0)>
#map1 = affine_map<(d0, d1) -> (0, 0, 0)>
module attributes {stable_mosaic.version = 14 : i64} {
  func.func @_sc_agg_body(%arg0: i32, %arg1: i32, %arg2: memref<10000x128xf32, #tpu.memory_space<hbm>>, %arg3: memref<32x80x128xi32, #tpu.memory_space<hbm>>, %arg4: memref<32x80x128xi32, #tpu.memory_space<hbm>>, %arg5: memref<32x80x128xf32, #tpu.memory_space<hbm>>, %arg6: memref<2x10240x128xf32, #tpu.memory_space<hbm>>, %arg7: memref<80x128xi32, #tpu.memory_space<vmem>>, %arg8: memref<80x128xi32, #tpu.memory_space<vmem>>, %arg9: memref<80x128xf32, #tpu.memory_space<vmem>>, %arg10: memref<128x128xf32, #tpu.memory_space<vmem>>, %arg11: memref<10240x128xf32, #tpu.memory_space<vmem_shared>>, %arg12: memref<!tpu.dma_semaphore, #tpu.memory_space<semaphore_mem>>) attributes {dimension_semantics = [#tpu.dimension_semantics<core_parallel>, #tpu.dimension_semantics<subcore_parallel>], iteration_bounds = array<i64: 2, 16>, scalar_prefetch = 0 : i64, scratch_operands = 6 : i64, tpu.core_type = #tpu.core_type<sc_vector_subcore>, window_params = [{transform_indices = #map}, {transform_indices = #map1}, {transform_indices = #map1}, {transform_indices = #map1}, {transform_indices = #map1}]} {
    %mul3A = arith.constant 16 : i32
    %mul3A_0 = arith.muli %arg0, %mul3A : i32
    %add3A = arith.addi %mul3A_0, %arg1 : i32
    "tpu.region"() ({
      %run_scoped3A = tpu.sem_alloc : memref<!tpu.dma_semaphore, #tpu.memory_space<semaphore_mem>>
      %dma_start3A = arith.constant 0 : i32
      %dma_start3A_45 = arith.constant 0 : i32
      %dma_start3A_46 = tpu.memref_slice %arg3[%add3A, %dma_start3A, %dma_start3A_45] : memref<32x80x128xi32, #tpu.memory_space<hbm>> -> memref<1x80x128xi32, #tpu.memory_space<hbm>>
      %dma_start3A_47 = tpu.memref_squeeze %dma_start3A_46 : memref<1x80x128xi32, #tpu.memory_space<hbm>> -> memref<80x128xi32, #tpu.memory_space<hbm>>
      %dma_start3A_48 = arith.constant 0 : i32
      %dma_start3A_49 = arith.constant 0 : i32
      %dma_start3A_50 = tpu.memref_slice %arg3[%add3A, %dma_start3A_48, %dma_start3A_49] : memref<32x80x128xi32, #tpu.memory_space<hbm>> -> memref<1x80x128xi32, #tpu.memory_space<hbm>>
      %dma_start3A_51 = tpu.memref_squeeze %dma_start3A_50 : memref<1x80x128xi32, #tpu.memory_space<hbm>> -> memref<80x128xi32, #tpu.memory_space<hbm>>
      tpu.enqueue_dma source(%dma_start3A_51 : memref<80x128xi32, #tpu.memory_space<hbm>>) target(%arg7 : memref<80x128xi32, #tpu.memory_space<vmem>>) target_semaphore(%run_scoped3A : memref<!tpu.dma_semaphore, #tpu.memory_space<semaphore_mem>>)
      %dma_wait3A = arith.constant 0 : i32
      %dma_wait3A_52 = arith.constant 0 : i32
      %dma_wait3A_53 = tpu.memref_slice %arg3[%add3A, %dma_wait3A, %dma_wait3A_52] : memref<32x80x128xi32, #tpu.memory_space<hbm>> -> memref<1x80x128xi32, #tpu.memory_space<hbm>>
      %dma_wait3A_54 = tpu.memref_squeeze %dma_wait3A_53 : memref<1x80x128xi32, #tpu.memory_space<hbm>> -> memref<80x128xi32, #tpu.memory_space<hbm>>
      %dma_wait3A_55 = arith.constant 0 : i32
      %dma_wait3A_56 = arith.constant 0 : i32
      %dma_wait3A_57 = tpu.memref_slice %arg3[%add3A, %dma_wait3A_55, %dma_wait3A_56] : memref<32x80x128xi32, #tpu.memory_space<hbm>> -> memref<1x80x128xi32, #tpu.memory_space<hbm>>
      %dma_wait3A_58 = tpu.memref_squeeze %dma_wait3A_57 : memref<1x80x128xi32, #tpu.memory_space<hbm>> -> memref<80x128xi32, #tpu.memory_space<hbm>>
      tpu.wait_dma2 semaphore(%run_scoped3A : memref<!tpu.dma_semaphore, #tpu.memory_space<semaphore_mem>>) src(%dma_wait3A_58 : memref<80x128xi32, #tpu.memory_space<hbm>>) dst(%arg7 : memref<80x128xi32, #tpu.memory_space<vmem>>)
      tpu.yield
    }) : () -> ()
    "tpu.region"() ({
      %run_scoped3A = tpu.sem_alloc : memref<!tpu.dma_semaphore, #tpu.memory_space<semaphore_mem>>
      %dma_start3A = arith.constant 0 : i32
      %dma_start3A_45 = arith.constant 0 : i32
      %dma_start3A_46 = tpu.memref_slice %arg4[%add3A, %dma_start3A, %dma_start3A_45] : memref<32x80x128xi32, #tpu.memory_space<hbm>> -> memref<1x80x128xi32, #tpu.memory_space<hbm>>
      %dma_start3A_47 = tpu.memref_squeeze %dma_start3A_46 : memref<1x80x128xi32, #tpu.memory_space<hbm>> -> memref<80x128xi32, #tpu.memory_space<hbm>>
      %dma_start3A_48 = arith.constant 0 : i32
      %dma_start3A_49 = arith.constant 0 : i32
      %dma_start3A_50 = tpu.memref_slice %arg4[%add3A, %dma_start3A_48, %dma_start3A_49] : memref<32x80x128xi32, #tpu.memory_space<hbm>> -> memref<1x80x128xi32, #tpu.memory_space<hbm>>
      %dma_start3A_51 = tpu.memref_squeeze %dma_start3A_50 : memref<1x80x128xi32, #tpu.memory_space<hbm>> -> memref<80x128xi32, #tpu.memory_space<hbm>>
      tpu.enqueue_dma source(%dma_start3A_51 : memref<80x128xi32, #tpu.memory_space<hbm>>) target(%arg8 : memref<80x128xi32, #tpu.memory_space<vmem>>) target_semaphore(%run_scoped3A : memref<!tpu.dma_semaphore, #tpu.memory_space<semaphore_mem>>)
      %dma_wait3A = arith.constant 0 : i32
      %dma_wait3A_52 = arith.constant 0 : i32
      %dma_wait3A_53 = tpu.memref_slice %arg4[%add3A, %dma_wait3A, %dma_wait3A_52] : memref<32x80x128xi32, #tpu.memory_space<hbm>> -> memref<1x80x128xi32, #tpu.memory_space<hbm>>
      %dma_wait3A_54 = tpu.memref_squeeze %dma_wait3A_53 : memref<1x80x128xi32, #tpu.memory_space<hbm>> -> memref<80x128xi32, #tpu.memory_space<hbm>>
      %dma_wait3A_55 = arith.constant 0 : i32
      %dma_wait3A_56 = arith.constant 0 : i32
      %dma_wait3A_57 = tpu.memref_slice %arg4[%add3A, %dma_wait3A_55, %dma_wait3A_56] : memref<32x80x128xi32, #tpu.memory_space<hbm>> -> memref<1x80x128xi32, #tpu.memory_space<hbm>>
      %dma_wait3A_58 = tpu.memref_squeeze %dma_wait3A_57 : memref<1x80x128xi32, #tpu.memory_space<hbm>> -> memref<80x128xi32, #tpu.memory_space<hbm>>
      tpu.wait_dma2 semaphore(%run_scoped3A : memref<!tpu.dma_semaphore, #tpu.memory_space<semaphore_mem>>) src(%dma_wait3A_58 : memref<80x128xi32, #tpu.memory_space<hbm>>) dst(%arg8 : memref<80x128xi32, #tpu.memory_space<vmem>>)
      tpu.yield
    }) : () -> ()
    "tpu.region"() ({
      %run_scoped3A = tpu.sem_alloc : memref<!tpu.dma_semaphore, #tpu.memory_space<semaphore_mem>>
      %dma_start3A = arith.constant 0 : i32
      %dma_start3A_45 = arith.constant 0 : i32
      %dma_start3A_46 = tpu.memref_slice %arg5[%add3A, %dma_start3A, %dma_start3A_45] : memref<32x80x128xf32, #tpu.memory_space<hbm>> -> memref<1x80x128xf32, #tpu.memory_space<hbm>>
      %dma_start3A_47 = tpu.memref_squeeze %dma_start3A_46 : memref<1x80x128xf32, #tpu.memory_space<hbm>> -> memref<80x128xf32, #tpu.memory_space<hbm>>
      %dma_start3A_48 = arith.constant 0 : i32
      %dma_start3A_49 = arith.constant 0 : i32
      %dma_start3A_50 = tpu.memref_slice %arg5[%add3A, %dma_start3A_48, %dma_start3A_49] : memref<32x80x128xf32, #tpu.memory_space<hbm>> -> memref<1x80x128xf32, #tpu.memory_space<hbm>>
      %dma_start3A_51 = tpu.memref_squeeze %dma_start3A_50 : memref<1x80x128xf32, #tpu.memory_space<hbm>> -> memref<80x128xf32, #tpu.memory_space<hbm>>
      tpu.enqueue_dma source(%dma_start3A_51 : memref<80x128xf32, #tpu.memory_space<hbm>>) target(%arg9 : memref<80x128xf32, #tpu.memory_space<vmem>>) target_semaphore(%run_scoped3A : memref<!tpu.dma_semaphore, #tpu.memory_space<semaphore_mem>>)
      %dma_wait3A = arith.constant 0 : i32
      %dma_wait3A_52 = arith.constant 0 : i32
      %dma_wait3A_53 = tpu.memref_slice %arg5[%add3A, %dma_wait3A, %dma_wait3A_52] : memref<32x80x128xf32, #tpu.memory_space<hbm>> -> memref<1x80x128xf32, #tpu.memory_space<hbm>>
      %dma_wait3A_54 = tpu.memref_squeeze %dma_wait3A_53 : memref<1x80x128xf32, #tpu.memory_space<hbm>> -> memref<80x128xf32, #tpu.memory_space<hbm>>
      %dma_wait3A_55 = arith.constant 0 : i32
      %dma_wait3A_56 = arith.constant 0 : i32
      %dma_wait3A_57 = tpu.memref_slice %arg5[%add3A, %dma_wait3A_55, %dma_wait3A_56] : memref<32x80x128xf32, #tpu.memory_space<hbm>> -> memref<1x80x128xf32, #tpu.memory_space<hbm>>
      %dma_wait3A_58 = tpu.memref_squeeze %dma_wait3A_57 : memref<1x80x128xf32, #tpu.memory_space<hbm>> -> memref<80x128xf32, #tpu.memory_space<hbm>>
      tpu.wait_dma2 semaphore(%run_scoped3A : memref<!tpu.dma_semaphore, #tpu.memory_space<semaphore_mem>>) src(%dma_wait3A_58 : memref<80x128xf32, #tpu.memory_space<hbm>>) dst(%arg9 : memref<80x128xf32, #tpu.memory_space<vmem>>)
      tpu.yield
    }) : () -> ()
    %scan3A = arith.constant 0 : i32
    %scan3A_1 = arith.constant 0 : i32
    %scan3A_2 = arith.constant 128 : i32
    %scan3A_3 = arith.addi %scan3A_1, %scan3A_2 : i32
    %scan3A_4 = arith.constant 1 : i32
    scf.for %scan3A_45 = %scan3A_1 to %scan3A_3 step %scan3A_4  : i32 {
      %broadcast_in_dim3A = arith.constant 0.000000e+00 : f32
      %broadcast_in_dim3A_46 = vector.broadcast %broadcast_in_dim3A : f32 to vector<16xf32>
      %swap3A = arith.index_cast %scan3A_45 : i32 to index
      %swap3A_47 = arith.constant 0 : index
      %swap3A_48 = tpu.vector_load %arg10[%swap3A, %swap3A_47] {strides = array<i32>} : memref<128x128xf32, #tpu.memory_space<vmem>>, vector<16xf32>,
      tpu.vector_store %arg10[%swap3A, %swap3A_47], %broadcast_in_dim3A_46 {strides = array<i32>} : memref<128x128xf32, #tpu.memory_space<vmem>>, vector<16xf32>,
      %broadcast_in_dim3A_49 = arith.constant 0.000000e+00 : f32
      %broadcast_in_dim3A_50 = vector.broadcast %broadcast_in_dim3A_49 : f32 to vector<16xf32>
      %swap3A_51 = arith.index_cast %scan3A_45 : i32 to index
      %swap3A_52 = arith.constant 16 : index
      %swap3A_53 = tpu.vector_load %arg10[%swap3A_51, %swap3A_52] {strides = array<i32>} : memref<128x128xf32, #tpu.memory_space<vmem>>, vector<16xf32>,
      tpu.vector_store %arg10[%swap3A_51, %swap3A_52], %broadcast_in_dim3A_50 {strides = array<i32>} : memref<128x128xf32, #tpu.memory_space<vmem>>, vector<16xf32>,
      %broadcast_in_dim3A_54 = arith.constant 0.000000e+00 : f32
      %broadcast_in_dim3A_55 = vector.broadcast %broadcast_in_dim3A_54 : f32 to vector<16xf32>
      %swap3A_56 = arith.index_cast %scan3A_45 : i32 to index
      %swap3A_57 = arith.constant 32 : index
      %swap3A_58 = tpu.vector_load %arg10[%swap3A_56, %swap3A_57] {strides = array<i32>} : memref<128x128xf32, #tpu.memory_space<vmem>>, vector<16xf32>,
      tpu.vector_store %arg10[%swap3A_56, %swap3A_57], %broadcast_in_dim3A_55 {strides = array<i32>} : memref<128x128xf32, #tpu.memory_space<vmem>>, vector<16xf32>,
      %broadcast_in_dim3A_59 = arith.constant 0.000000e+00 : f32
      %broadcast_in_dim3A_60 = vector.broadcast %broadcast_in_dim3A_59 : f32 to vector<16xf32>
      %swap3A_61 = arith.index_cast %scan3A_45 : i32 to index
      %swap3A_62 = arith.constant 48 : index
      %swap3A_63 = tpu.vector_load %arg10[%swap3A_61, %swap3A_62] {strides = array<i32>} : memref<128x128xf32, #tpu.memory_space<vmem>>, vector<16xf32>,
      tpu.vector_store %arg10[%swap3A_61, %swap3A_62], %broadcast_in_dim3A_60 {strides = array<i32>} : memref<128x128xf32, #tpu.memory_space<vmem>>, vector<16xf32>,
      %broadcast_in_dim3A_64 = arith.constant 0.000000e+00 : f32
      %broadcast_in_dim3A_65 = vector.broadcast %broadcast_in_dim3A_64 : f32 to vector<16xf32>
      %swap3A_66 = arith.index_cast %scan3A_45 : i32 to index
      %swap3A_67 = arith.constant 64 : index
      %swap3A_68 = tpu.vector_load %arg10[%swap3A_66, %swap3A_67] {strides = array<i32>} : memref<128x128xf32, #tpu.memory_space<vmem>>, vector<16xf32>,
      tpu.vector_store %arg10[%swap3A_66, %swap3A_67], %broadcast_in_dim3A_65 {strides = array<i32>} : memref<128x128xf32, #tpu.memory_space<vmem>>, vector<16xf32>,
      %broadcast_in_dim3A_69 = arith.constant 0.000000e+00 : f32
      %broadcast_in_dim3A_70 = vector.broadcast %broadcast_in_dim3A_69 : f32 to vector<16xf32>
      %swap3A_71 = arith.index_cast %scan3A_45 : i32 to index
      %swap3A_72 = arith.constant 80 : index
      %swap3A_73 = tpu.vector_load %arg10[%swap3A_71, %swap3A_72] {strides = array<i32>} : memref<128x128xf32, #tpu.memory_space<vmem>>, vector<16xf32>,
      tpu.vector_store %arg10[%swap3A_71, %swap3A_72], %broadcast_in_dim3A_70 {strides = array<i32>} : memref<128x128xf32, #tpu.memory_space<vmem>>, vector<16xf32>,
      %broadcast_in_dim3A_74 = arith.constant 0.000000e+00 : f32
      %broadcast_in_dim3A_75 = vector.broadcast %broadcast_in_dim3A_74 : f32 to vector<16xf32>
      %swap3A_76 = arith.index_cast %scan3A_45 : i32 to index
      %swap3A_77 = arith.constant 96 : index
      %swap3A_78 = tpu.vector_load %arg10[%swap3A_76, %swap3A_77] {strides = array<i32>} : memref<128x128xf32, #tpu.memory_space<vmem>>, vector<16xf32>,
      tpu.vector_store %arg10[%swap3A_76, %swap3A_77], %broadcast_in_dim3A_75 {strides = array<i32>} : memref<128x128xf32, #tpu.memory_space<vmem>>, vector<16xf32>,
      %broadcast_in_dim3A_79 = arith.constant 0.000000e+00 : f32
      %broadcast_in_dim3A_80 = vector.broadcast %broadcast_in_dim3A_79 : f32 to vector<16xf32>
      %swap3A_81 = arith.index_cast %scan3A_45 : i32 to index
      %swap3A_82 = arith.constant 112 : index
      %swap3A_83 = tpu.vector_load %arg10[%swap3A_81, %swap3A_82] {strides = array<i32>} : memref<128x128xf32, #tpu.memory_space<vmem>>, vector<16xf32>,
      tpu.vector_store %arg10[%swap3A_81, %swap3A_82], %broadcast_in_dim3A_80 {strides = array<i32>} : memref<128x128xf32, #tpu.memory_space<vmem>>, vector<16xf32>,
    }
    %scan3A_5 = arith.constant 128 : i32
    %mul3A_6 = arith.constant 640 : i32
    %mul3A_7 = arith.muli %arg1, %mul3A_6 : i32
    %add3A_8 = arith.constant 0 : i32
    %add3A_9 = arith.addi %mul3A_7, %add3A_8 : i32
    "tpu.region"() ({
      %run_scoped3A = tpu.sem_alloc : memref<!tpu.dma_semaphore, #tpu.memory_space<semaphore_mem>>
      %dma_start3A = arith.constant 0 : i32
      %dma_start3A_45 = tpu.memref_slice %arg11[%add3A_9, %dma_start3A] : memref<10240x128xf32, #tpu.memory_space<vmem_shared>> -> memref<128x128xf32, #tpu.memory_space<vmem_shared>>
      %dma_start3A_46 = arith.constant 0 : i32
      %dma_start3A_47 = tpu.memref_slice %arg11[%add3A_9, %dma_start3A_46] : memref<10240x128xf32, #tpu.memory_space<vmem_shared>> -> memref<128x128xf32, #tpu.memory_space<vmem_shared>>
      tpu.enqueue_dma source(%arg10 : memref<128x128xf32, #tpu.memory_space<vmem>>) target(%dma_start3A_47 : memref<128x128xf32, #tpu.memory_space<vmem_shared>>) target_semaphore(%run_scoped3A : memref<!tpu.dma_semaphore, #tpu.memory_space<semaphore_mem>>)
      %dma_wait3A = arith.constant 0 : i32
      %dma_wait3A_48 = tpu.memref_slice %arg11[%add3A_9, %dma_wait3A] : memref<10240x128xf32, #tpu.memory_space<vmem_shared>> -> memref<128x128xf32, #tpu.memory_space<vmem_shared>>
      %dma_wait3A_49 = arith.constant 0 : i32
      %dma_wait3A_50 = tpu.memref_slice %arg11[%add3A_9, %dma_wait3A_49] : memref<10240x128xf32, #tpu.memory_space<vmem_shared>> -> memref<128x128xf32, #tpu.memory_space<vmem_shared>>
      tpu.wait_dma2 semaphore(%run_scoped3A : memref<!tpu.dma_semaphore, #tpu.memory_space<semaphore_mem>>) src(%arg10 : memref<128x128xf32, #tpu.memory_space<vmem>>) dst(%dma_wait3A_50 : memref<128x128xf32, #tpu.memory_space<vmem_shared>>)
      tpu.yield
    }) : () -> ()
    %add3A_10 = arith.constant 128 : i32
    %add3A_11 = arith.addi %mul3A_7, %add3A_10 : i32
    "tpu.region"() ({
      %run_scoped3A = tpu.sem_alloc : memref<!tpu.dma_semaphore, #tpu.memory_space<semaphore_mem>>
      %dma_start3A = arith.constant 0 : i32
      %dma_start3A_45 = tpu.memref_slice %arg11[%add3A_11, %dma_start3A] : memref<10240x128xf32, #tpu.memory_space<vmem_shared>> -> memref<128x128xf32, #tpu.memory_space<vmem_shared>>
      %dma_start3A_46 = arith.constant 0 : i32
      %dma_start3A_47 = tpu.memref_slice %arg11[%add3A_11, %dma_start3A_46] : memref<10240x128xf32, #tpu.memory_space<vmem_shared>> -> memref<128x128xf32, #tpu.memory_space<vmem_shared>>
      tpu.enqueue_dma source(%arg10 : memref<128x128xf32, #tpu.memory_space<vmem>>) target(%dma_start3A_47 : memref<128x128xf32, #tpu.memory_space<vmem_shared>>) target_semaphore(%run_scoped3A : memref<!tpu.dma_semaphore, #tpu.memory_space<semaphore_mem>>)
      %dma_wait3A = arith.constant 0 : i32
      %dma_wait3A_48 = tpu.memref_slice %arg11[%add3A_11, %dma_wait3A] : memref<10240x128xf32, #tpu.memory_space<vmem_shared>> -> memref<128x128xf32, #tpu.memory_space<vmem_shared>>
      %dma_wait3A_49 = arith.constant 0 : i32
      %dma_wait3A_50 = tpu.memref_slice %arg11[%add3A_11, %dma_wait3A_49] : memref<10240x128xf32, #tpu.memory_space<vmem_shared>> -> memref<128x128xf32, #tpu.memory_space<vmem_shared>>
      tpu.wait_dma2 semaphore(%run_scoped3A : memref<!tpu.dma_semaphore, #tpu.memory_space<semaphore_mem>>) src(%arg10 : memref<128x128xf32, #tpu.memory_space<vmem>>) dst(%dma_wait3A_50 : memref<128x128xf32, #tpu.memory_space<vmem_shared>>)
      tpu.yield
    }) : () -> ()
    %add3A_12 = arith.constant 256 : i32
    %add3A_13 = arith.addi %mul3A_7, %add3A_12 : i32
    "tpu.region"() ({
      %run_scoped3A = tpu.sem_alloc : memref<!tpu.dma_semaphore, #tpu.memory_space<semaphore_mem>>
      %dma_start3A = arith.constant 0 : i32
      %dma_start3A_45 = tpu.memref_slice %arg11[%add3A_13, %dma_start3A] : memref<10240x128xf32, #tpu.memory_space<vmem_shared>> -> memref<128x128xf32, #tpu.memory_space<vmem_shared>>
      %dma_start3A_46 = arith.constant 0 : i32
      %dma_start3A_47 = tpu.memref_slice %arg11[%add3A_13, %dma_start3A_46] : memref<10240x128xf32, #tpu.memory_space<vmem_shared>> -> memref<128x128xf32, #tpu.memory_space<vmem_shared>>
      tpu.enqueue_dma source(%arg10 : memref<128x128xf32, #tpu.memory_space<vmem>>) target(%dma_start3A_47 : memref<128x128xf32, #tpu.memory_space<vmem_shared>>) target_semaphore(%run_scoped3A : memref<!tpu.dma_semaphore, #tpu.memory_space<semaphore_mem>>)
      %dma_wait3A = arith.constant 0 : i32
      %dma_wait3A_48 = tpu.memref_slice %arg11[%add3A_13, %dma_wait3A] : memref<10240x128xf32, #tpu.memory_space<vmem_shared>> -> memref<128x128xf32, #tpu.memory_space<vmem_shared>>
      %dma_wait3A_49 = arith.constant 0 : i32
      %dma_wait3A_50 = tpu.memref_slice %arg11[%add3A_13, %dma_wait3A_49] : memref<10240x128xf32, #tpu.memory_space<vmem_shared>> -> memref<128x128xf32, #tpu.memory_space<vmem_shared>>
      tpu.wait_dma2 semaphore(%run_scoped3A : memref<!tpu.dma_semaphore, #tpu.memory_space<semaphore_mem>>) src(%arg10 : memref<128x128xf32, #tpu.memory_space<vmem>>) dst(%dma_wait3A_50 : memref<128x128xf32, #tpu.memory_space<vmem_shared>>)
      tpu.yield
    }) : () -> ()
    %add3A_14 = arith.constant 384 : i32
    %add3A_15 = arith.addi %mul3A_7, %add3A_14 : i32
    "tpu.region"() ({
      %run_scoped3A = tpu.sem_alloc : memref<!tpu.dma_semaphore, #tpu.memory_space<semaphore_mem>>
      %dma_start3A = arith.constant 0 : i32
      %dma_start3A_45 = tpu.memref_slice %arg11[%add3A_15, %dma_start3A] : memref<10240x128xf32, #tpu.memory_space<vmem_shared>> -> memref<128x128xf32, #tpu.memory_space<vmem_shared>>
      %dma_start3A_46 = arith.constant 0 : i32
      %dma_start3A_47 = tpu.memref_slice %arg11[%add3A_15, %dma_start3A_46] : memref<10240x128xf32, #tpu.memory_space<vmem_shared>> -> memref<128x128xf32, #tpu.memory_space<vmem_shared>>
      tpu.enqueue_dma source(%arg10 : memref<128x128xf32, #tpu.memory_space<vmem>>) target(%dma_start3A_47 : memref<128x128xf32, #tpu.memory_space<vmem_shared>>) target_semaphore(%run_scoped3A : memref<!tpu.dma_semaphore, #tpu.memory_space<semaphore_mem>>)
      %dma_wait3A = arith.constant 0 : i32
      %dma_wait3A_48 = tpu.memref_slice %arg11[%add3A_15, %dma_wait3A] : memref<10240x128xf32, #tpu.memory_space<vmem_shared>> -> memref<128x128xf32, #tpu.memory_space<vmem_shared>>
      %dma_wait3A_49 = arith.constant 0 : i32
      %dma_wait3A_50 = tpu.memref_slice %arg11[%add3A_15, %dma_wait3A_49] : memref<10240x128xf32, #tpu.memory_space<vmem_shared>> -> memref<128x128xf32, #tpu.memory_space<vmem_shared>>
      tpu.wait_dma2 semaphore(%run_scoped3A : memref<!tpu.dma_semaphore, #tpu.memory_space<semaphore_mem>>) src(%arg10 : memref<128x128xf32, #tpu.memory_space<vmem>>) dst(%dma_wait3A_50 : memref<128x128xf32, #tpu.memory_space<vmem_shared>>)
      tpu.yield
    }) : () -> ()
    %add3A_16 = arith.constant 512 : i32
    %add3A_17 = arith.addi %mul3A_7, %add3A_16 : i32
    "tpu.region"() ({
      %run_scoped3A = tpu.sem_alloc : memref<!tpu.dma_semaphore, #tpu.memory_space<semaphore_mem>>
      %dma_start3A = arith.constant 0 : i32
      %dma_start3A_45 = tpu.memref_slice %arg11[%add3A_17, %dma_start3A] : memref<10240x128xf32, #tpu.memory_space<vmem_shared>> -> memref<128x128xf32, #tpu.memory_space<vmem_shared>>
      %dma_start3A_46 = arith.constant 0 : i32
      %dma_start3A_47 = tpu.memref_slice %arg11[%add3A_17, %dma_start3A_46] : memref<10240x128xf32, #tpu.memory_space<vmem_shared>> -> memref<128x128xf32, #tpu.memory_space<vmem_shared>>
      tpu.enqueue_dma source(%arg10 : memref<128x128xf32, #tpu.memory_space<vmem>>) target(%dma_start3A_47 : memref<128x128xf32, #tpu.memory_space<vmem_shared>>) target_semaphore(%run_scoped3A : memref<!tpu.dma_semaphore, #tpu.memory_space<semaphore_mem>>)
      %dma_wait3A = arith.constant 0 : i32
      %dma_wait3A_48 = tpu.memref_slice %arg11[%add3A_17, %dma_wait3A] : memref<10240x128xf32, #tpu.memory_space<vmem_shared>> -> memref<128x128xf32, #tpu.memory_space<vmem_shared>>
      %dma_wait3A_49 = arith.constant 0 : i32
      %dma_wait3A_50 = tpu.memref_slice %arg11[%add3A_17, %dma_wait3A_49] : memref<10240x128xf32, #tpu.memory_space<vmem_shared>> -> memref<128x128xf32, #tpu.memory_space<vmem_shared>>
      tpu.wait_dma2 semaphore(%run_scoped3A : memref<!tpu.dma_semaphore, #tpu.memory_space<semaphore_mem>>) src(%arg10 : memref<128x128xf32, #tpu.memory_space<vmem>>) dst(%dma_wait3A_50 : memref<128x128xf32, #tpu.memory_space<vmem_shared>>)
      tpu.yield
    }) : () -> ()
    %barrier3A = arith.constant 0 : index
    tpu.barrier barrier_id(%barrier3A)
    %scan3A_18 = arith.constant 0 : i32
    %scan3A_19 = arith.constant 0 : i32
    %scan3A_20 = arith.constant 80 : i32
    %scan3A_21 = arith.addi %scan3A_19, %scan3A_20 : i32
    %scan3A_22 = arith.constant 1 : i32
    scf.for %scan3A_45 = %scan3A_19 to %scan3A_21 step %scan3A_22  : i32 {
      %dma_start3A = arith.constant 0 : i32
      %dma_start3A_46 = tpu.memref_slice %arg7[%scan3A_45, %dma_start3A] : memref<80x128xi32, #tpu.memory_space<vmem>> -> memref<1x128xi32, #tpu.memory_space<vmem>>
      %dma_start3A_47 = tpu.memref_squeeze %dma_start3A_46 : memref<1x128xi32, #tpu.memory_space<vmem>> -> memref<128xi32, #tpu.memory_space<vmem>>
      %dma_start3A_48 = arith.constant 0 : i32
      %dma_start3A_49 = arith.constant 0 : i32
      %dma_start3A_50 = tpu.memref_slice %arg2[%dma_start3A_48, %dma_start3A_49] : memref<10000x128xf32, #tpu.memory_space<hbm>> -> memref<10000x128xf32, #tpu.memory_space<hbm>>
      tpu.enqueue_indirect_dma source(%dma_start3A_50 : memref<10000x128xf32, #tpu.memory_space<hbm>>) target(%arg10 : memref<128x128xf32, #tpu.memory_space<vmem>>) offsets(%dma_start3A_47 : memref<128xi32, #tpu.memory_space<vmem>>) semaphore(%arg12 : memref<!tpu.dma_semaphore, #tpu.memory_space<semaphore_mem>>)
      %dma_wait3A = arith.constant 0 : i32
      %dma_wait3A_51 = tpu.memref_slice %arg7[%scan3A_45, %dma_wait3A] : memref<80x128xi32, #tpu.memory_space<vmem>> -> memref<1x128xi32, #tpu.memory_space<vmem>>
      %dma_wait3A_52 = tpu.memref_squeeze %dma_wait3A_51 : memref<1x128xi32, #tpu.memory_space<vmem>> -> memref<128xi32, #tpu.memory_space<vmem>>
      %dma_wait3A_53 = arith.constant 0 : i32
      %dma_wait3A_54 = arith.constant 0 : i32
      %dma_wait3A_55 = tpu.memref_slice %arg2[%dma_wait3A_53, %dma_wait3A_54] : memref<10000x128xf32, #tpu.memory_space<hbm>> -> memref<10000x128xf32, #tpu.memory_space<hbm>>
      tpu.wait_indirect_dma semaphore(%arg12 : memref<!tpu.dma_semaphore, #tpu.memory_space<semaphore_mem>>) src(%dma_wait3A_55 : memref<10000x128xf32, #tpu.memory_space<hbm>>) dst(%arg10 : memref<128x128xf32, #tpu.memory_space<vmem>>)
      %parallel_loop3A = arith.constant 0 : i32
      %parallel_loop3A_56 = arith.constant 128 : i32
      %parallel_loop3A_57 = arith.constant 1 : i32
      scf.for %parallel_loop3A_58 = %parallel_loop3A to %parallel_loop3A_56 step %parallel_loop3A_57  : i32 {
        %parallel_loop3A_59 = vector.broadcast %scan3A_45 : i32 to vector<16xi32>
        %parallel_loop3A_60 = vector.broadcast %parallel_loop3A_58 : i32 to vector<16xi32>
        %parallel_loop3A_61 = tpu.vector_load_idx %arg9[%parallel_loop3A_59, %parallel_loop3A_60] : memref<80x128xf32, #tpu.memory_space<vmem>>[vector<16xi32>, vector<16xi32>], vector<16xf32>,
        %parallel_loop3A_62 = arith.index_cast %parallel_loop3A_58 : i32 to index
        %parallel_loop3A_63 = arith.constant 0 : index
        %parallel_loop3A_64 = tpu.vector_load %arg10[%parallel_loop3A_62, %parallel_loop3A_63] {strides = array<i32>} : memref<128x128xf32, #tpu.memory_space<vmem>>, vector<16xf32>,
        %parallel_loop3A_65 = arith.mulf %parallel_loop3A_64, %parallel_loop3A_61 : vector<16xf32>
        %parallel_loop3A_66 = arith.index_cast %parallel_loop3A_58 : i32 to index
        %parallel_loop3A_67 = arith.constant 0 : index
        %parallel_loop3A_68 = tpu.vector_load %arg10[%parallel_loop3A_66, %parallel_loop3A_67] {strides = array<i32>} : memref<128x128xf32, #tpu.memory_space<vmem>>, vector<16xf32>,
        tpu.vector_store %arg10[%parallel_loop3A_66, %parallel_loop3A_67], %parallel_loop3A_65 {strides = array<i32>} : memref<128x128xf32, #tpu.memory_space<vmem>>, vector<16xf32>,
        %parallel_loop3A_69 = arith.index_cast %parallel_loop3A_58 : i32 to index
        %parallel_loop3A_70 = arith.constant 16 : index
        %parallel_loop3A_71 = tpu.vector_load %arg10[%parallel_loop3A_69, %parallel_loop3A_70] {strides = array<i32>} : memref<128x128xf32, #tpu.memory_space<vmem>>, vector<16xf32>,
        %parallel_loop3A_72 = arith.mulf %parallel_loop3A_71, %parallel_loop3A_61 : vector<16xf32>
        %parallel_loop3A_73 = arith.index_cast %parallel_loop3A_58 : i32 to index
        %parallel_loop3A_74 = arith.constant 16 : index
        %parallel_loop3A_75 = tpu.vector_load %arg10[%parallel_loop3A_73, %parallel_loop3A_74] {strides = array<i32>} : memref<128x128xf32, #tpu.memory_space<vmem>>, vector<16xf32>,
        tpu.vector_store %arg10[%parallel_loop3A_73, %parallel_loop3A_74], %parallel_loop3A_72 {strides = array<i32>} : memref<128x128xf32, #tpu.memory_space<vmem>>, vector<16xf32>,
        %parallel_loop3A_76 = arith.index_cast %parallel_loop3A_58 : i32 to index
        %parallel_loop3A_77 = arith.constant 32 : index
        %parallel_loop3A_78 = tpu.vector_load %arg10[%parallel_loop3A_76, %parallel_loop3A_77] {strides = array<i32>} : memref<128x128xf32, #tpu.memory_space<vmem>>, vector<16xf32>,
        %parallel_loop3A_79 = arith.mulf %parallel_loop3A_78, %parallel_loop3A_61 : vector<16xf32>
        %parallel_loop3A_80 = arith.index_cast %parallel_loop3A_58 : i32 to index
        %parallel_loop3A_81 = arith.constant 32 : index
        %parallel_loop3A_82 = tpu.vector_load %arg10[%parallel_loop3A_80, %parallel_loop3A_81] {strides = array<i32>} : memref<128x128xf32, #tpu.memory_space<vmem>>, vector<16xf32>,
        tpu.vector_store %arg10[%parallel_loop3A_80, %parallel_loop3A_81], %parallel_loop3A_79 {strides = array<i32>} : memref<128x128xf32, #tpu.memory_space<vmem>>, vector<16xf32>,
        %parallel_loop3A_83 = arith.index_cast %parallel_loop3A_58 : i32 to index
        %parallel_loop3A_84 = arith.constant 48 : index
        %parallel_loop3A_85 = tpu.vector_load %arg10[%parallel_loop3A_83, %parallel_loop3A_84] {strides = array<i32>} : memref<128x128xf32, #tpu.memory_space<vmem>>, vector<16xf32>,
        %parallel_loop3A_86 = arith.mulf %parallel_loop3A_85, %parallel_loop3A_61 : vector<16xf32>
        %parallel_loop3A_87 = arith.index_cast %parallel_loop3A_58 : i32 to index
        %parallel_loop3A_88 = arith.constant 48 : index
        %parallel_loop3A_89 = tpu.vector_load %arg10[%parallel_loop3A_87, %parallel_loop3A_88] {strides = array<i32>} : memref<128x128xf32, #tpu.memory_space<vmem>>, vector<16xf32>,
        tpu.vector_store %arg10[%parallel_loop3A_87, %parallel_loop3A_88], %parallel_loop3A_86 {strides = array<i32>} : memref<128x128xf32, #tpu.memory_space<vmem>>, vector<16xf32>,
        %parallel_loop3A_90 = arith.index_cast %parallel_loop3A_58 : i32 to index
        %parallel_loop3A_91 = arith.constant 64 : index
        %parallel_loop3A_92 = tpu.vector_load %arg10[%parallel_loop3A_90, %parallel_loop3A_91] {strides = array<i32>} : memref<128x128xf32, #tpu.memory_space<vmem>>, vector<16xf32>,
        %parallel_loop3A_93 = arith.mulf %parallel_loop3A_92, %parallel_loop3A_61 : vector<16xf32>
        %parallel_loop3A_94 = arith.index_cast %parallel_loop3A_58 : i32 to index
        %parallel_loop3A_95 = arith.constant 64 : index
        %parallel_loop3A_96 = tpu.vector_load %arg10[%parallel_loop3A_94, %parallel_loop3A_95] {strides = array<i32>} : memref<128x128xf32, #tpu.memory_space<vmem>>, vector<16xf32>,
        tpu.vector_store %arg10[%parallel_loop3A_94, %parallel_loop3A_95], %parallel_loop3A_93 {strides = array<i32>} : memref<128x128xf32, #tpu.memory_space<vmem>>, vector<16xf32>,
        %parallel_loop3A_97 = arith.index_cast %parallel_loop3A_58 : i32 to index
        %parallel_loop3A_98 = arith.constant 80 : index
        %parallel_loop3A_99 = tpu.vector_load %arg10[%parallel_loop3A_97, %parallel_loop3A_98] {strides = array<i32>} : memref<128x128xf32, #tpu.memory_space<vmem>>, vector<16xf32>,
        %parallel_loop3A_100 = arith.mulf %parallel_loop3A_99, %parallel_loop3A_61 : vector<16xf32>
        %parallel_loop3A_101 = arith.index_cast %parallel_loop3A_58 : i32 to index
        %parallel_loop3A_102 = arith.constant 80 : index
        %parallel_loop3A_103 = tpu.vector_load %arg10[%parallel_loop3A_101, %parallel_loop3A_102] {strides = array<i32>} : memref<128x128xf32, #tpu.memory_space<vmem>>, vector<16xf32>,
        tpu.vector_store %arg10[%parallel_loop3A_101, %parallel_loop3A_102], %parallel_loop3A_100 {strides = array<i32>} : memref<128x128xf32, #tpu.memory_space<vmem>>, vector<16xf32>,
        %parallel_loop3A_104 = arith.index_cast %parallel_loop3A_58 : i32 to index
        %parallel_loop3A_105 = arith.constant 96 : index
        %parallel_loop3A_106 = tpu.vector_load %arg10[%parallel_loop3A_104, %parallel_loop3A_105] {strides = array<i32>} : memref<128x128xf32, #tpu.memory_space<vmem>>, vector<16xf32>,
        %parallel_loop3A_107 = arith.mulf %parallel_loop3A_106, %parallel_loop3A_61 : vector<16xf32>
        %parallel_loop3A_108 = arith.index_cast %parallel_loop3A_58 : i32 to index
        %parallel_loop3A_109 = arith.constant 96 : index
        %parallel_loop3A_110 = tpu.vector_load %arg10[%parallel_loop3A_108, %parallel_loop3A_109] {strides = array<i32>} : memref<128x128xf32, #tpu.memory_space<vmem>>, vector<16xf32>,
        tpu.vector_store %arg10[%parallel_loop3A_108, %parallel_loop3A_109], %parallel_loop3A_107 {strides = array<i32>} : memref<128x128xf32, #tpu.memory_space<vmem>>, vector<16xf32>,
        %parallel_loop3A_111 = arith.index_cast %parallel_loop3A_58 : i32 to index
        %parallel_loop3A_112 = arith.constant 112 : index
        %parallel_loop3A_113 = tpu.vector_load %arg10[%parallel_loop3A_111, %parallel_loop3A_112] {strides = array<i32>} : memref<128x128xf32, #tpu.memory_space<vmem>>, vector<16xf32>,
        %parallel_loop3A_114 = arith.mulf %parallel_loop3A_113, %parallel_loop3A_61 : vector<16xf32>
        %parallel_loop3A_115 = arith.index_cast %parallel_loop3A_58 : i32 to index
        %parallel_loop3A_116 = arith.constant 112 : index
        %parallel_loop3A_117 = tpu.vector_load %arg10[%parallel_loop3A_115, %parallel_loop3A_116] {strides = array<i32>} : memref<128x128xf32, #tpu.memory_space<vmem>>, vector<16xf32>,
        tpu.vector_store %arg10[%parallel_loop3A_115, %parallel_loop3A_116], %parallel_loop3A_114 {strides = array<i32>} : memref<128x128xf32, #tpu.memory_space<vmem>>, vector<16xf32>,
      } {sc.loop_unroll_factor = 8 : i64, sc.parallel_access}
      "tpu.region"() ({
        %run_scoped3A = tpu.sem_alloc : memref<!tpu.dma_semaphore, #tpu.memory_space<semaphore_mem>>
        %dma_start3A_58 = arith.constant 0 : i32
        %dma_start3A_59 = tpu.memref_slice %arg8[%scan3A_45, %dma_start3A_58] : memref<80x128xi32, #tpu.memory_space<vmem>> -> memref<1x128xi32, #tpu.memory_space<vmem>>
        %dma_start3A_60 = tpu.memref_squeeze %dma_start3A_59 : memref<1x128xi32, #tpu.memory_space<vmem>> -> memref<128xi32, #tpu.memory_space<vmem>>
        %dma_start3A_61 = arith.constant 0 : i32
        %dma_start3A_62 = arith.constant 0 : i32
        %dma_start3A_63 = tpu.memref_slice %arg11[%dma_start3A_61, %dma_start3A_62] : memref<10240x128xf32, #tpu.memory_space<vmem_shared>> -> memref<10240x128xf32, #tpu.memory_space<vmem_shared>>
        tpu.enqueue_indirect_dma source(%arg10 : memref<128x128xf32, #tpu.memory_space<vmem>>) target(%dma_start3A_63 : memref<10240x128xf32, #tpu.memory_space<vmem_shared>>) offsets(%dma_start3A_60 : memref<128xi32, #tpu.memory_space<vmem>>) semaphore(%run_scoped3A : memref<!tpu.dma_semaphore, #tpu.memory_space<semaphore_mem>>) {add = true}
        %dma_wait3A_64 = arith.constant 0 : i32
        %dma_wait3A_65 = tpu.memref_slice %arg8[%scan3A_45, %dma_wait3A_64] : memref<80x128xi32, #tpu.memory_space<vmem>> -> memref<1x128xi32, #tpu.memory_space<vmem>>
        %dma_wait3A_66 = tpu.memref_squeeze %dma_wait3A_65 : memref<1x128xi32, #tpu.memory_space<vmem>> -> memref<128xi32, #tpu.memory_space<vmem>>
        %dma_wait3A_67 = arith.constant 0 : i32
        %dma_wait3A_68 = arith.constant 0 : i32
        %dma_wait3A_69 = tpu.memref_slice %arg11[%dma_wait3A_67, %dma_wait3A_68] : memref<10240x128xf32, #tpu.memory_space<vmem_shared>> -> memref<10240x128xf32, #tpu.memory_space<vmem_shared>>
        tpu.wait_indirect_dma semaphore(%run_scoped3A : memref<!tpu.dma_semaphore, #tpu.memory_space<semaphore_mem>>) src(%arg10 : memref<128x128xf32, #tpu.memory_space<vmem>>) dst(%dma_wait3A_69 : memref<10240x128xf32, #tpu.memory_space<vmem_shared>>)
        tpu.yield
      }) : () -> ()
    }
    %scan3A_23 = arith.constant 80 : i32
    %barrier3A_24 = arith.constant 0 : index
    tpu.barrier barrier_id(%barrier3A_24)
    %add3A_25 = arith.constant 0 : i32
    %add3A_26 = arith.addi %mul3A_7, %add3A_25 : i32
    %add3A_27 = arith.constant 0 : i32
    %add3A_28 = arith.addi %mul3A_7, %add3A_27 : i32
    "tpu.region"() ({
      %run_scoped3A = tpu.sem_alloc : memref<!tpu.dma_semaphore, #tpu.memory_space<semaphore_mem>>
      %dma_start3A = arith.constant 0 : i32
      %dma_start3A_45 = tpu.memref_slice %arg6[%arg0, %add3A_28, %dma_start3A] : memref<2x10240x128xf32, #tpu.memory_space<hbm>> -> memref<1x128x128xf32, #tpu.memory_space<hbm>>
      %dma_start3A_46 = tpu.memref_squeeze %dma_start3A_45 : memref<1x128x128xf32, #tpu.memory_space<hbm>> -> memref<128x128xf32, #tpu.memory_space<hbm>>
      %dma_start3A_47 = arith.constant 0 : i32
      %dma_start3A_48 = tpu.memref_slice %arg11[%add3A_26, %dma_start3A_47] : memref<10240x128xf32, #tpu.memory_space<vmem_shared>> -> memref<128x128xf32, #tpu.memory_space<vmem_shared>>
      tpu.enqueue_dma source(%dma_start3A_48 : memref<128x128xf32, #tpu.memory_space<vmem_shared>>) target(%dma_start3A_46 : memref<128x128xf32, #tpu.memory_space<hbm>>) target_semaphore(%run_scoped3A : memref<!tpu.dma_semaphore, #tpu.memory_space<semaphore_mem>>)
      %dma_wait3A = arith.constant 0 : i32
      %dma_wait3A_49 = tpu.memref_slice %arg6[%arg0, %add3A_28, %dma_wait3A] : memref<2x10240x128xf32, #tpu.memory_space<hbm>> -> memref<1x128x128xf32, #tpu.memory_space<hbm>>
      %dma_wait3A_50 = tpu.memref_squeeze %dma_wait3A_49 : memref<1x128x128xf32, #tpu.memory_space<hbm>> -> memref<128x128xf32, #tpu.memory_space<hbm>>
      %dma_wait3A_51 = arith.constant 0 : i32
      %dma_wait3A_52 = tpu.memref_slice %arg11[%add3A_26, %dma_wait3A_51] : memref<10240x128xf32, #tpu.memory_space<vmem_shared>> -> memref<128x128xf32, #tpu.memory_space<vmem_shared>>
      tpu.wait_dma2 semaphore(%run_scoped3A : memref<!tpu.dma_semaphore, #tpu.memory_space<semaphore_mem>>) src(%dma_wait3A_52 : memref<128x128xf32, #tpu.memory_space<vmem_shared>>) dst(%dma_wait3A_50 : memref<128x128xf32, #tpu.memory_space<hbm>>)
      tpu.yield
    }) : () -> ()
    %add3A_29 = arith.constant 128 : i32
    %add3A_30 = arith.addi %mul3A_7, %add3A_29 : i32
    %add3A_31 = arith.constant 128 : i32
    %add3A_32 = arith.addi %mul3A_7, %add3A_31 : i32
    "tpu.region"() ({
      %run_scoped3A = tpu.sem_alloc : memref<!tpu.dma_semaphore, #tpu.memory_space<semaphore_mem>>
      %dma_start3A = arith.constant 0 : i32
      %dma_start3A_45 = tpu.memref_slice %arg6[%arg0, %add3A_32, %dma_start3A] : memref<2x10240x128xf32, #tpu.memory_space<hbm>> -> memref<1x128x128xf32, #tpu.memory_space<hbm>>
      %dma_start3A_46 = tpu.memref_squeeze %dma_start3A_45 : memref<1x128x128xf32, #tpu.memory_space<hbm>> -> memref<128x128xf32, #tpu.memory_space<hbm>>
      %dma_start3A_47 = arith.constant 0 : i32
      %dma_start3A_48 = tpu.memref_slice %arg11[%add3A_30, %dma_start3A_47] : memref<10240x128xf32, #tpu.memory_space<vmem_shared>> -> memref<128x128xf32, #tpu.memory_space<vmem_shared>>
      tpu.enqueue_dma source(%dma_start3A_48 : memref<128x128xf32, #tpu.memory_space<vmem_shared>>) target(%dma_start3A_46 : memref<128x128xf32, #tpu.memory_space<hbm>>) target_semaphore(%run_scoped3A : memref<!tpu.dma_semaphore, #tpu.memory_space<semaphore_mem>>)
      %dma_wait3A = arith.constant 0 : i32
      %dma_wait3A_49 = tpu.memref_slice %arg6[%arg0, %add3A_32, %dma_wait3A] : memref<2x10240x128xf32, #tpu.memory_space<hbm>> -> memref<1x128x128xf32, #tpu.memory_space<hbm>>
      %dma_wait3A_50 = tpu.memref_squeeze %dma_wait3A_49 : memref<1x128x128xf32, #tpu.memory_space<hbm>> -> memref<128x128xf32, #tpu.memory_space<hbm>>
      %dma_wait3A_51 = arith.constant 0 : i32
      %dma_wait3A_52 = tpu.memref_slice %arg11[%add3A_30, %dma_wait3A_51] : memref<10240x128xf32, #tpu.memory_space<vmem_shared>> -> memref<128x128xf32, #tpu.memory_space<vmem_shared>>
      tpu.wait_dma2 semaphore(%run_scoped3A : memref<!tpu.dma_semaphore, #tpu.memory_space<semaphore_mem>>) src(%dma_wait3A_52 : memref<128x128xf32, #tpu.memory_space<vmem_shared>>) dst(%dma_wait3A_50 : memref<128x128xf32, #tpu.memory_space<hbm>>)
      tpu.yield
    }) : () -> ()
    %add3A_33 = arith.constant 256 : i32
    %add3A_34 = arith.addi %mul3A_7, %add3A_33 : i32
    %add3A_35 = arith.constant 256 : i32
    %add3A_36 = arith.addi %mul3A_7, %add3A_35 : i32
    "tpu.region"() ({
      %run_scoped3A = tpu.sem_alloc : memref<!tpu.dma_semaphore, #tpu.memory_space<semaphore_mem>>
      %dma_start3A = arith.constant 0 : i32
      %dma_start3A_45 = tpu.memref_slice %arg6[%arg0, %add3A_36, %dma_start3A] : memref<2x10240x128xf32, #tpu.memory_space<hbm>> -> memref<1x128x128xf32, #tpu.memory_space<hbm>>
      %dma_start3A_46 = tpu.memref_squeeze %dma_start3A_45 : memref<1x128x128xf32, #tpu.memory_space<hbm>> -> memref<128x128xf32, #tpu.memory_space<hbm>>
      %dma_start3A_47 = arith.constant 0 : i32
      %dma_start3A_48 = tpu.memref_slice %arg11[%add3A_34, %dma_start3A_47] : memref<10240x128xf32, #tpu.memory_space<vmem_shared>> -> memref<128x128xf32, #tpu.memory_space<vmem_shared>>
      tpu.enqueue_dma source(%dma_start3A_48 : memref<128x128xf32, #tpu.memory_space<vmem_shared>>) target(%dma_start3A_46 : memref<128x128xf32, #tpu.memory_space<hbm>>) target_semaphore(%run_scoped3A : memref<!tpu.dma_semaphore, #tpu.memory_space<semaphore_mem>>)
      %dma_wait3A = arith.constant 0 : i32
      %dma_wait3A_49 = tpu.memref_slice %arg6[%arg0, %add3A_36, %dma_wait3A] : memref<2x10240x128xf32, #tpu.memory_space<hbm>> -> memref<1x128x128xf32, #tpu.memory_space<hbm>>
      %dma_wait3A_50 = tpu.memref_squeeze %dma_wait3A_49 : memref<1x128x128xf32, #tpu.memory_space<hbm>> -> memref<128x128xf32, #tpu.memory_space<hbm>>
      %dma_wait3A_51 = arith.constant 0 : i32
      %dma_wait3A_52 = tpu.memref_slice %arg11[%add3A_34, %dma_wait3A_51] : memref<10240x128xf32, #tpu.memory_space<vmem_shared>> -> memref<128x128xf32, #tpu.memory_space<vmem_shared>>
      tpu.wait_dma2 semaphore(%run_scoped3A : memref<!tpu.dma_semaphore, #tpu.memory_space<semaphore_mem>>) src(%dma_wait3A_52 : memref<128x128xf32, #tpu.memory_space<vmem_shared>>) dst(%dma_wait3A_50 : memref<128x128xf32, #tpu.memory_space<hbm>>)
      tpu.yield
    }) : () -> ()
    %add3A_37 = arith.constant 384 : i32
    %add3A_38 = arith.addi %mul3A_7, %add3A_37 : i32
    %add3A_39 = arith.constant 384 : i32
    %add3A_40 = arith.addi %mul3A_7, %add3A_39 : i32
    "tpu.region"() ({
      %run_scoped3A = tpu.sem_alloc : memref<!tpu.dma_semaphore, #tpu.memory_space<semaphore_mem>>
      %dma_start3A = arith.constant 0 : i32
      %dma_start3A_45 = tpu.memref_slice %arg6[%arg0, %add3A_40, %dma_start3A] : memref<2x10240x128xf32, #tpu.memory_space<hbm>> -> memref<1x128x128xf32, #tpu.memory_space<hbm>>
      %dma_start3A_46 = tpu.memref_squeeze %dma_start3A_45 : memref<1x128x128xf32, #tpu.memory_space<hbm>> -> memref<128x128xf32, #tpu.memory_space<hbm>>
      %dma_start3A_47 = arith.constant 0 : i32
      %dma_start3A_48 = tpu.memref_slice %arg11[%add3A_38, %dma_start3A_47] : memref<10240x128xf32, #tpu.memory_space<vmem_shared>> -> memref<128x128xf32, #tpu.memory_space<vmem_shared>>
      tpu.enqueue_dma source(%dma_start3A_48 : memref<128x128xf32, #tpu.memory_space<vmem_shared>>) target(%dma_start3A_46 : memref<128x128xf32, #tpu.memory_space<hbm>>) target_semaphore(%run_scoped3A : memref<!tpu.dma_semaphore, #tpu.memory_space<semaphore_mem>>)
      %dma_wait3A = arith.constant 0 : i32
      %dma_wait3A_49 = tpu.memref_slice %arg6[%arg0, %add3A_40, %dma_wait3A] : memref<2x10240x128xf32, #tpu.memory_space<hbm>> -> memref<1x128x128xf32, #tpu.memory_space<hbm>>
      %dma_wait3A_50 = tpu.memref_squeeze %dma_wait3A_49 : memref<1x128x128xf32, #tpu.memory_space<hbm>> -> memref<128x128xf32, #tpu.memory_space<hbm>>
      %dma_wait3A_51 = arith.constant 0 : i32
      %dma_wait3A_52 = tpu.memref_slice %arg11[%add3A_38, %dma_wait3A_51] : memref<10240x128xf32, #tpu.memory_space<vmem_shared>> -> memref<128x128xf32, #tpu.memory_space<vmem_shared>>
      tpu.wait_dma2 semaphore(%run_scoped3A : memref<!tpu.dma_semaphore, #tpu.memory_space<semaphore_mem>>) src(%dma_wait3A_52 : memref<128x128xf32, #tpu.memory_space<vmem_shared>>) dst(%dma_wait3A_50 : memref<128x128xf32, #tpu.memory_space<hbm>>)
      tpu.yield
    }) : () -> ()
    %add3A_41 = arith.constant 512 : i32
    %add3A_42 = arith.addi %mul3A_7, %add3A_41 : i32
    %add3A_43 = arith.constant 512 : i32
    %add3A_44 = arith.addi %mul3A_7, %add3A_43 : i32
    "tpu.region"() ({
      %run_scoped3A = tpu.sem_alloc : memref<!tpu.dma_semaphore, #tpu.memory_space<semaphore_mem>>
      %dma_start3A = arith.constant 0 : i32
      %dma_start3A_45 = tpu.memref_slice %arg6[%arg0, %add3A_44, %dma_start3A] : memref<2x10240x128xf32, #tpu.memory_space<hbm>> -> memref<1x128x128xf32, #tpu.memory_space<hbm>>
      %dma_start3A_46 = tpu.memref_squeeze %dma_start3A_45 : memref<1x128x128xf32, #tpu.memory_space<hbm>> -> memref<128x128xf32, #tpu.memory_space<hbm>>
      %dma_start3A_47 = arith.constant 0 : i32
      %dma_start3A_48 = tpu.memref_slice %arg11[%add3A_42, %dma_start3A_47] : memref<10240x128xf32, #tpu.memory_space<vmem_shared>> -> memref<128x128xf32, #tpu.memory_space<vmem_shared>>
      tpu.enqueue_dma source(%dma_start3A_48 : memref<128x128xf32, #tpu.memory_space<vmem_shared>>) target(%dma_start3A_46 : memref<128x128xf32, #tpu.memory_space<hbm>>) target_semaphore(%run_scoped3A : memref<!tpu.dma_semaphore, #tpu.memory_space<semaphore_mem>>)
      %dma_wait3A = arith.constant 0 : i32
      %dma_wait3A_49 = tpu.memref_slice %arg6[%arg0, %add3A_44, %dma_wait3A] : memref<2x10240x128xf32, #tpu.memory_space<hbm>> -> memref<1x128x128xf32, #tpu.memory_space<hbm>>
      %dma_wait3A_50 = tpu.memref_squeeze %dma_wait3A_49 : memref<1x128x128xf32, #tpu.memory_space<hbm>> -> memref<128x128xf32, #tpu.memory_space<hbm>>
      %dma_wait3A_51 = arith.constant 0 : i32
      %dma_wait3A_52 = tpu.memref_slice %arg11[%add3A_42, %dma_wait3A_51] : memref<10240x128xf32, #tpu.memory_space<vmem_shared>> -> memref<128x128xf32, #tpu.memory_space<vmem_shared>>
      tpu.wait_dma2 semaphore(%run_scoped3A : memref<!tpu.dma_semaphore, #tpu.memory_space<semaphore_mem>>) src(%dma_wait3A_52 : memref<128x128xf32, #tpu.memory_space<vmem_shared>>) dst(%dma_wait3A_50 : memref<128x128xf32, #tpu.memory_space<hbm>>)
      tpu.yield
    }) : () -> ()
    return
  }
}

module attributes {stable_mosaic.version = 14 : i64} {
  func.func @_tc1_body(%arg0: i32, %arg1: memref<2x1000x128xf32, #tpu.memory_space<vmem>>, %arg2: memref<1000x128xf32, #tpu.memory_space<vmem>>, %arg3: memref<128x128xf32, #tpu.memory_space<vmem>>, %arg4: memref<1x128xf32, #tpu.memory_space<vmem>>, %arg5: memref<128x128xf32, #tpu.memory_space<vmem>>, %arg6: memref<1000x128xf32, #tpu.memory_space<vmem>>) attributes {dimension_semantics = [#tpu.dimension_semantics<arbitrary>], iteration_bounds = array<i64: 10>, scalar_prefetch = 0 : i64, scratch_operands = 0 : i64, tpu.core_type = #tpu.core_type<tc>, window_params = [{transform_indices = @transform_0, window_bounds = array<i64: 2, 1000, 128>}, {transform_indices = @transform_1, window_bounds = array<i64: 1000, 128>}, {pipeline_mode = #tpu.pipeline_mode<synchronous>, transform_indices = @transform_2, window_bounds = array<i64: 128, 128>}, {pipeline_mode = #tpu.pipeline_mode<synchronous>, transform_indices = @transform_3, window_bounds = array<i64: 1, 128>}, {pipeline_mode = #tpu.pipeline_mode<synchronous>, transform_indices = @transform_4, window_bounds = array<i64: 128, 128>}, {transform_indices = @transform_5, window_bounds = array<i64: 1000, 128>}]} {
    %get3A = arith.constant 0 : index
    %get3A_0 = arith.constant 0 : index
    %get3A_1 = arith.constant 0 : index
    %get3A_2 = vector.load %arg1[%get3A, %get3A_0, %get3A_1] : memref<2x1000x128xf32, #tpu.memory_space<vmem>>, vector<1x1000x128xf32>
    %get3A_3 = vector.shape_cast %get3A_2 : vector<1x1000x128xf32> to vector<1000x128xf32>
    %get3A_4 = arith.constant 1 : index
    %get3A_5 = arith.constant 0 : index
    %get3A_6 = arith.constant 0 : index
    %get3A_7 = vector.load %arg1[%get3A_4, %get3A_5, %get3A_6] : memref<2x1000x128xf32, #tpu.memory_space<vmem>>, vector<1x1000x128xf32>
    %get3A_8 = vector.shape_cast %get3A_7 : vector<1x1000x128xf32> to vector<1000x128xf32>
    %add3A = arith.addf %get3A_3, %get3A_8 : vector<1000x128xf32>
    %get3A_9 = arith.constant 0 : index
    %get3A_10 = arith.constant 0 : index
    %get3A_11 = vector.load %arg3[%get3A_9, %get3A_10] : memref<128x128xf32, #tpu.memory_space<vmem>>, vector<128x128xf32>
    %dot_general3A = arith.constant dense<0.000000e+00> : vector<1000x128xf32>
    %dot_general3A_12 = tpu.matmul %add3A, %get3A_11, %dot_general3A {dimension_numbers = #tpu.dot_dimension_numbers<[1], [1], [0], [0], [0, 0, 1, 0], [], []>, transpose_lhs_hint = false} : vector<1000x128xf32>, vector<128x128xf32>, vector<1000x128xf32> -> vector<1000x128xf32>
    %get3A_13 = arith.constant 0 : index
    %get3A_14 = arith.constant 0 : index
    %get3A_15 = vector.load %arg4[%get3A_13, %get3A_14] : memref<1x128xf32, #tpu.memory_space<vmem>>, vector<1x128xf32>
    %add3A_16 = vector.broadcast %get3A_15 : vector<1x128xf32> to vector<1000x128xf32>
    %add3A_17 = arith.addf %dot_general3A_12, %add3A_16 : vector<1000x128xf32>
    %get3A_18 = arith.constant 0 : index
    %get3A_19 = arith.constant 0 : index
    %get3A_20 = vector.load %arg2[%get3A_18, %get3A_19] : memref<1000x128xf32, #tpu.memory_space<vmem>>, vector<1000x128xf32>
    %get3A_21 = arith.constant 0 : index
    %get3A_22 = arith.constant 0 : index
    %get3A_23 = vector.load %arg5[%get3A_21, %get3A_22] : memref<128x128xf32, #tpu.memory_space<vmem>>, vector<128x128xf32>
    %dot_general3A_24 = arith.constant dense<0.000000e+00> : vector<1000x128xf32>
    %dot_general3A_25 = tpu.matmul %get3A_20, %get3A_23, %dot_general3A_24 {dimension_numbers = #tpu.dot_dimension_numbers<[1], [1], [0], [0], [0, 0, 1, 0], [], []>, transpose_lhs_hint = false} : vector<1000x128xf32>, vector<128x128xf32>, vector<1000x128xf32> -> vector<1000x128xf32>
    %add3A_26 = arith.addf %add3A_17, %dot_general3A_25 : vector<1000x128xf32>
    %gt3A = arith.constant 0.000000e+00 : f32
    %gt3A_27 = vector.broadcast %gt3A : f32 to vector<1000x128xf32>
    %gt3A_28 = arith.cmpf ogt, %add3A_26, %gt3A_27 : vector<1000x128xf32>
    %mul3A = arith.constant 5.000000e-02 : f32
    %mul3A_29 = vector.broadcast %mul3A : f32 to vector<1000x128xf32>
    %mul3A_30 = arith.mulf %mul3A_29, %add3A_26 : vector<1000x128xf32>
    %select_n3A = arith.select %gt3A_28, %add3A_26, %mul3A_30 : vector<1000x128xi1>, vector<1000x128xf32>
    %swap3A = arith.constant 0 : index
    %swap3A_31 = arith.constant 0 : index
    %swap3A_32 = vector.load %arg6[%swap3A, %swap3A_31] : memref<1000x128xf32, #tpu.memory_space<vmem>>, vector<1000x128xf32>
    tpu.vector_store %arg6[%swap3A, %swap3A_31], %select_n3A {strides = array<i32>} : memref<1000x128xf32, #tpu.memory_space<vmem>>, vector<1000x128xf32>,
    return
  }
  func.func @transform_0(%arg0: i32) -> (i32, i32, i32) {
    %c0_i32 = arith.constant 0 : i32
    %c0_i32_0 = arith.constant 0 : i32
    %c0_i32_1 = arith.constant 0 : i32
    return %c0_i32, %arg0, %c0_i32_0 : i32, i32, i32
  }
  func.func @transform_1(%arg0: i32) -> (i32, i32) {
    %c0_i32 = arith.constant 0 : i32
    %c0_i32_0 = arith.constant 0 : i32
    return %arg0, %c0_i32 : i32, i32
  }
  func.func @transform_2(%arg0: i32) -> (i32, i32) {
    %c0_i32 = arith.constant 0 : i32
    %c0_i32_0 = arith.constant 0 : i32
    %c0_i32_1 = arith.constant 0 : i32
    return %c0_i32, %c0_i32_0 : i32, i32
  }
  func.func @transform_3(%arg0: i32) -> (i32, i32) {
    %c0_i32 = arith.constant 0 : i32
    %c0_i32_0 = arith.constant 0 : i32
    %c0_i32_1 = arith.constant 0 : i32
    return %c0_i32, %c0_i32_0 : i32, i32
  }
  func.func @transform_4(%arg0: i32) -> (i32, i32) {
    %c0_i32 = arith.constant 0 : i32
    %c0_i32_0 = arith.constant 0 : i32
    %c0_i32_1 = arith.constant 0 : i32
    return %c0_i32, %c0_i32_0 : i32, i32
  }
  func.func @transform_5(%arg0: i32) -> (i32, i32) {
    %c0_i32 = arith.constant 0 : i32
    %c0_i32_0 = arith.constant 0 : i32
    return %arg0, %c0_i32 : i32, i32
  }
}

module attributes {stable_mosaic.version = 14 : i64} {
  func.func @_tc2_body(%arg0: i32, %arg1: memref<2x1000x128xf32, #tpu.memory_space<vmem>>, %arg2: memref<1000x128xf32, #tpu.memory_space<vmem>>, %arg3: memref<1000x128xf32, #tpu.memory_space<vmem>>, %arg4: memref<1x1x1000xi32, #tpu.memory_space<vmem>>, %arg5: memref<128x128xf32, #tpu.memory_space<vmem>>, %arg6: memref<1x128xf32, #tpu.memory_space<vmem>>, %arg7: memref<128x128xf32, #tpu.memory_space<vmem>>, %arg8: memref<128x128xf32, #tpu.memory_space<vmem>>, %arg9: memref<128x128xf32, #tpu.memory_space<vmem>>, %arg10: memref<1x128xf32, #tpu.memory_space<vmem>>, %arg11: memref<128x128xf32, #tpu.memory_space<vmem>>, %arg12: memref<128x128xf32, #tpu.memory_space<vmem>>, %arg13: memref<1x128xf32, #tpu.memory_space<vmem>>, %arg14: memref<128x128xf32, #tpu.memory_space<vmem>>, %arg15: memref<1x128xf32, #tpu.memory_space<vmem>>, %arg16: memref<258x128xf32, #tpu.memory_space<vmem>>, %arg17: memref<1x258xf32, #tpu.memory_space<vmem>>, %arg18: memref<128x258xf32, #tpu.memory_space<vmem>>, %arg19: memref<1x1xf32, #tpu.memory_space<vmem>>, %arg20: memref<128x1xf32, #tpu.memory_space<vmem>>, %arg21: memref<128x128xf32, #tpu.memory_space<vmem>>) attributes {dimension_semantics = [#tpu.dimension_semantics<arbitrary>], iteration_bounds = array<i64: 10>, scalar_prefetch = 0 : i64, scratch_operands = 1 : i64, tpu.core_type = #tpu.core_type<tc>, window_params = [{transform_indices = @transform_0, window_bounds = array<i64: 2, 1000, 128>}, {transform_indices = @transform_1, window_bounds = array<i64: 1000, 128>}, {transform_indices = @transform_2, window_bounds = array<i64: 1000, 128>}, {transform_indices = @transform_3, window_bounds = array<i64: 1, 1, 1000>}, {pipeline_mode = #tpu.pipeline_mode<synchronous>, transform_indices = @transform_4, window_bounds = array<i64: 128, 128>}, {pipeline_mode = #tpu.pipeline_mode<synchronous>, transform_indices = @transform_5, window_bounds = array<i64: 1, 128>}, {pipeline_mode = #tpu.pipeline_mode<synchronous>, transform_indices = @transform_6, window_bounds = array<i64: 128, 128>}, {pipeline_mode = #tpu.pipeline_mode<synchronous>, transform_indices = @transform_7, window_bounds = array<i64: 128, 128>}, {pipeline_mode = #tpu.pipeline_mode<synchronous>, transform_indices = @transform_8, window_bounds = array<i64: 128, 128>}, {pipeline_mode = #tpu.pipeline_mode<synchronous>, transform_indices = @transform_9, window_bounds = array<i64: 1, 128>}, {pipeline_mode = #tpu.pipeline_mode<synchronous>, transform_indices = @transform_10, window_bounds = array<i64: 128, 128>}, {pipeline_mode = #tpu.pipeline_mode<synchronous>, transform_indices = @transform_11, window_bounds = array<i64: 128, 128>}, {pipeline_mode = #tpu.pipeline_mode<synchronous>, transform_indices = @transform_12, window_bounds = array<i64: 1, 128>}, {pipeline_mode = #tpu.pipeline_mode<synchronous>, transform_indices = @transform_13, window_bounds = array<i64: 128, 128>}, {pipeline_mode = #tpu.pipeline_mode<synchronous>, transform_indices = @transform_14, window_bounds = array<i64: 1, 128>}, {pipeline_mode = #tpu.pipeline_mode<synchronous>, transform_indices = @transform_15, window_bounds = array<i64: 258, 128>}, {pipeline_mode = #tpu.pipeline_mode<synchronous>, transform_indices = @transform_16, window_bounds = array<i64: 1, 258>}, {pipeline_mode = #tpu.pipeline_mode<synchronous>, transform_indices = @transform_17, window_bounds = array<i64: 128, 258>}, {pipeline_mode = #tpu.pipeline_mode<synchronous>, transform_indices = @transform_18, window_bounds = array<i64: 1, 1>}, {pipeline_mode = #tpu.pipeline_mode<synchronous>, transform_indices = @transform_19, window_bounds = array<i64: 128, 1>}]} {
    %get3A = arith.constant 0 : index
    %get3A_0 = arith.constant 0 : index
    %get3A_1 = arith.constant 0 : index
    %get3A_2 = vector.load %arg1[%get3A, %get3A_0, %get3A_1] : memref<2x1000x128xf32, #tpu.memory_space<vmem>>, vector<1x1000x128xf32>
    %get3A_3 = vector.shape_cast %get3A_2 : vector<1x1000x128xf32> to vector<1000x128xf32>
    %get3A_4 = arith.constant 1 : index
    %get3A_5 = arith.constant 0 : index
    %get3A_6 = arith.constant 0 : index
    %get3A_7 = vector.load %arg1[%get3A_4, %get3A_5, %get3A_6] : memref<2x1000x128xf32, #tpu.memory_space<vmem>>, vector<1x1000x128xf32>
    %get3A_8 = vector.shape_cast %get3A_7 : vector<1x1000x128xf32> to vector<1000x128xf32>
    %add3A = arith.addf %get3A_3, %get3A_8 : vector<1000x128xf32>
    %get3A_9 = arith.constant 0 : index
    %get3A_10 = arith.constant 0 : index
    %get3A_11 = vector.load %arg2[%get3A_9, %get3A_10] : memref<1000x128xf32, #tpu.memory_space<vmem>>, vector<1000x128xf32>
    %get3A_12 = arith.constant 0 : index
    %get3A_13 = arith.constant 0 : index
    %get3A_14 = vector.load %arg3[%get3A_12, %get3A_13] : memref<1000x128xf32, #tpu.memory_space<vmem>>, vector<1000x128xf32>
    %get3A_15 = arith.constant 0 : index
    %get3A_16 = arith.constant 0 : index
    %get3A_17 = vector.load %arg5[%get3A_15, %get3A_16] : memref<128x128xf32, #tpu.memory_space<vmem>>, vector<128x128xf32>
    %dot_general3A = arith.constant dense<0.000000e+00> : vector<1000x128xf32>
    %dot_general3A_18 = tpu.matmul %add3A, %get3A_17, %dot_general3A {dimension_numbers = #tpu.dot_dimension_numbers<[1], [1], [0], [0], [0, 0, 1, 0], [], []>, transpose_lhs_hint = false} : vector<1000x128xf32>, vector<128x128xf32>, vector<1000x128xf32> -> vector<1000x128xf32>
    %get3A_19 = arith.constant 0 : index
    %get3A_20 = arith.constant 0 : index
    %get3A_21 = vector.load %arg6[%get3A_19, %get3A_20] : memref<1x128xf32, #tpu.memory_space<vmem>>, vector<1x128xf32>
    %add3A_22 = vector.broadcast %get3A_21 : vector<1x128xf32> to vector<1000x128xf32>
    %add3A_23 = arith.addf %dot_general3A_18, %add3A_22 : vector<1000x128xf32>
    %get3A_24 = arith.constant 0 : index
    %get3A_25 = arith.constant 0 : index
    %get3A_26 = vector.load %arg7[%get3A_24, %get3A_25] : memref<128x128xf32, #tpu.memory_space<vmem>>, vector<128x128xf32>
    %dot_general3A_27 = arith.constant dense<0.000000e+00> : vector<1000x128xf32>
    %dot_general3A_28 = tpu.matmul %get3A_11, %get3A_26, %dot_general3A_27 {dimension_numbers = #tpu.dot_dimension_numbers<[1], [1], [0], [0], [0, 0, 1, 0], [], []>, transpose_lhs_hint = false} : vector<1000x128xf32>, vector<128x128xf32>, vector<1000x128xf32> -> vector<1000x128xf32>
    %add3A_29 = arith.addf %add3A_23, %dot_general3A_28 : vector<1000x128xf32>
    %gt3A = arith.constant 0.000000e+00 : f32
    %gt3A_30 = vector.broadcast %gt3A : f32 to vector<1000x128xf32>
    %gt3A_31 = arith.cmpf ogt, %add3A_29, %gt3A_30 : vector<1000x128xf32>
    %mul3A = arith.constant 5.000000e-02 : f32
    %mul3A_32 = vector.broadcast %mul3A : f32 to vector<1000x128xf32>
    %mul3A_33 = arith.mulf %mul3A_32, %add3A_29 : vector<1000x128xf32>
    %select_n3A = arith.select %gt3A_31, %add3A_29, %mul3A_33 : vector<1000x128xi1>, vector<1000x128xf32>
    %get3A_34 = arith.constant 0 : index
    %get3A_35 = arith.constant 0 : index
    %get3A_36 = vector.load %arg8[%get3A_34, %get3A_35] : memref<128x128xf32, #tpu.memory_space<vmem>>, vector<128x128xf32>
    %dot_general3A_37 = arith.constant dense<0.000000e+00> : vector<1000x128xf32>
    %dot_general3A_38 = tpu.matmul %select_n3A, %get3A_36, %dot_general3A_37 {dimension_numbers = #tpu.dot_dimension_numbers<[1], [1], [0], [0], [0, 0, 1, 0], [], []>, transpose_lhs_hint = false} : vector<1000x128xf32>, vector<128x128xf32>, vector<1000x128xf32> -> vector<1000x128xf32>
    %get3A_39 = arith.constant 0 : index
    %get3A_40 = arith.constant 0 : index
    %get3A_41 = vector.load %arg9[%get3A_39, %get3A_40] : memref<128x128xf32, #tpu.memory_space<vmem>>, vector<128x128xf32>
    %dot_general3A_42 = arith.constant dense<0.000000e+00> : vector<1000x128xf32>
    %dot_general3A_43 = tpu.matmul %get3A_14, %get3A_41, %dot_general3A_42 {dimension_numbers = #tpu.dot_dimension_numbers<[1], [1], [0], [0], [0, 0, 1, 0], [], []>, transpose_lhs_hint = false} : vector<1000x128xf32>, vector<128x128xf32>, vector<1000x128xf32> -> vector<1000x128xf32>
    %add3A_44 = arith.addf %dot_general3A_38, %dot_general3A_43 : vector<1000x128xf32>
    %get3A_45 = arith.constant 0 : index
    %get3A_46 = arith.constant 0 : index
    %get3A_47 = vector.load %arg10[%get3A_45, %get3A_46] : memref<1x128xf32, #tpu.memory_space<vmem>>, vector<1x128xf32>
    %add3A_48 = vector.broadcast %get3A_47 : vector<1x128xf32> to vector<1000x128xf32>
    %add3A_49 = arith.addf %add3A_44, %add3A_48 : vector<1000x128xf32>
    %get3A_50 = arith.constant 0 : index
    %get3A_51 = arith.constant 0 : index
    %get3A_52 = vector.load %arg11[%get3A_50, %get3A_51] : memref<128x128xf32, #tpu.memory_space<vmem>>, vector<128x128xf32>
    %dot_general3A_53 = arith.constant dense<0.000000e+00> : vector<1000x128xf32>
    %dot_general3A_54 = tpu.matmul %select_n3A, %get3A_52, %dot_general3A_53 {dimension_numbers = #tpu.dot_dimension_numbers<[1], [1], [0], [0], [0, 0, 1, 0], [], []>, transpose_lhs_hint = false} : vector<1000x128xf32>, vector<128x128xf32>, vector<1000x128xf32> -> vector<1000x128xf32>
    %get3A_55 = arith.constant 0 : index
    %get3A_56 = arith.constant 0 : index
    %get3A_57 = vector.load %arg12[%get3A_55, %get3A_56] : memref<128x128xf32, #tpu.memory_space<vmem>>, vector<128x128xf32>
    %dot_general3A_58 = arith.constant dense<0.000000e+00> : vector<1000x128xf32>
    %dot_general3A_59 = tpu.matmul %get3A_14, %get3A_57, %dot_general3A_58 {dimension_numbers = #tpu.dot_dimension_numbers<[1], [1], [0], [0], [0, 0, 1, 0], [], []>, transpose_lhs_hint = false} : vector<1000x128xf32>, vector<128x128xf32>, vector<1000x128xf32> -> vector<1000x128xf32>
    %add3A_60 = arith.addf %dot_general3A_54, %dot_general3A_59 : vector<1000x128xf32>
    %get3A_61 = arith.constant 0 : index
    %get3A_62 = arith.constant 0 : index
    %get3A_63 = vector.load %arg13[%get3A_61, %get3A_62] : memref<1x128xf32, #tpu.memory_space<vmem>>, vector<1x128xf32>
    %add3A_64 = vector.broadcast %get3A_63 : vector<1x128xf32> to vector<1000x128xf32>
    %add3A_65 = arith.addf %add3A_60, %add3A_64 : vector<1000x128xf32>
    %jit3A = arith.constant -3.000000e+01 : f32
    %jit3A_66 = arith.constant 3.000000e+01 : f32
    %max3A = vector.broadcast %jit3A : f32 to vector<1000x128xf32>
    %max3A_67 = arith.maximumf %max3A, %add3A_49 : vector<1000x128xf32>
    %min3A = vector.broadcast %jit3A_66 : f32 to vector<1000x128xf32>
    %min3A_68 = arith.minimumf %min3A, %max3A_67 : vector<1000x128xf32>
    %exp3A = math.exp %min3A_68 : vector<1000x128xf32>
    %add3A_69 = arith.constant 1.000000e+00 : f32
    %add3A_70 = vector.broadcast %add3A_69 : f32 to vector<1000x128xf32>
    %add3A_71 = arith.addf %add3A_70, %exp3A : vector<1000x128xf32>
    %div3A = arith.constant 1.000000e+00 : f32
    %div3A_72 = vector.broadcast %div3A : f32 to vector<1000x128xf32>
    %div3A_73 = arith.divf %div3A_72, %add3A_71 : vector<1000x128xf32>
    %tanh3A = math.tanh %add3A_65 : vector<1000x128xf32>
    %mul3A_74 = arith.mulf %div3A_73, %tanh3A : vector<1000x128xf32>
    %iota3A = tpu.iota {dimensions = array<i32: 0>} : vector<128x1000xi32>
    %get3A_75 = arith.constant 0 : index
    %get3A_76 = arith.constant 0 : index
    %get3A_77 = arith.constant 0 : index
    %get3A_78 = vector.load %arg4[%get3A_75, %get3A_76, %get3A_77] : memref<1x1x1000xi32, #tpu.memory_space<vmem>>, vector<1x1x1000xi32>
    %get3A_79 = vector.shape_cast %get3A_78 : vector<1x1x1000xi32> to vector<1x1000xi32>
    %eq3A = vector.broadcast %get3A_79 : vector<1x1000xi32> to vector<128x1000xi32>
    %eq3A_80 = arith.cmpi eq, %eq3A, %iota3A : vector<128x1000xi32>
    %convert_element_type3A = arith.extui %eq3A_80 : vector<128x1000xi1> to vector<128x1000xi32>
    %convert_element_type3A_81 = arith.sitofp %convert_element_type3A : vector<128x1000xi32> to vector<128x1000xf32>
    %dot_general3A_82 = arith.constant dense<0.000000e+00> : vector<128x128xf32>
    %dot_general3A_83 = tpu.matmul %convert_element_type3A_81, %mul3A_74, %dot_general3A_82 {dimension_numbers = #tpu.dot_dimension_numbers<[1], [0], [0], [1], [0, 0, 1, 1], [], []>, precision = #tpu.contract_precision<fp32>, transpose_lhs_hint = false} : vector<128x1000xf32>, vector<1000x128xf32>, vector<128x128xf32> -> vector<128x128xf32>
    %eq3A_84 = arith.constant 0 : i32
    %eq3A_85 = arith.cmpi eq, %arg0, %eq3A_84 : i32
    %convert_element_type3A_86 = arith.extui %eq3A_85 : i1 to i32
    %cond3A = arith.constant 0 : i32
    %cond3A_87 = arith.cmpi ne, %convert_element_type3A_86, %cond3A : i32
    scf.if %cond3A_87 {
      %swap3A = arith.constant 0 : index
      %swap3A_98 = arith.constant 0 : index
      %swap3A_99 = vector.load %arg21[%swap3A, %swap3A_98] : memref<128x128xf32, #tpu.memory_space<vmem>>, vector<128x128xf32>
      tpu.vector_store %arg21[%swap3A, %swap3A_98], %dot_general3A_83 {strides = array<i32>} : memref<128x128xf32, #tpu.memory_space<vmem>>, vector<128x128xf32>,
    } else {
    }
    %gt3A_88 = arith.constant 0 : i32
    %gt3A_89 = arith.cmpi sgt, %arg0, %gt3A_88 : i32
    %convert_element_type3A_90 = arith.extui %gt3A_89 : i1 to i32
    %cond3A_91 = arith.constant 0 : i32
    %cond3A_92 = arith.cmpi ne, %convert_element_type3A_90, %cond3A_91 : i32
    scf.if %cond3A_92 {
      %get3A_98 = arith.constant 0 : index
      %get3A_99 = arith.constant 0 : index
      %get3A_100 = vector.load %arg21[%get3A_98, %get3A_99] : memref<128x128xf32, #tpu.memory_space<vmem>>, vector<128x128xf32>
      %add3A_101 = arith.addf %get3A_100, %dot_general3A_83 : vector<128x128xf32>
      %swap3A = arith.constant 0 : index
      %swap3A_102 = arith.constant 0 : index
      %swap3A_103 = vector.load %arg21[%swap3A, %swap3A_102] : memref<128x128xf32, #tpu.memory_space<vmem>>, vector<128x128xf32>
      tpu.vector_store %arg21[%swap3A, %swap3A_102], %add3A_101 {strides = array<i32>} : memref<128x128xf32, #tpu.memory_space<vmem>>, vector<128x128xf32>,
    } else {
    }
    %eq3A_93 = arith.constant 9 : i32
    %eq3A_94 = arith.cmpi eq, %arg0, %eq3A_93 : i32
    %convert_element_type3A_95 = arith.extui %eq3A_94 : i1 to i32
    %cond3A_96 = arith.constant 0 : i32
    %cond3A_97 = arith.cmpi ne, %convert_element_type3A_95, %cond3A_96 : i32
    scf.if %cond3A_97 {
      %get3A_98 = arith.constant 0 : index
      %get3A_99 = arith.constant 0 : index
      %get3A_100 = vector.load %arg21[%get3A_98, %get3A_99] : memref<128x128xf32, #tpu.memory_space<vmem>>, vector<128x128xf32>
      %get3A_101 = arith.constant 0 : index
      %get3A_102 = arith.constant 0 : index
      %get3A_103 = vector.load %arg14[%get3A_101, %get3A_102] : memref<128x128xf32, #tpu.memory_space<vmem>>, vector<128x128xf32>
      %dot_general3A_104 = arith.constant dense<0.000000e+00> : vector<128x128xf32>
      %dot_general3A_105 = tpu.matmul %get3A_100, %get3A_103, %dot_general3A_104 {dimension_numbers = #tpu.dot_dimension_numbers<[1], [1], [0], [0], [0, 0, 1, 0], [], []>, transpose_lhs_hint = false} : vector<128x128xf32>, vector<128x128xf32>, vector<128x128xf32> -> vector<128x128xf32>
      %get3A_106 = arith.constant 0 : index
      %get3A_107 = arith.constant 0 : index
      %get3A_108 = vector.load %arg15[%get3A_106, %get3A_107] : memref<1x128xf32, #tpu.memory_space<vmem>>, vector<1x128xf32>
      %add3A_109 = vector.broadcast %get3A_108 : vector<1x128xf32> to vector<128x128xf32>
      %add3A_110 = arith.addf %dot_general3A_105, %add3A_109 : vector<128x128xf32>
      %gt3A_111 = arith.constant 0.000000e+00 : f32
      %gt3A_112 = vector.broadcast %gt3A_111 : f32 to vector<128x128xf32>
      %gt3A_113 = arith.cmpf ogt, %add3A_110, %gt3A_112 : vector<128x128xf32>
      %mul3A_114 = arith.constant 5.000000e-02 : f32
      %mul3A_115 = vector.broadcast %mul3A_114 : f32 to vector<128x128xf32>
      %mul3A_116 = arith.mulf %mul3A_115, %add3A_110 : vector<128x128xf32>
      %select_n3A_117 = arith.select %gt3A_113, %add3A_110, %mul3A_116 : vector<128x128xi1>, vector<128x128xf32>
      %get3A_118 = arith.constant 0 : index
      %get3A_119 = arith.constant 0 : index
      %get3A_120 = vector.load %arg16[%get3A_118, %get3A_119] : memref<258x128xf32, #tpu.memory_space<vmem>>, vector<258x128xf32>
      %dot_general3A_121 = arith.constant dense<0.000000e+00> : vector<128x258xf32>
      %dot_general3A_122 = tpu.matmul %select_n3A_117, %get3A_120, %dot_general3A_121 {dimension_numbers = #tpu.dot_dimension_numbers<[1], [1], [0], [0], [0, 0, 1, 0], [], []>, transpose_lhs_hint = false} : vector<128x128xf32>, vector<258x128xf32>, vector<128x258xf32> -> vector<128x258xf32>
      %get3A_123 = arith.constant 0 : index
      %get3A_124 = arith.constant 0 : index
      %get3A_125 = vector.load %arg17[%get3A_123, %get3A_124] : memref<1x258xf32, #tpu.memory_space<vmem>>, vector<1x258xf32>
      %add3A_126 = vector.broadcast %get3A_125 : vector<1x258xf32> to vector<128x258xf32>
      %add3A_127 = arith.addf %dot_general3A_122, %add3A_126 : vector<128x258xf32>
      %gt3A_128 = arith.constant 0.000000e+00 : f32
      %gt3A_129 = vector.broadcast %gt3A_128 : f32 to vector<128x258xf32>
      %gt3A_130 = arith.cmpf ogt, %add3A_127, %gt3A_129 : vector<128x258xf32>
      %mul3A_131 = arith.constant 5.000000e-02 : f32
      %mul3A_132 = vector.broadcast %mul3A_131 : f32 to vector<128x258xf32>
      %mul3A_133 = arith.mulf %mul3A_132, %add3A_127 : vector<128x258xf32>
      %select_n3A_134 = arith.select %gt3A_130, %add3A_127, %mul3A_133 : vector<128x258xi1>, vector<128x258xf32>
      %get3A_135 = arith.constant 0 : index
      %get3A_136 = arith.constant 0 : index
      %get3A_137 = vector.load %arg18[%get3A_135, %get3A_136] : memref<128x258xf32, #tpu.memory_space<vmem>>, vector<128x258xf32>
      %dot_general3A_138 = arith.constant dense<0.000000e+00> : vector<128x128xf32>
      %dot_general3A_139 = tpu.matmul %select_n3A_134, %get3A_137, %dot_general3A_138 {dimension_numbers = #tpu.dot_dimension_numbers<[1], [1], [0], [0], [0, 0, 1, 0], [], []>, transpose_lhs_hint = false} : vector<128x258xf32>, vector<128x258xf32>, vector<128x128xf32> -> vector<128x128xf32>
      %slice3A = vector.extract_strided_slice %dot_general3A_139 {offsets = [0, 0], sizes = [128, 1], strides = [1, 1]} : vector<128x128xf32> to vector<128x1xf32>
      %get3A_140 = arith.constant 0 : index
      %get3A_141 = arith.constant 0 : index
      %get3A_142 = vector.load %arg19[%get3A_140, %get3A_141] : memref<1x1xf32, #tpu.memory_space<vmem>>, vector<1x1xf32>
      %get3A_143 = vector.extract %get3A_142[0, 0] : f32 from vector<1x1xf32>
      %add3A_144 = vector.broadcast %get3A_143 : f32 to vector<128x1xf32>
      %add3A_145 = arith.addf %slice3A, %add3A_144 : vector<128x1xf32>
      %neg3A = arith.constant 0.000000e+00 : f32
      %neg3A_146 = vector.broadcast %neg3A : f32 to vector<128x1xf32>
      %neg3A_147 = arith.subf %neg3A_146, %add3A_145 : vector<128x1xf32>
      %exp3A_148 = math.exp %neg3A_147 : vector<128x1xf32>
      %add3A_149 = arith.constant 1.000000e+00 : f32
      %add3A_150 = vector.broadcast %add3A_149 : f32 to vector<128x1xf32>
      %add3A_151 = arith.addf %add3A_150, %exp3A_148 : vector<128x1xf32>
      %div3A_152 = arith.constant 1.000000e+00 : f32
      %div3A_153 = vector.broadcast %div3A_152 : f32 to vector<128x1xf32>
      %div3A_154 = arith.divf %div3A_153, %add3A_151 : vector<128x1xf32>
      %swap3A = arith.constant 0 : index
      %swap3A_155 = arith.constant 0 : index
      %swap3A_156 = vector.load %arg20[%swap3A, %swap3A_155] : memref<128x1xf32, #tpu.memory_space<vmem>>, vector<128x1xf32>
      tpu.vector_store %arg20[%swap3A, %swap3A_155], %div3A_154 {strides = array<i32>} : memref<128x1xf32, #tpu.memory_space<vmem>>, vector<128x1xf32>,
    } else {
    }
    return
  }
  func.func @transform_0(%arg0: i32) -> (i32, i32, i32) {
    %c0_i32 = arith.constant 0 : i32
    %c0_i32_0 = arith.constant 0 : i32
    %c0_i32_1 = arith.constant 0 : i32
    return %c0_i32, %arg0, %c0_i32_0 : i32, i32, i32
  }
  func.func @transform_1(%arg0: i32) -> (i32, i32) {
    %c0_i32 = arith.constant 0 : i32
    %c0_i32_0 = arith.constant 0 : i32
    return %arg0, %c0_i32 : i32, i32
  }
  func.func @transform_2(%arg0: i32) -> (i32, i32) {
    %c0_i32 = arith.constant 0 : i32
    %c0_i32_0 = arith.constant 0 : i32
    return %arg0, %c0_i32 : i32, i32
  }
  func.func @transform_3(%arg0: i32) -> (i32, i32, i32) {
    %c0_i32 = arith.constant 0 : i32
    %c0_i32_0 = arith.constant 0 : i32
    %c0_i32_1 = arith.constant 0 : i32
    return %arg0, %c0_i32, %c0_i32_0 : i32, i32, i32
  }
  func.func @transform_4(%arg0: i32) -> (i32, i32) {
    %c0_i32 = arith.constant 0 : i32
    %c0_i32_0 = arith.constant 0 : i32
    %c0_i32_1 = arith.constant 0 : i32
    return %c0_i32, %c0_i32_0 : i32, i32
  }
  func.func @transform_5(%arg0: i32) -> (i32, i32) {
    %c0_i32 = arith.constant 0 : i32
    %c0_i32_0 = arith.constant 0 : i32
    %c0_i32_1 = arith.constant 0 : i32
    return %c0_i32, %c0_i32_0 : i32, i32
  }
  func.func @transform_6(%arg0: i32) -> (i32, i32) {
    %c0_i32 = arith.constant 0 : i32
    %c0_i32_0 = arith.constant 0 : i32
    %c0_i32_1 = arith.constant 0 : i32
    return %c0_i32, %c0_i32_0 : i32, i32
  }
  func.func @transform_7(%arg0: i32) -> (i32, i32) {
    %c0_i32 = arith.constant 0 : i32
    %c0_i32_0 = arith.constant 0 : i32
    %c0_i32_1 = arith.constant 0 : i32
    return %c0_i32, %c0_i32_0 : i32, i32
  }
  func.func @transform_8(%arg0: i32) -> (i32, i32) {
    %c0_i32 = arith.constant 0 : i32
    %c0_i32_0 = arith.constant 0 : i32
    %c0_i32_1 = arith.constant 0 : i32
    return %c0_i32, %c0_i32_0 : i32, i32
  }
  func.func @transform_9(%arg0: i32) -> (i32, i32) {
    %c0_i32 = arith.constant 0 : i32
    %c0_i32_0 = arith.constant 0 : i32
    %c0_i32_1 = arith.constant 0 : i32
    return %c0_i32, %c0_i32_0 : i32, i32
  }
  func.func @transform_10(%arg0: i32) -> (i32, i32) {
    %c0_i32 = arith.constant 0 : i32
    %c0_i32_0 = arith.constant 0 : i32
    %c0_i32_1 = arith.constant 0 : i32
    return %c0_i32, %c0_i32_0 : i32, i32
  }
  func.func @transform_11(%arg0: i32) -> (i32, i32) {
    %c0_i32 = arith.constant 0 : i32
    %c0_i32_0 = arith.constant 0 : i32
    %c0_i32_1 = arith.constant 0 : i32
    return %c0_i32, %c0_i32_0 : i32, i32
  }
  func.func @transform_12(%arg0: i32) -> (i32, i32) {
    %c0_i32 = arith.constant 0 : i32
    %c0_i32_0 = arith.constant 0 : i32
    %c0_i32_1 = arith.constant 0 : i32
    return %c0_i32, %c0_i32_0 : i32, i32
  }
  func.func @transform_13(%arg0: i32) -> (i32, i32) {
    %c0_i32 = arith.constant 0 : i32
    %c0_i32_0 = arith.constant 0 : i32
    %c0_i32_1 = arith.constant 0 : i32
    return %c0_i32, %c0_i32_0 : i32, i32
  }
  func.func @transform_14(%arg0: i32) -> (i32, i32) {
    %c0_i32 = arith.constant 0 : i32
    %c0_i32_0 = arith.constant 0 : i32
    %c0_i32_1 = arith.constant 0 : i32
    return %c0_i32, %c0_i32_0 : i32, i32
  }
  func.func @transform_15(%arg0: i32) -> (i32, i32) {
    %c0_i32 = arith.constant 0 : i32
    %c0_i32_0 = arith.constant 0 : i32
    %c0_i32_1 = arith.constant 0 : i32
    return %c0_i32, %c0_i32_0 : i32, i32
  }
  func.func @transform_16(%arg0: i32) -> (i32, i32) {
    %c0_i32 = arith.constant 0 : i32
    %c0_i32_0 = arith.constant 0 : i32
    %c0_i32_1 = arith.constant 0 : i32
    return %c0_i32, %c0_i32_0 : i32, i32
  }
  func.func @transform_17(%arg0: i32) -> (i32, i32) {
    %c0_i32 = arith.constant 0 : i32
    %c0_i32_0 = arith.constant 0 : i32
    %c0_i32_1 = arith.constant 0 : i32
    return %c0_i32, %c0_i32_0 : i32, i32
  }
  func.func @transform_18(%arg0: i32) -> (i32, i32) {
    %c0_i32 = arith.constant 0 : i32
    %c0_i32_0 = arith.constant 0 : i32
    %c0_i32_1 = arith.constant 0 : i32
    return %c0_i32, %c0_i32_0 : i32, i32
  }
  func.func @transform_19(%arg0: i32) -> (i32, i32) {
    %c0_i32 = arith.constant 0 : i32
    %c0_i32_0 = arith.constant 0 : i32
    %c0_i32_1 = arith.constant 0 : i32
    return %c0_i32, %c0_i32_0 : i32, i32
  }
}

</mosaic_0001>

<sc_bundles>
// kernel: kernel.6.cloned.1.call-start
scs
__scs_entry_jumppad:
0x0: {  	(pc) =	sbr.rel $0x88, $3  }
0x1: {  	(tag) =	ssettag $0x0;
	lr =	simm.s32 $0x1  }
0x2: {  	[smem:$0x3F8D] =	sst lr;
	_ =	strace $0xD0000000  }
0x3: {  	_ = 	snop  }
0x4: {  	_ = 	snop  }
0x5: {  	_ = 	snop  }
0x6: {  	_ = 	snop  }
0x7: {  	_ = 	snop  }
__scs_overlays_trampoline_lowered:
0x8: {  	[smem:$0x3F9C] =	sst s0  }
0x9: {  	[smem:$0x3F9D] =	sst s1  }
0xa: {  	[smem:$0x3F9E] =	sst s2  }
0xb: {  	[smem:$0x3F9F] =	sst s3  }
0xc: {  	[smem:$0x3FA0] =	sst s4  }
0xd: {  	[smem:$0x3FA1] =	sst s5  }
0xe: {  	[smem:$0x3FA2] =	sst s6  }
0xf: {  	[smem:$0x3FA3] =	sst s7  }
0x10: {  	[smem:$0x3FA4] =	sst s8  }
0x11: {  	[smem:$0x3FA5] =	sst s9;
	s0 =	simm.s32 @!p0 $0x0  }
0x12: {  	s1 =	sld [smem:$0x3F8B];
	s0 =	simm.s32 @p0 $0x1  }
0x13: {  	[smem:$0x3FA6] =	sst s0;
	s0 =	simm.s32 @!p1 $0x0  }
0x14: {  	s2 =	sld [smem:$0x3F8A];
	s0 =	simm.s32 @p1 $0x1  }
0x15: {  	[smem:$0x3FA7] =	sst s0;
	s0 =	simm.s32 @!p2 $0x0  }
0x16: {  	s3 =	sld [smem:$0x3FDB];
	s0 =	simm.s32 @p2 $0x1  }
0x17: {  	s4 =	simm.s32 $0x1BF5;
	[smem:$0x3FA9] =	sst s0  }
0x18: {  	s0 =	sld [smem:$0x3F8C];
	_ =	swait.ge [sflag:s4], $0x0  }
0x19: {  	s7 =	sld [smem:$0x3F8D]  }
0x1a: {  	s8 =	sadd.s32 $0xFFFFE003, lr  }
0x1b: {  	s9 =	sadd.s32 $0xFFFFFEF7, lr;
	s5 =	simm.s32 $0xFFFFFFFF;
	p2 =	slt.u32 s8, $0xFFFFF086  }
0x1c: {  	p1 =	slt.u32 s9, $0xF7A;
	s5 =	simm.s32 @!p2 $0x0  }
0x1d: {  	s5 =	simm.s32 @p1 $0x1;
	p0 =	seq.s32 s7, s2  }
0x1e: {  	s7 =	smul.u32 @!p0 $0xF7A, s2;
	p2 =	seq.s32 @!p0 s5, $0x0  }
0x1f: {  	s9 =	smul.u32 $0xF7A, s1;
	s8 =	simm.s32 @!p0 $0x1BF5;
	p2 =	por !p2, p0  }
0x20: {  	[sflag:s8] =	ssyncset.s32 @!p0 $0xFFFFF086;
	s6 =	sadd.s32 @!p0 s3, s7;
	s7 =	simm.s32 @!p0 $0x108  }
0x21: {  	s3 =	sadd.s32 s3, s9;
	s6 =	sadd.s32 @!p0 $0x88, s6;
	s7 =	simm.s32 @p2 $0x1082  }
0x22: {  	[simem:s7], [sflag:s8] =	dma.local @!p0 [hbm:s6], $0xF7A  }
0x23: {  	s9 =	sor.u32 $0xD0000000, s2;
	s6 =	simm.s32 $0x108;
	_ =	swait.ge @!p0 [sflag:s8], $0x0  }
0x24: {  	s3 =	sadd.s32 $0x88, s3;
	s6 =	simm.s32 @!p1 $0x1082;
	[sflag:s4] =	ssyncset.s32 $0xFFFFF086  }
0x25: {  	[simem:s6], [sflag:s4] =	dma.local [hbm:s3], $0xF7A  }
0x26: {  	[smem:$0x3F8D] =	sst s1;
	(tag) =	ssettag s2;
	_ =	strace s9  }
0x27: {  	s1 =	sld [smem:$0x3F9D]  }
0x28: {  	s2 =	sld [smem:$0x3F9E]  }
0x29: {  	s4 =	sld [smem:$0x3FA0]  }
0x2a: {  	p0 =	seq.s32 s5, $0x0;
	s5 =	sld [smem:$0x3FA1]  }
0x2b: {  	s6 =	sld [smem:$0x3FA2]  }
0x2c: {  	s7 =	sld [smem:$0x3FA3]  }
0x2d: {  	s3 =	simm.s32 $0x108;
	s8 =	sld [smem:$0x3FA4]  }
0x2e: {  	s3 =	simm.s32 @!p0 $0x1082;
	s9 =	sld [smem:$0x3FA5]  }
0x2f: {  	lr =	sadd.s32 s0, s3;
	s0 =	sld [smem:$0x3F9C]  }
0x30: {  	s3 =	sld [smem:$0x3F9F]  }
0x31: {  	[smem:$0x3FA8] =	sst s10  }
0x32: {  	s10 =	sld [smem:$0x3FA6];
	_ =	sdelay $0x3  }
0x33: {  	p0 =	seq.s32 s10, $0x1;
	s10 =	sld [smem:$0x3FA8];
	_ =	sdelay $0x3  }
0x34: {  	[smem:$0x3FA8] =	sst s10  }
0x35: {  	s10 =	sld [smem:$0x3FA7];
	_ =	sdelay $0x3  }
0x36: {  	p1 =	seq.s32 s10, $0x1;
	s10 =	sld [smem:$0x3FA8];
	_ =	sdelay $0x3  }
0x37: {  	[smem:$0x3FA8] =	sst s10  }
0x38: {  	s10 =	sld [smem:$0x3FA9]  }
0x39: {  	_ = 	snop;
	(pc) =	sbr.ind lr, $3  }
0x3a: {  	_ = 	snop  }
0x3b: {  	_ = 	snop  }
0x3c: {  	p2 =	seq.s32 s10, $0x1;
	s10 =	sld [smem:$0x3FA8]  }
0x3d: {  	_ =	shalt  }
0x3e: {  	_ =	shalt  }
0x3f: {  	_ =	shalt  }
0x40: {  	_ =	shalt  }
0x41: {  	_ =	shalt  }
0x42: {  	_ =	shalt  }
0x43: {  	_ =	shalt  }
0x44: {  	_ =	shalt  }
0x45: {  	_ =	shalt  }
0x46: {  	_ =	shalt  }
0x47: {  	_ =	shalt  }
0x48: {  	_ =	shalt  }
0x49: {  	_ =	shalt  }
0x4a: {  	_ =	shalt  }
0x4b: {  	_ =	shalt  }
0x4c: {  	_ =	shalt  }
0x4d: {  	_ =	shalt  }
0x4e: {  	_ =	shalt  }
0x4f: {  	_ =	shalt  }
0x50: {  	_ =	shalt  }
0x51: {  	_ =	shalt  }
0x52: {  	_ =	shalt  }
0x53: {  	_ =	shalt  }
0x54: {  	_ =	shalt  }
0x55: {  	_ =	shalt  }
0x56: {  	_ =	shalt  }
0x57: {  	_ =	shalt  }
0x58: {  	_ =	shalt  }
0x59: {  	_ =	shalt  }
0x5a: {  	_ =	shalt  }
0x5b: {  	_ =	shalt  }
0x5c: {  	_ =	shalt  }
0x5d: {  	_ =	shalt  }
0x5e: {  	_ =	shalt  }
0x5f: {  	_ =	shalt  }
0x60: {  	_ =	shalt  }
0x61: {  	_ =	shalt  }
0x62: {  	_ =	shalt  }
0x63: {  	_ =	shalt  }
0x64: {  	_ =	shalt  }
0x65: {  	_ =	shalt  }
0x66: {  	_ =	shalt  }
0x67: {  	_ =	shalt  }
0x68: {  	_ =	shalt  }
0x69: {  	_ =	shalt  }
0x6a: {  	_ =	shalt  }
0x6b: {  	_ =	shalt  }
0x6c: {  	_ =	shalt  }
0x6d: {  	_ =	shalt  }
0x6e: {  	_ =	shalt  }
0x6f: {  	_ =	shalt  }
0x70: {  	_ =	shalt  }
0x71: {  	_ =	shalt  }
0x72: {  	_ =	shalt  }
0x73: {  	_ =	shalt  }
0x74: {  	_ =	shalt  }
0x75: {  	_ =	shalt  }
0x76: {  	_ =	shalt  }
0x77: {  	_ =	shalt  }
0x78: {  	_ =	shalt  }
0x79: {  	_ =	shalt  }
0x7a: {  	_ =	shalt  }
0x7b: {  	_ =	shalt  }
0x7c: {  	_ =	shalt  }
0x7d: {  	_ =	shalt  }
0x7e: {  	_ =	shalt  }
0x7f: {  	_ =	shalt  }
0x80: {  	_ =	shalt  }
0x81: {  	_ =	shalt  }
0x82: {  	_ =	shalt  }
0x83: {  	_ =	shalt  }
0x84: {  	_ =	shalt  }
0x85: {  	_ =	shalt  }
0x86: {  	_ =	shalt  }
0x87: {  	_ =	shalt  }
.Lfunc_end0:
.L_simem_size_0:
called_computation_lowered:
.L_overlay_start_0:
0x88: {  	s2 =	sld [smem:$0x3FD9]  }
0x89: {  	s3 =	sld [smem:$0x3FFE];
	_ =	sdelay $0x1  }
0x8a: {  	s1 =	srdreg.scid  }
0x8b: {  	s0 =	sand.u32 $0x1, s1  }
0x8c: {  	s17 =	sshll.u32 s0, $0xA;
	s2 =	sadd.s32 s3, s2  }
0x8d: {  	s2 =	sadd.s32 s2, s17  }
0x8e: {  	[smem:$0x3FB4] =	sst s2  }
0x8f: {  	_ = 	snop  }
0x90: {  	s2 =	sld [smem:$0x3FC9];
	(tm) =	ssettm $0x1  }
0x91: {  	s18 =	sld [smem:$0x3FFB];
	_ =	sdelay $0x3  }
0x92: {  	_ =	strace s18  }
0x93: {  	s3 =	sld [smem:$0x3FFC];
	_ =	sdelay $0x3  }
0x94: {  	_ =	strace s3  }
0x95: {  	s3 =	sld [smem:$0x3FFD];
	_ =	sdelay $0x3  }
0x96: {  	_ =	strace s3  }
0x97: {  	_ =	strace $0x8FFFFFFF  }
0x98: {  	s19 =	sld [smem:$0x3FDB];
	_ =	sdelay $0x1  }
0x99: {  	s4 =	simm.s32 $_scs_section_size  }
0x9a: {  	s5 =	simm.s32 $_size__tile_overlayer_lowered;
	s6 =	simm.s32 $_tile_overlayer_lowered  }
0x9b: {  	s22 =	simm.s32 $0x1BFF;
	s21 =	sshll.u32 s6, $0x1;
	s3 =	sadd.s32 s4, s19  }
0x9c: {  	s7 =	simm.s32 $0x0;
	s20 =	sshll.u32 s5, $0x1;
	s5 =	sadd.s32 s21, s3  }
0x9d: {  	[timem:s7], [sflag:s22] =	dma.local [hbm:s5], s20  }
0x9e: {  	_ =	swait.ge [sflag:s22], s20  }
0x9f: {  	s4 =	ssub.s32 $0x0, s20;
	[sflag:s22] =	ssyncset.done $0x0  }
0xa0: {  	[sflag:s22] =	ssyncadd.s32 s4;
	_ =	sdelay $0x1  }
0xa1: {  	s23 =	simm.s32 $0x1B8B  }
0xa2: {  	_ =	swait.ge [sflag:s23], $0x1  }
0xa3: {  	[sflag:s23] =	ssyncset.done $0x0  }
0xa4: {  	s25 =	simm.s32 $0x1B8E;
	s24 =	sld [smem:$0x3FFE];
	[sflag:s23] =	ssyncadd.s32 $0xFFFFFFFF  }
0xa5: {  	s26 =	simm.s32 $execute0_lowered;
	[smem:$0x3FD2] =	sst s25  }
0xa6: {  	s5 =	sshll.u32 s26, $0x1;
	_ =	strace $0x80000046;
	[dreg:$0x1] =	wrdreg $0xFFFFFFFF  }
0xa7: {  	s28 =	simm.s32 $_size_execute0_lowered;
	s3 =	sadd.s32 s3, s5;
	[dreg:$0x0] =	wrdreg $0x0  }
0xa8: {  	s5 =	sshll.u32 s28, $0x1;
	[dreg:$0x2] =	wrdreg s3  }
0xa9: {  	[dreg:$0x3] =	wrdreg s5  }
0xaa: {  	[dreg:$0x4] =	wrdreg $0xC0  }
0xab: {  	_ =	task [dreg:s7], $0x5FFFF  }
0xac: {  	[dreg:$0x1] =	wrdreg $0xFFFFFFFF  }
0xad: {  	[dreg:$0x0] =	wrdreg $0x60  }
0xae: {  	[dreg:$0x2] =	wrdreg s2  }
0xaf: {  	[dreg:$0x3] =	wrdreg s24  }
0xb0: {  	[dreg:$0x4] =	wrdreg $0xB8000  }
0xb1: {  	[dreg:$0x5] =	wrdreg $0x9  }
0xb2: {  	_ =	task.clear_ibuf [dreg:s7], $0x6FFFF;
	_ =	strace $0x90000046  }
0xb3: {  	s29 =	simm.s32 $0x9;
	_ =	strace $0x80000048  }
0xb4: {  	_ =	swait.ge [sflag:s29], $0x1  }
0xb5: {  	[sflag:s29] =	ssyncadd.s32 $0xFFFFFFFF  }
0xb6: {  	_ =	strace $0x90000048  }
0xb7: {  	_ =	sfence  }
0xb8: {  	s30 =	sld [smem:$0x0];
	_ =	sdelay $0x2  }
0xb9: {  	s31 =	sshll.u32 s1, $0xD;
	s1 =	sshrl.u32 s1, $0x2  }
0xba: {  	s3 =	sand.u32 $0x4000, s31;
	s1 =	sadd.s32 s1, s30  }
0xbb: {  	s0 =	sor.u32 s3, s0;
	s1 =	sshll.u32 s1, $0x11  }
0xbc: {  	s0 =	sor.u32 s1, s0  }
0xbd: {  	s0 =	sadd.s32 $0x8F2B, s0  }
0xbe: {  	[sflag:s0] =	ssyncadd.remote.s32 $0x1  }
0xbf: {  	_ =	sfence.sel $0xFFFF  }
0xc0: {  	[dreg:$0x0] =	wrdreg $0xFFFFFFFF;
	(pc) =	sbr.abs _section_cstart, $3  }
0xc1: {  	[dreg:$0x1] =	wrdreg $0xFFFFFFFF  }
0xc2: {  	_ =	task.clear_ibuf [dreg:s7], $0x2FFFF;
	_ =	strace $0x9FFFFFFF  }
0xc3: {  	(tm) =	ssettm $0x7FFFFFFF  }
tec
execute0_lowered:
.L_overlay_start_1:
0x0: {  	(tag) =	ssettag $0x1  }
0x1: {  	s1 =	rddreg [dreg:$0x0]  }
0x2: {  	s5 =	rddreg [dreg:$0x1]  }
0x3: {  	s0 =	srdreg.scid;
	s3 =	rddreg [dreg:$0x2]  }
0x4: {  	s21 =	simm.s32 $0x5000;
	s22 =	simm.s32 $0x7800;
	s23 =	simm.s32 $0x80  }
0x5: {  	s24 =	simm.s32 $0x1;
	s2 =	sand.u32 $0x1, s0;
	s0 =	stileid.u32  }
0x6: {  	s25 =	simm.s32 $0x0;
	s17 =	sadd.s32 $0x21400, s5;
	s8 =	smul.u32 $0x50000, s0  }
0x7: {  	s4 =	sshll.u32 s2, $0x4;
	s29 =	ssub.s32 $0x2, s2;
	s12 =	smul.u32 $0x14000, s0  }
0x8: {  	s2 =	smul.u32 $0x140000, s2;
	s6 =	sor.u32 s0, s4;
	s4 =	simm.s32 $0x0  }
0x9: {  	s30 =	sshrl.u32 s29, $0x1;
	s6 =	smul.u32 $0x500, s6;
	[smem:$0x7FF] =	sst s4  }
0xa: {  	s18 =	ssub.s32 s29, s30;
	s8 =	sshrl.u32 s8, $0x2;
	s13 =	sadd.s32 $0x4000, s12  }
0xb: {  	s15 =	sadd.s32 $0x8000, s12;
	s16 =	sadd.s32 $0xC000, s12;
	s14 =	sadd.s32 s12, s2  }
0xc: {  	s19 =	sadd.s32 $0x10000, s12;
	_ =	strace $0x80000047;
	s8 =	sadd.s32 s8, s3  }
0xd: {  	s9 =	sadd.s32 s13, s3;
	s10 =	sadd.s32 s15, s3;
	s11 =	sadd.s32 s16, s3  }
0xe: {  	s14 =	sshrl.u32 s14, $0x3;
	s20 =	sadd.s32 s2, s13;
	s12 =	sadd.s32 s19, s3  }
0xf: {  	s15 =	sadd.s32 s2, s15;
	s16 =	sadd.s32 s2, s16;
	s2 =	sadd.s32 s2, s19  }
0x10: {  	s18 =	smax.u32 s18, $0x1;
	s19 =	simm.s32 $0x2;
	s7 =	sadd.s32 s6, s5  }
0x11: {  	s13 =	sadd.s32 s17, s14;
	s31 =	sshrl.u32 s20, $0x3;
	s15 =	sshrl.u32 s15, $0x3  }
0x12: {  	s16 =	sshrl.u32 s16, $0x3;
	s2 =	sshrl.u32 s2, $0x3;
	s5 =	sadd.s32 $0x3400, s7  }
0x13: {  	s6 =	sadd.s32 $0xD400, s7;
	s7 =	sadd.s32 $0x17400, s7;
	s14 =	sadd.s32 s17, s31  }
0x14: {  	v0 =	vimm.f32 $0.0e+00;
	s15 =	sadd.s32 s17, s15;
	s16 =	sadd.s32 s17, s16;
	s17 =	sadd.s32 s17, s2  }
.LBB2_1:
0x15: {  	[tilespmem:s4], [sflag:$0x2] =	stream.linear.gather [hbm4b:s5+s4], $0x2800, $0x38;
	[tilespmem:$0x1F800] =	vst v63  }
0x16: {  	_ =	swait.ge [sflag:s19], $0x2800  }
0x17: {  	[sflag:s19] =	ssyncset.done $0x0  }
0x18: {  	s2 =	simm.s32 $0x2800;
	[sflag:s19] =	ssyncadd.s32 $0xFFFFD800  }
0x19: {  	[tilespmem:s2], [sflag:$0x2] =	stream.linear.gather [hbm4b:s6+s4], $0x2800, $0x38;
	[tilespmem:$0x1F800] =	vst v63  }
0x1a: {  	_ =	swait.ge [sflag:s19], $0x2800  }
0x1b: {  	[sflag:s19] =	ssyncset.done $0x0  }
0x1c: {  	[sflag:s19] =	ssyncadd.s32 $0xFFFFD800  }
0x1d: {  	[tilespmem:s21], [sflag:$0x2] =	stream.linear.gather [hbm4b:s7+s4], $0x2800, $0x38;
	[tilespmem:$0x1F800] =	vst v63  }
0x1e: {  	_ =	swait.ge [sflag:s19], $0x2800  }
0x1f: {  	[sflag:s19] =	ssyncset.done $0x0  }
0x20: {  	s26 =	simm.s32 $0x0;
	s28 =	simm.s32 $0x200;
	[sflag:s19] =	ssyncadd.s32 $0xFFFFD800  }
.LBB2_2:
0x21: {  	p0 =	sne.s32 s28, $0xFE00;
	[tilespmem:s26+$0x7870] =	vst v0  }
0x22: {  	[tilespmem:s26+$0x7800] =	vst v0  }
0x23: {  	[tilespmem:s26+$0x7810] =	vst v0  }
.Ltmp0:
0x24: {  	[tilespmem:s26+$0x7820] =	vst v0;
	(pc) =	sbr.rel @p0 .LBB2_2-.Ltmp0, $4  }
0x25: {  	[tilespmem:s26+$0x7830] =	vst v0  }
0x26: {  	[tilespmem:s26+$0x7840] =	vst v0  }
0x27: {  	[tilespmem:s26+$0x7850] =	vst v0  }
0x28: {  	[tilespmem:s26+$0x7860] =	vst v0;
	s26 =	sshra.s32 s28, $0x2;
	s28 =	sadd.s32 $0x200, s28  }
0x29: {  	[tilespmem:s26+$0x7870] =	vst v0  }
0x2a: {  	[tilespmem:s26+$0x7800] =	vst v0  }
0x2b: {  	[tilespmem:s26+$0x7810] =	vst v0  }
0x2c: {  	[tilespmem:s26+$0x7820] =	vst v0  }
0x2d: {  	[tilespmem:s26+$0x7830] =	vst v0  }
0x2e: {  	[tilespmem:s26+$0x7840] =	vst v0  }
0x2f: {  	[tilespmem:s26+$0x7850] =	vst v0  }
0x30: {  	[tilespmem:s26+$0x7860] =	vst v0  }
0x31: {  	[spmem:s8] =	stream.linear.scatter [tilespmem:s22], [sflag:$0x2], $0x4000, $0x38;
	[tilespmem:$0x1F800] =	vst v63  }
0x32: {  	_ =	swait.ge [sflag:s19], $0x4000  }
0x33: {  	[sflag:s19] =	ssyncset.done $0x0  }
0x34: {  	[sflag:s19] =	ssyncadd.s32 $0xFFFFC000  }
0x35: {  	[spmem:s9] =	stream.linear.scatter [tilespmem:s22], [sflag:$0x2], $0x4000, $0x38;
	[tilespmem:$0x1F800] =	vst v63  }
0x36: {  	_ =	swait.ge [sflag:s19], $0x4000  }
0x37: {  	[sflag:s19] =	ssyncset.done $0x0  }
0x38: {  	[sflag:s19] =	ssyncadd.s32 $0xFFFFC000  }
0x39: {  	[spmem:s10] =	stream.linear.scatter [tilespmem:s22], [sflag:$0x2], $0x4000, $0x38;
	[tilespmem:$0x1F800] =	vst v63  }
0x3a: {  	_ =	swait.ge [sflag:s19], $0x4000  }
0x3b: {  	[sflag:s19] =	ssyncset.done $0x0  }
0x3c: {  	[sflag:s19] =	ssyncadd.s32 $0xFFFFC000  }
0x3d: {  	[spmem:s11] =	stream.linear.scatter [tilespmem:s22], [sflag:$0x2], $0x4000, $0x38;
	[tilespmem:$0x1F800] =	vst v63  }
0x3e: {  	_ =	swait.ge [sflag:s19], $0x4000  }
0x3f: {  	[sflag:s19] =	ssyncset.done $0x0  }
0x40: {  	[sflag:s19] =	ssyncadd.s32 $0xFFFFC000  }
0x41: {  	[spmem:s12] =	stream.linear.scatter [tilespmem:s22], [sflag:$0x2], $0x4000, $0x38;
	[tilespmem:$0x1F800] =	vst v63  }
0x42: {  	_ =	swait.ge [sflag:s19], $0x4000  }
0x43: {  	[sflag:s19] =	ssyncset.done $0x0  }
0x44: {  	[sflag:s19] =	ssyncadd.s32 $0xFFFFC000  }
0x45: {  	s26 =	simm.s32 $0x0;
	s28 =	simm.s32 $0x0;
	[bflag:$0x0] =	sbarrier.arrive $0xFFFF  }
.LBB2_4:
0x46: {  	s29 =	sshll.u32 s28, $0x7  }
0x47: {  	[tilespmem:s22], [sflag:$0x1] =	stream.indirect.gather [hbm4b:s1+s23], $0x80, s29, s23, $0xb8;
	[tilespmem:$0x1F800] =	vst v63  }
0x48: {  	_ =	swait.ge [sflag:s24], $0x4000  }
0x49: {  	[sflag:s24] =	ssyncset.done $0x0  }
0x4a: {  	v1 =	vmov s26;
	s20 =	simm.s32 $0x7;
	s30 =	simm.s32 $0x7A00;
	[sflag:s24] =	ssyncadd.s32 $0xFFFFC000  }
0x4b: {  	v2 =	vmov s29;
	v1 =	vand.u32 $0x78, v1;
	v4 =	vmov s20;
	v6 =	vld [tilespmem:s30+$0xFFFFFE10]  }
0x4c: {  	v1 =	vor.u32 v2, v1;
	v4 =	vand.u32 $0x7F, v4;
	v7 =	vld [tilespmem:s30+$0xFFFFFE20]  }
0x4d: {  	v1 =	vbroadcast v1, $0x0;
	v4 =	vor.u32 v2, v4;
	v8 =	vld [tilespmem:s30+$0xFFFFFE30]  }
0x4e: {  	v4 =	vbroadcast v4, $0x0;
	v9 =	vld [tilespmem:s30+$0xFFFFFE40]  }
0x4f: {  	s2 =	simm.s32 $0x1;
	v10 =	vld [tilespmem:s30+$0xFFFFFE50]  }
0x50: {  	v3 =	vmov s2;
	v11 =	vld [tilespmem:s30+$0xFFFFFE60]  }
0x51: {  	v3 =	vand.u32 $0x79, v3;
	v13 =	vld [tilespmem:s30+$0x1F0]  }
0x52: {  	v3 =	vor.u32 v2, v3;
	v14 =	vld [tilespmem:s30+$0xFFFFFE80]  }
0x53: {  	v3 =	vbroadcast v3, $0x0;
	v5 =	vld.idx.msk [tilespmem:v1+s21+$0x0], $0xffff  }
0x54: {  	v1 =	vld.idx.msk [tilespmem:v4+s21+$0x0], $0xffff  }
0x55: {  	v4 =	vld [tilespmem:s30+$0xFFFFFE00]  }
0x56: {  	v15 =	vld [tilespmem:s30+$0xFFFFFE90]  }
0x57: {  	v16 =	vld [tilespmem:s30+$0xFFFFFEA0]  }
0x58: {  	v17 =	vld [tilespmem:s30+$0xFFFFFEB0];
	v6 =	vmul.f32 v6, v5  }
0x59: {  	v3 =	vld.idx.msk [tilespmem:v3+s21+$0x0], $0xffff;
	v7 =	vmul.f32 v7, v5  }
0x5a: {  	s20 =	simm.s32 $0x2;
	v18 =	vld [tilespmem:s30+$0xFFFFFEC0];
	v4 =	vmul.f32 v4, v5;
	[tilespmem:s30+$0xFFFFFE10] =	vst v6  }
0x5b: {  	v12 =	vmov s20;
	v8 =	vmul.f32 v8, v5;
	v6 =	vld [tilespmem:s30+$0xFFFFFEE0];
	[tilespmem:s30+$0xFFFFFE20] =	vst v7  }
0x5c: {  	v13 =	vmul.f32 v13, v1;
	v7 =	vmul.f32 v9, v5;
	v9 =	vld [tilespmem:s30+$0xFFFFFEF0];
	[tilespmem:s30+$0xFFFFFE00] =	vst v4;
	v4 =	vand.u32 $0x7A, v12  }
0x5d: {  	[tilespmem:s30+$0xFFFFFE30] =	vst v8;
	v8 =	vmul.f32 v10, v5;
	v12 =	vld [tilespmem:s30+$0xFFFFFE70];
	v4 =	vor.u32 v2, v4  }
0x5e: {  	v10 =	vld [tilespmem:s30+$0xFFFFFF00];
	[tilespmem:s30+$0x1F0] =	vst v13;
	v13 =	vmul.f32 v14, v3;
	v4 =	vbroadcast v4, $0x0  }
0x5f: {  	s20 =	simm.s32 $0x3;
	v14 =	vld [tilespmem:s30+$0xFFFFFED0];
	[tilespmem:s30+$0xFFFFFE40] =	vst v7  }
0x60: {  	v7 =	vmul.f32 v11, v5;
	v11 =	vld [tilespmem:s30+$0xFFFFFF10];
	[tilespmem:s30+$0xFFFFFE80] =	vst v13;
	v13 =	vmov s20  }
0x61: {  	v18 =	vmul.f32 v18, v3;
	[tilespmem:s30+$0xFFFFFE50] =	vst v8;
	v8 =	vld [tilespmem:s30+$0xFFFFFF20];
	v13 =	vand.u32 $0x7B, v13  }
0x62: {  	[tilespmem:s30+$0xFFFFFE60] =	vst v7;
	v7 =	vmul.f32 v15, v3;
	v15 =	vld [tilespmem:s30+$0xFFFFFF40];
	v13 =	vor.u32 v2, v13;
	v5 =	vmul.f32 v12, v5  }
0x63: {  	v6 =	vmul.f32 v6, v3;
	v13 =	vbroadcast v13, $0x0;
	v12 =	vld [tilespmem:s30+$0xFFFFFF30]  }
0x64: {  	v14 =	vmul.f32 v14, v3;
	[tilespmem:s30+$0xFFFFFE70] =	vst v5;
	v5 =	vmul.f32 v16, v3;
	v4 =	vld.idx.msk [tilespmem:v4+s21+$0x0], $0xffff  }
0x65: {  	[tilespmem:s30+$0xFFFFFE90] =	vst v7;
	v16 =	vmul.f32 v17, v3;
	v3 =	vmul.f32 v9, v3;
	v9 =	vld [tilespmem:s30+$0xFFFFFF90]  }
0x66: {  	[tilespmem:s30+$0xFFFFFED0] =	vst v14;
	v14 =	vld [tilespmem:s30+$0xFFFFFFD0]  }
0x67: {  	[tilespmem:s30+$0xFFFFFEA0] =	vst v5;
	v5 =	vld [tilespmem:s30+$0xFFFFFF60]  }
0x68: {  	[tilespmem:s30+$0xFFFFFEB0] =	vst v16;
	v16 =	vld [tilespmem:s30+$0xFFFFFF70]  }
0x69: {  	[tilespmem:s30+$0xFFFFFEE0] =	vst v6;
	v13 =	vld.idx.msk [tilespmem:v13+s21+$0x0], $0xffff;
	v7 =	vmul.f32 v10, v4  }
0x6a: {  	s20 =	simm.s32 $0x4;
	[tilespmem:s30+$0xFFFFFEF0] =	vst v3;
	v10 =	vld [tilespmem:s30+$0xFFFFFF50];
	v6 =	vmul.f32 v11, v4  }
0x6b: {  	v17 =	vmov s20;
	v11 =	vld [tilespmem:s30+$0xFFFFFFA0];
	v3 =	vmul.f32 v8, v4;
	[tilespmem:s30+$0xFFFFFF00] =	vst v7  }
0x6c: {  	v15 =	vmul.f32 v15, v4;
	v7 =	vand.u32 $0x7C, v17;
	v17 =	vld [tilespmem:s30+$0xFFFFFF80];
	[tilespmem:s30+$0xFFFFFF10] =	vst v6  }
0x6d: {  	v8 =	vld [tilespmem:s30+$0xFFFFFFB0];
	v5 =	vmul.f32 v5, v4;
	[tilespmem:s30+$0xFFFFFF20] =	vst v3;
	v7 =	vor.u32 v2, v7  }
0x6e: {  	v6 =	vmul.f32 v12, v4;
	v12 =	vld [tilespmem:s30+$0xFFFFFFC0];
	[tilespmem:s30+$0xFFFFFF40] =	vst v15;
	v7 =	vbroadcast v7, $0x0  }
0x6f: {  	v15 =	vld [tilespmem:s30+$0xFFFFFFF0];
	[tilespmem:s30+$0xFFFFFF60] =	vst v5;
	v5 =	vmul.f32 v9, v13  }
0x70: {  	v9 =	vld [tilespmem:s30+$0x10];
	[tilespmem:s30+$0xFFFFFF30] =	vst v6;
	v10 =	vmul.f32 v10, v4  }
0x71: {  	s20 =	simm.s32 $0x5;
	v6 =	vld [tilespmem:s30+$0xFFFFFFE0];
	[tilespmem:s30+$0xFFFFFF90] =	vst v5;
	v3 =	vmul.f32 v17, v13  }
0x72: {  	v4 =	vmul.f32 v16, v4;
	v5 =	vmul.f32 v8, v13;
	v8 =	vld [tilespmem:s30+$0x30];
	v17 =	vmov s20;
	[tilespmem:s30+$0xFFFFFF50] =	vst v10  }
0x73: {  	v14 =	vmul.f32 v14, v13;
	v10 =	vld [tilespmem:s30+$0x0];
	[tilespmem:s30+$0xFFFFFF80] =	vst v3;
	v3 =	vand.u32 $0x7D, v17  }
0x74: {  	[tilespmem:s30+$0xFFFFFF70] =	vst v4;
	v4 =	vmul.f32 v11, v13;
	v7 =	vld.idx.msk [tilespmem:v7+s21+$0x0], $0xffff;
	v3 =	vor.u32 v2, v3  }
0x75: {  	[tilespmem:s30+$0xFFFFFFD0] =	vst v14;
	v14 =	vld [tilespmem:s30+$0x70];
	v3 =	vbroadcast v3, $0x0  }
0x76: {  	v11 =	vld [tilespmem:s30+$0x20];
	[tilespmem:s30+$0xFFFFFFA0] =	vst v4;
	v4 =	vmul.f32 v12, v13  }
0x77: {  	[tilespmem:s30+$0xFFFFFFB0] =	vst v5;
	v12 =	vld [tilespmem:s30+$0x40];
	v6 =	vmul.f32 v6, v13;
	v13 =	vmul.f32 v15, v13  }
0x78: {  	[tilespmem:s30+$0xFFFFFFC0] =	vst v4;
	v4 =	vld [tilespmem:s30+$0x60]  }
0x79: {  	s20 =	simm.s32 $0x6;
	[tilespmem:s30+$0xFFFFFFF0] =	vst v13;
	v13 =	vld [tilespmem:s30+$0x90];
	v5 =	vmul.f32 v10, v7  }
0x7a: {  	v16 =	vmov s20;
	[tilespmem:s30+$0xFFFFFFE0] =	vst v6;
	v10 =	vld [tilespmem:s30+$0x50];
	v6 =	vmul.f32 v9, v7  }
0x7b: {  	v11 =	vmul.f32 v11, v7;
	v3 =	vld.idx.msk [tilespmem:v3+s21+$0x0], $0xffff;
	[tilespmem:s30+$0x0] =	vst v5;
	v5 =	vand.u32 $0x7E, v16  }
0x7c: {  	v9 =	vld [tilespmem:s30+$0x80];
	[tilespmem:s30+$0x10] =	vst v6;
	v6 =	vmul.f32 v8, v7;
	v5 =	vor.u32 v2, v5  }
0x7d: {  	[tilespmem:s30+$0x20] =	vst v11;
	v11 =	vmul.f32 v12, v7;
	v12 =	vld [tilespmem:s30+$0xB0];
	v5 =	vbroadcast v5, $0x0  }
0x7e: {  	v4 =	vmul.f32 v4, v7;
	v8 =	vld [tilespmem:s30+$0xA0];
	[tilespmem:s30+$0x30] =	vst v6  }
0x7f: {  	[tilespmem:s30+$0x40] =	vst v11;
	v11 =	vld [tilespmem:s30+$0xD0];
	v6 =	vmul.f32 v10, v7  }
0x80: {  	[tilespmem:s30+$0x60] =	vst v4;
	v10 =	vld [tilespmem:s30+$0xC0];
	v4 =	vmul.f32 v13, v3  }
0x81: {  	[tilespmem:s30+$0x50] =	vst v6;
	v6 =	vld [tilespmem:s30+$0xE0]  }
0x82: {  	v9 =	vmul.f32 v9, v3;
	[tilespmem:s30+$0x90] =	vst v4;
	v4 =	vmul.f32 v12, v3;
	v12 =	vld [tilespmem:s30+$0x110]  }
0x83: {  	[tilespmem:s30+$0xFFFFFEC0] =	vst v18;
	v17 =	vld.idx.msk [tilespmem:v5+s21+$0x0], $0xffff;
	v5 =	vmul.f32 v14, v7  }
0x84: {  	s20 =	simm.s32 $0x8;
	[tilespmem:s30+$0x80] =	vst v9;
	v7 =	vld [tilespmem:s30+$0xF0]  }
0x85: {  	s31 =	simm.s32 $0xB;
	v9 =	vmov s20;
	s20 =	simm.s32 $0x9;
	[tilespmem:s30+$0x70] =	vst v5;
	v5 =	vmul.f32 v8, v3;
	v8 =	vld [tilespmem:s30+$0x100]  }
0x86: {  	v15 =	vmov s31;
	s31 =	simm.s32 $0xD;
	v13 =	vmov s20;
	s20 =	simm.s32 $0xA;
	[tilespmem:s30+$0xB0] =	vst v4;
	v4 =	vmul.f32 v11, v3  }
0x87: {  	v18 =	vmov s31;
	v14 =	vmov s20;
	s20 =	simm.s32 $0xC;
	[tilespmem:s30+$0xA0] =	vst v5;
	v5 =	vmul.f32 v10, v3;
	v10 =	vld [tilespmem:s30+$0x120]  }
0x88: {  	v9 =	vand.u32 $0x78, v9;
	v11 =	vld [tilespmem:s30+$0x130];
	v16 =	vmov s20;
	[tilespmem:s30+$0xD0] =	vst v4;
	v12 =	vmul.f32 v12, v17  }
0x89: {  	v19 =	vld [tilespmem:s30+$0x140];
	s20 =	simm.s32 $0xE;
	[tilespmem:s30+$0xC0] =	vst v5;
	v5 =	vmul.f32 v6, v3;
	v6 =	vor.u32 v2, v9;
	v3 =	vmul.f32 v7, v3  }
0x8a: {  	v7 =	vmov s20;
	v9 =	vand.u32 $0x79, v13;
	v4 =	vmul.f32 v8, v17;
	v8 =	vld [tilespmem:s30+$0x150];
	[tilespmem:s30+$0x110] =	vst v12  }
0x8b: {  	v20 =	vld [tilespmem:s30+$0x160];
	v13 =	vand.u32 $0x7A, v14;
	v14 =	vand.u32 $0x7C, v16;
	[tilespmem:s30+$0xE0] =	vst v5;
	v5 =	vand.u32 $0x7B, v15  }
0x8c: {  	[tilespmem:s30+$0xF0] =	vst v3;
	v3 =	vand.u32 $0x7D, v18;
	v15 =	vand.u32 $0x7E, v7;
	v18 =	vld [tilespmem:s30+$0x170];
	v7 =	vmul.f32 v10, v17  }
0x8d: {  	v9 =	vor.u32 v2, v9;
	[tilespmem:s30+$0x100] =	vst v4;
	v4 =	vbroadcast v6, $0x0;
	v10 =	vmul.f32 v11, v17;
	v6 =	vld [tilespmem:s30+$0x180]  }
0x8e: {  	v14 =	vor.u32 v2, v14;
	v11 =	vor.u32 v2, v13;
	v13 =	vmul.f32 v19, v17;
	[tilespmem:s30+$0x120] =	vst v7;
	v7 =	vld [tilespmem:s30+$0x190]  }
0x8f: {  	v12 =	vor.u32 v2, v5;
	v5 =	vbroadcast v9, $0x0;
	[tilespmem:s30+$0x130] =	vst v10;
	v19 =	vmul.f32 v8, v17;
	v8 =	vld [tilespmem:s30+$0x1A0]  }
0x90: {  	v16 =	vor.u32 v2, v3;
	v9 =	vld [tilespmem:s30+$0x1B0];
	v10 =	vbroadcast v11, $0x0;
	[tilespmem:s30+$0x140] =	vst v13;
	v13 =	vmul.f32 v20, v17  }
0x91: {  	s2 =	simm.s32 $0xF;
	s31 =	simm.s32 $0x10;
	v15 =	vor.u32 v2, v15;
	v12 =	vbroadcast v12, $0x0;
	v11 =	vld [tilespmem:s30+$0x1C0];
	v17 =	vmul.f32 v18, v17;
	[tilespmem:s30+$0x150] =	vst v19  }
.LBB2_5:
0x92: {  	p0 =	slt.u32 s31, $0x78;
	v3 =	vbroadcast v14, $0x0;
	v14 =	vmov s2;
	[tilespmem:s30+$0x160] =	vst v13;
	v6 =	vmul.f32 v6, v1;
	v13 =	vld [tilespmem:s30+$0x1D0]  }
0x93: {  	v16 =	vbroadcast v16, $0x0;
	v14 =	vand.u32 $0x7F, v14;
	[tilespmem:s30+$0x170] =	vst v17;
	v7 =	vmul.f32 v7, v1;
	v17 =	vld [tilespmem:s30+$0x1E0]  }
0x94: {  	v15 =	vbroadcast v15, $0x0;
	v18 =	vld.idx.msk [tilespmem:v4+s21+$0x0], $0xffff;
	v4 =	vor.u32 v2, v14;
	[tilespmem:s30+$0x180] =	vst v6;
	v6 =	vmul.f32 v8, v1  }
0x95: {  	v8 =	vld.idx.msk [tilespmem:v5+s21+$0x0], $0xffff;
	v14 =	vbroadcast v4, $0x0;
	[tilespmem:s30+$0x190] =	vst v7;
	v4 =	vmul.f32 v9, v1  }
0x96: {  	v7 =	vld.idx.msk [tilespmem:v10+s21+$0x0], $0xffff;
	[tilespmem:s30+$0x1A0] =	vst v6;
	v9 =	vmul.f32 v11, v1  }
0x97: {  	v6 =	vld.idx.msk [tilespmem:v12+s21+$0x0], $0xffff;
	[tilespmem:s30+$0x1B0] =	vst v4;
	v10 =	vmul.f32 v13, v1  }
0x98: {  	v5 =	vld.idx.msk [tilespmem:v3+s21+$0x0], $0xffff;
	[tilespmem:s30+$0x1C0] =	vst v9;
	v1 =	vmul.f32 v17, v1  }
0x99: {  	v4 =	vld.idx.msk [tilespmem:v16+s21+$0x0], $0xffff;
	[tilespmem:s30+$0x1D0] =	vst v10  }
0x9a: {  	v3 =	vld.idx.msk [tilespmem:v15+s21+$0x0], $0xffff;
	[tilespmem:s30+$0x1E0] =	vst v1  }
0x9b: {  	s30 =	sadd.s32 $0x400, s30;
	v1 =	vld.idx.msk [tilespmem:v14+s21+$0x0], $0xffff  }
0x9c: {  	v9 =	vld [tilespmem:s30+$0x1F0]  }
0x9d: {  	v10 =	vld [tilespmem:s30+$0xFFFFFE00]  }
0x9e: {  	v11 =	vld [tilespmem:s30+$0xFFFFFE10]  }
0x9f: {  	v12 =	vld [tilespmem:s30+$0xFFFFFE20]  }
0xa0: {  	v13 =	vld [tilespmem:s30+$0xFFFFFE30]  }
0xa1: {  	v14 =	vld [tilespmem:s30+$0xFFFFFE40];
	v9 =	vmul.f32 v9, v1  }
0xa2: {  	v10 =	vmul.f32 v10, v18;
	v15 =	vld [tilespmem:s30+$0xFFFFFE50]  }
0xa3: {  	v11 =	vmul.f32 v11, v18;
	v16 =	vld [tilespmem:s30+$0xFFFFFE60];
	[tilespmem:s30+$0x1F0] =	vst v9  }
0xa4: {  	[tilespmem:s30+$0xFFFFFE00] =	vst v10;
	v9 =	vmul.f32 v12, v18;
	v10 =	vld [tilespmem:s30+$0xFFFFFE70]  }
0xa5: {  	[tilespmem:s30+$0xFFFFFE10] =	vst v11;
	v11 =	vmul.f32 v13, v18;
	v12 =	vld [tilespmem:s30+$0xFFFFFE80]  }
0xa6: {  	[tilespmem:s30+$0xFFFFFE20] =	vst v9;
	v9 =	vmul.f32 v14, v18;
	v13 =	vld [tilespmem:s30+$0xFFFFFE90]  }
0xa7: {  	[tilespmem:s30+$0xFFFFFE30] =	vst v11;
	v11 =	vmul.f32 v15, v18;
	v14 =	vld [tilespmem:s30+$0xFFFFFEA0]  }
0xa8: {  	[tilespmem:s30+$0xFFFFFE40] =	vst v9;
	v9 =	vmul.f32 v16, v18;
	v15 =	vld [tilespmem:s30+$0xFFFFFEB0]  }
0xa9: {  	[tilespmem:s30+$0xFFFFFE50] =	vst v11;
	v10 =	vmul.f32 v10, v18;
	v11 =	vld [tilespmem:s30+$0xFFFFFEC0]  }
0xaa: {  	[tilespmem:s30+$0xFFFFFE60] =	vst v9;
	v9 =	vmul.f32 v12, v8;
	v12 =	vld [tilespmem:s30+$0xFFFFFED0]  }
0xab: {  	[tilespmem:s30+$0xFFFFFE70] =	vst v10;
	v10 =	vmul.f32 v13, v8;
	v13 =	vld [tilespmem:s30+$0xFFFFFEE0]  }
0xac: {  	[tilespmem:s30+$0xFFFFFE80] =	vst v9;
	v9 =	vmul.f32 v14, v8;
	v14 =	vld [tilespmem:s30+$0xFFFFFEF0]  }
0xad: {  	[tilespmem:s30+$0xFFFFFE90] =	vst v10;
	v10 =	vmul.f32 v15, v8;
	v15 =	vld [tilespmem:s30+$0xFFFFFF00]  }
0xae: {  	[tilespmem:s30+$0xFFFFFEA0] =	vst v9;
	v9 =	vmul.f32 v11, v8;
	v11 =	vld [tilespmem:s30+$0xFFFFFF10]  }
0xaf: {  	[tilespmem:s30+$0xFFFFFEB0] =	vst v10;
	v10 =	vmul.f32 v12, v8;
	v12 =	vld [tilespmem:s30+$0xFFFFFF20]  }
0xb0: {  	[tilespmem:s30+$0xFFFFFEC0] =	vst v9;
	v9 =	vmul.f32 v13, v8;
	v13 =	vld [tilespmem:s30+$0xFFFFFF30]  }
0xb1: {  	[tilespmem:s30+$0xFFFFFED0] =	vst v10;
	v8 =	vmul.f32 v14, v8;
	v10 =	vld [tilespmem:s30+$0xFFFFFF40]  }
0xb2: {  	[tilespmem:s30+$0xFFFFFEE0] =	vst v9;
	v9 =	vmul.f32 v15, v7;
	v14 =	vld [tilespmem:s30+$0xFFFFFF50]  }
0xb3: {  	[tilespmem:s30+$0xFFFFFEF0] =	vst v8;
	v8 =	vmul.f32 v11, v7;
	v11 =	vld [tilespmem:s30+$0xFFFFFF60]  }
0xb4: {  	[tilespmem:s30+$0xFFFFFF00] =	vst v9;
	v9 =	vmul.f32 v12, v7;
	v12 =	vld [tilespmem:s30+$0xFFFFFF70]  }
0xb5: {  	[tilespmem:s30+$0xFFFFFF10] =	vst v8;
	v8 =	vmul.f32 v13, v7;
	v13 =	vld [tilespmem:s30+$0xFFFFFF80]  }
0xb6: {  	[tilespmem:s30+$0xFFFFFF20] =	vst v9;
	v9 =	vmul.f32 v10, v7;
	v10 =	vld [tilespmem:s30+$0xFFFFFF90]  }
0xb7: {  	[tilespmem:s30+$0xFFFFFF30] =	vst v8;
	v8 =	vmul.f32 v14, v7;
	v14 =	vld [tilespmem:s30+$0xFFFFFFA0]  }
0xb8: {  	[tilespmem:s30+$0xFFFFFF40] =	vst v9;
	v9 =	vmul.f32 v11, v7;
	v11 =	vld [tilespmem:s30+$0xFFFFFFB0]  }
0xb9: {  	[tilespmem:s30+$0xFFFFFF50] =	vst v8;
	v7 =	vmul.f32 v12, v7;
	v8 =	vld [tilespmem:s30+$0xFFFFFFC0]  }
0xba: {  	[tilespmem:s30+$0xFFFFFF60] =	vst v9;
	v9 =	vmul.f32 v13, v6;
	v12 =	vld [tilespmem:s30+$0xFFFFFFD0]  }
0xbb: {  	[tilespmem:s30+$0xFFFFFF70] =	vst v7;
	v7 =	vmul.f32 v10, v6;
	v10 =	vld [tilespmem:s30+$0xFFFFFFE0]  }
0xbc: {  	[tilespmem:s30+$0xFFFFFF80] =	vst v9;
	v9 =	vmul.f32 v14, v6;
	v13 =	vld [tilespmem:s30+$0xFFFFFFF0]  }
0xbd: {  	[tilespmem:s30+$0xFFFFFF90] =	vst v7;
	v7 =	vmul.f32 v11, v6;
	v11 =	vld [tilespmem:s30+$0x0]  }
0xbe: {  	[tilespmem:s30+$0xFFFFFFA0] =	vst v9;
	v8 =	vmul.f32 v8, v6;
	v9 =	vld [tilespmem:s30+$0x10]  }
0xbf: {  	[tilespmem:s30+$0xFFFFFFB0] =	vst v7;
	v7 =	vmul.f32 v12, v6;
	v12 =	vld [tilespmem:s30+$0x20]  }
0xc0: {  	[tilespmem:s30+$0xFFFFFFC0] =	vst v8;
	v8 =	vmul.f32 v10, v6;
	v10 =	vld [tilespmem:s30+$0x30]  }
0xc1: {  	[tilespmem:s30+$0xFFFFFFD0] =	vst v7;
	v6 =	vmul.f32 v13, v6;
	v7 =	vld [tilespmem:s30+$0x40]  }
0xc2: {  	[tilespmem:s30+$0xFFFFFFE0] =	vst v8;
	v8 =	vmul.f32 v11, v5;
	v11 =	vld [tilespmem:s30+$0x50]  }
0xc3: {  	[tilespmem:s30+$0xFFFFFFF0] =	vst v6;
	v6 =	vmul.f32 v9, v5;
	v9 =	vld [tilespmem:s30+$0x60]  }
0xc4: {  	[tilespmem:s30+$0x0] =	vst v8;
	v8 =	vmul.f32 v12, v5;
	v12 =	vld [tilespmem:s30+$0x70]  }
0xc5: {  	[tilespmem:s30+$0x10] =	vst v6;
	v6 =	vmul.f32 v10, v5;
	v10 =	vld [tilespmem:s30+$0x80]  }
0xc6: {  	[tilespmem:s30+$0x20] =	vst v8;
	v7 =	vmul.f32 v7, v5;
	v8 =	vld [tilespmem:s30+$0x90]  }
0xc7: {  	[tilespmem:s30+$0x30] =	vst v6;
	v6 =	vmul.f32 v11, v5;
	v11 =	vld [tilespmem:s30+$0xA0]  }
0xc8: {  	[tilespmem:s30+$0x40] =	vst v7;
	v7 =	vmul.f32 v9, v5;
	v9 =	vld [tilespmem:s30+$0xB0]  }
0xc9: {  	[tilespmem:s30+$0x50] =	vst v6;
	v5 =	vmul.f32 v12, v5;
	v6 =	vld [tilespmem:s30+$0xC0]  }
0xca: {  	[tilespmem:s30+$0x60] =	vst v7;
	v7 =	vmul.f32 v10, v4;
	v10 =	vld [tilespmem:s30+$0xD0]  }
0xcb: {  	[tilespmem:s30+$0x70] =	vst v5;
	v5 =	vmul.f32 v8, v4;
	v8 =	vld [tilespmem:s30+$0xE0]  }
0xcc: {  	[tilespmem:s30+$0x80] =	vst v7;
	v7 =	vmul.f32 v11, v4;
	v11 =	vld [tilespmem:s30+$0xF0]  }
0xcd: {  	s2 =	sadd.s32 $0x1, s31;
	v12 =	vmov s31;
	[tilespmem:s30+$0x90] =	vst v5;
	v5 =	vmul.f32 v9, v4;
	v9 =	vld [tilespmem:s30+$0x100]  }
0xce: {  	s20 =	sadd.s32 $0x3, s31;
	v13 =	vmov s2;
	s2 =	sadd.s32 $0x2, s31;
	v12 =	vand.u32 $0x78, v12;
	[tilespmem:s30+$0xA0] =	vst v7;
	v6 =	vmul.f32 v6, v4;
	v7 =	vld [tilespmem:s30+$0x110]  }
0xcf: {  	v15 =	vmov s20;
	s20 =	sadd.s32 $0x5, s31;
	v14 =	vmov s2;
	s2 =	sadd.s32 $0x4, s31;
	[tilespmem:s30+$0xB0] =	vst v5;
	v5 =	vmul.f32 v10, v4;
	v10 =	vld [tilespmem:s30+$0x120]  }
0xd0: {  	v17 =	vmov s20;
	v16 =	vmov s2;
	s2 =	sadd.s32 $0x6, s31;
	[tilespmem:s30+$0xC0] =	vst v6;
	v6 =	vmul.f32 v8, v4;
	v8 =	vld [tilespmem:s30+$0x130]  }
0xd1: {  	v18 =	vmov s2;
	v12 =	vor.u32 v2, v12;
	[tilespmem:s30+$0xD0] =	vst v5;
	v4 =	vmul.f32 v11, v4;
	v5 =	vld [tilespmem:s30+$0x140]  }
0xd2: {  	v11 =	vand.u32 $0x79, v13;
	v13 =	vand.u32 $0x7A, v14;
	[tilespmem:s30+$0xE0] =	vst v6;
	v6 =	vmul.f32 v9, v3;
	v9 =	vld [tilespmem:s30+$0x150]  }
0xd3: {  	v14 =	vand.u32 $0x7B, v15;
	v15 =	vand.u32 $0x7C, v16;
	[tilespmem:s30+$0xF0] =	vst v4;
	v7 =	vmul.f32 v7, v3;
	v19 =	vld [tilespmem:s30+$0x160]  }
0xd4: {  	v16 =	vand.u32 $0x7D, v17;
	v17 =	vand.u32 $0x7E, v18;
	[tilespmem:s30+$0x100] =	vst v6;
	v10 =	vmul.f32 v10, v3;
	v18 =	vld [tilespmem:s30+$0x170]  }
.Ltmp1:
0xd5: {  	v11 =	vor.u32 v2, v11;
	v4 =	vbroadcast v12, $0x0;
	[tilespmem:s30+$0x110] =	vst v7;
	v8 =	vmul.f32 v8, v3;
	v6 =	vld [tilespmem:s30+$0x180];
	(pc) =	sbr.rel @p0 .LBB2_5-.Ltmp1, $4  }
0xd6: {  	v20 =	vor.u32 v2, v14;
	v12 =	vor.u32 v2, v13;
	[tilespmem:s30+$0x120] =	vst v10;
	v13 =	vmul.f32 v5, v3;
	v7 =	vld [tilespmem:s30+$0x190]  }
0xd7: {  	v14 =	vor.u32 v2, v15;
	v5 =	vbroadcast v11, $0x0;
	[tilespmem:s30+$0x130] =	vst v8;
	v11 =	vmul.f32 v9, v3;
	v8 =	vld [tilespmem:s30+$0x1A0]  }
0xd8: {  	v16 =	vor.u32 v2, v16;
	v10 =	vbroadcast v12, $0x0;
	[tilespmem:s30+$0x140] =	vst v13;
	v13 =	vmul.f32 v19, v3;
	v9 =	vld [tilespmem:s30+$0x1B0]  }
0xd9: {  	s2 =	sadd.s32 $0x7, s31;
	s31 =	sadd.s32 $0x8, s31;
	v15 =	vor.u32 v2, v17;
	v12 =	vbroadcast v20, $0x0;
	[tilespmem:s30+$0x150] =	vst v11;
	v17 =	vmul.f32 v18, v3;
	v11 =	vld [tilespmem:s30+$0x1C0]  }
0xda: {  	_ =	sdelay $0x1  }
0xdb: {  	v18 =	vld [tilespmem:s30+$0x1D0]  }
0xdc: {  	v19 =	vld [tilespmem:s30+$0x1E0]  }
0xdd: {  	v63 =	vld.idx.msk [tilespmem:v4+s21+$0x0], $0xffff  }
0xde: {  	v20 =	vld.idx.msk [tilespmem:v5+s21+$0x0], $0xffff  }
0xdf: {  	v10 =	vld.idx.msk [tilespmem:v10+s21+$0x0], $0xffff  }
0xe0: {  	s31 =	sadd.s32 $0x400, s30;
	v12 =	vld.idx.msk [tilespmem:v12+s21+$0x0], $0xffff  }
0xe1: {  	v24 =	vld [tilespmem:s31+$0x1F0]  }
0xe2: {  	v26 =	vld [tilespmem:s31+$0xFFFFFE00]  }
0xe3: {  	[tilespmem:s30+$0x160] =	vst v13;
	v6 =	vmul.f32 v6, v1;
	v28 =	vld [tilespmem:s31+$0xFFFFFE10]  }
0xe4: {  	[tilespmem:s30+$0x170] =	vst v17;
	v7 =	vmul.f32 v7, v1;
	v30 =	vld [tilespmem:s31+$0xFFFFFE20]  }
0xe5: {  	v31 =	vld [tilespmem:s31+$0xFFFFFE30];
	[tilespmem:s30+$0x180] =	vst v6;
	v23 =	vmul.f32 v8, v1  }
0xe6: {  	v32 =	vld [tilespmem:s31+$0xFFFFFE40];
	[tilespmem:s30+$0x190] =	vst v7;
	v25 =	vmul.f32 v9, v1  }
0xe7: {  	v33 =	vld [tilespmem:s31+$0xFFFFFE50];
	[tilespmem:s30+$0x1A0] =	vst v23;
	v27 =	vmul.f32 v11, v1  }
0xe8: {  	v34 =	vld [tilespmem:s31+$0xFFFFFE60];
	[tilespmem:s30+$0x1B0] =	vst v25;
	v29 =	vmul.f32 v18, v1  }
0xe9: {  	v35 =	vld [tilespmem:s31+$0xFFFFFE70];
	v1 =	vmul.f32 v19, v1;
	[tilespmem:s30+$0x1C0] =	vst v27  }
0xea: {  	v36 =	vld [tilespmem:s31+$0xFFFFFE80];
	v11 =	vmul.f32 v28, v63;
	[tilespmem:s30+$0x1D0] =	vst v29  }
0xeb: {  	v37 =	vld [tilespmem:s31+$0xFFFFFE90];
	[tilespmem:s30+$0x1E0] =	vst v1;
	v1 =	vmul.f32 v26, v63  }
0xec: {  	v39 =	vld [tilespmem:s31+$0xFFFFFEA0];
	v6 =	vmul.f32 v31, v63;
	[tilespmem:s31+$0xFFFFFE10] =	vst v11  }
0xed: {  	v40 =	vld [tilespmem:s31+$0xFFFFFEB0];
	[tilespmem:s31+$0xFFFFFE00] =	vst v1;
	v1 =	vmul.f32 v30, v63  }
0xee: {  	v42 =	vld [tilespmem:s31+$0xFFFFFEC0];
	v38 =	vmul.f32 v33, v63;
	[tilespmem:s31+$0xFFFFFE30] =	vst v6  }
0xef: {  	v43 =	vld [tilespmem:s31+$0xFFFFFED0];
	[tilespmem:s31+$0xFFFFFE20] =	vst v1;
	v1 =	vmul.f32 v32, v63  }
0xf0: {  	v45 =	vld [tilespmem:s31+$0xFFFFFEE0];
	v41 =	vmul.f32 v35, v63;
	[tilespmem:s31+$0xFFFFFE50] =	vst v38  }
0xf1: {  	v46 =	vld [tilespmem:s31+$0xFFFFFEF0];
	[tilespmem:s31+$0xFFFFFE40] =	vst v1;
	v1 =	vmul.f32 v34, v63  }
0xf2: {  	v48 =	vld [tilespmem:s31+$0xFFFFFF00];
	v44 =	vmul.f32 v37, v20;
	[tilespmem:s31+$0xFFFFFE70] =	vst v41  }
0xf3: {  	v49 =	vld [tilespmem:s31+$0xFFFFFF10];
	[tilespmem:s31+$0xFFFFFE60] =	vst v1;
	v1 =	vmul.f32 v36, v20  }
0xf4: {  	v51 =	vld [tilespmem:s31+$0xFFFFFF20];
	v47 =	vmul.f32 v40, v20;
	[tilespmem:s31+$0xFFFFFE90] =	vst v44  }
0xf5: {  	v52 =	vld [tilespmem:s31+$0xFFFFFF30];
	[tilespmem:s31+$0xFFFFFE80] =	vst v1;
	v1 =	vmul.f32 v39, v20  }
0xf6: {  	v54 =	vld [tilespmem:s31+$0xFFFFFF40];
	v50 =	vmul.f32 v43, v20;
	[tilespmem:s31+$0xFFFFFEB0] =	vst v47  }
0xf7: {  	v55 =	vld [tilespmem:s31+$0xFFFFFF50];
	[tilespmem:s31+$0xFFFFFEA0] =	vst v1;
	v1 =	vmul.f32 v42, v20  }
0xf8: {  	v3 =	vbroadcast v14, $0x0;
	v57 =	vld [tilespmem:s31+$0xFFFFFF60];
	v53 =	vmul.f32 v46, v20;
	[tilespmem:s31+$0xFFFFFED0] =	vst v50  }
0xf9: {  	v15 =	vbroadcast v15, $0x0;
	v58 =	vld [tilespmem:s31+$0xFFFFFF70];
	[tilespmem:s31+$0xFFFFFEC0] =	vst v1;
	v1 =	vmul.f32 v45, v20  }
0xfa: {  	v62 =	vmov s2;
	v60 =	vld [tilespmem:s31+$0xFFFFFF80];
	v56 =	vmul.f32 v49, v10;
	[tilespmem:s31+$0xFFFFFEF0] =	vst v53  }
0xfb: {  	v16 =	vbroadcast v16, $0x0;
	v14 =	vand.u32 $0x7F, v62;
	v61 =	vld [tilespmem:s31+$0xFFFFFF90];
	[tilespmem:s31+$0xFFFFFEE0] =	vst v1;
	v1 =	vmul.f32 v48, v10  }
0xfc: {  	v2 =	vor.u32 v2, v14;
	v14 =	vld [tilespmem:s31+$0xFFFFFFB0];
	v59 =	vmul.f32 v52, v10;
	[tilespmem:s31+$0xFFFFFF10] =	vst v56  }
0xfd: {  	v23 =	vld [tilespmem:s31+$0x10];
	[tilespmem:s31+$0xFFFFFF00] =	vst v1;
	v1 =	vmul.f32 v51, v10  }
0xfe: {  	v5 =	vld.idx.msk [tilespmem:v3+s21+$0x0], $0xffff;
	v62 =	vmul.f32 v55, v10;
	[tilespmem:s31+$0xFFFFFF30] =	vst v59  }
0xff: {  	v3 =	vld.idx.msk [tilespmem:v15+s21+$0x0], $0xffff;
	[tilespmem:s31+$0xFFFFFF20] =	vst v1;
	v1 =	vmul.f32 v54, v10  }
0x100: {  	v15 =	vmul.f32 v58, v10;
	[tilespmem:s31+$0xFFFFFF50] =	vst v62;
	v63 =	vld [tilespmem:s31+$0xFFFFFFA0]  }
0x101: {  	v4 =	vld.idx.msk [tilespmem:v16+s21+$0x0], $0xffff;
	[tilespmem:s31+$0xFFFFFF40] =	vst v1;
	v1 =	vmul.f32 v57, v10  }
0x102: {  	v16 =	vld [tilespmem:s31+$0xFFFFFFC0];
	v18 =	vmul.f32 v61, v12;
	[tilespmem:s31+$0xFFFFFF70] =	vst v15  }
0x103: {  	v35 =	vld [tilespmem:s31+$0x90];
	[tilespmem:s31+$0xFFFFFF60] =	vst v1;
	v1 =	vmul.f32 v60, v12  }
0x104: {  	v19 =	vld [tilespmem:s31+$0xFFFFFFE0];
	v21 =	vmul.f32 v14, v12;
	[tilespmem:s31+$0xFFFFFF90] =	vst v18  }
0x105: {  	v40 =	vld [tilespmem:s31+$0xD0];
	[tilespmem:s31+$0xFFFFFF80] =	vst v1;
	v1 =	vmul.f32 v63, v12  }
0x106: {  	v22 =	vld [tilespmem:s31+$0x0];
	[tilespmem:s31+$0xFFFFFFB0] =	vst v21;
	v30 =	vmul.f32 v23, v5  }
0x107: {  	v46 =	vld [tilespmem:s31+$0x110];
	[tilespmem:s31+$0xFFFFFFA0] =	vst v1;
	v1 =	vmul.f32 v16, v12  }
0x108: {  	v25 =	vld [tilespmem:s31+$0x20];
	v41 =	vmul.f32 v35, v4;
	[tilespmem:s31+$0x10] =	vst v30  }
0x109: {  	v2 =	vbroadcast v2, $0x0;
	v49 =	vld [tilespmem:s31+$0x130];
	[tilespmem:s31+$0xFFFFFFC0] =	vst v1;
	v1 =	vmul.f32 v19, v12  }
0x10a: {  	v28 =	vld [tilespmem:s31+$0x40];
	v47 =	vmul.f32 v40, v4;
	[tilespmem:s31+$0x90] =	vst v41  }
0x10b: {  	v26 =	vld [tilespmem:s31+$0x30];
	[tilespmem:s31+$0xFFFFFFE0] =	vst v1;
	v1 =	vmul.f32 v22, v5  }
0x10c: {  	v31 =	vld [tilespmem:s31+$0x60];
	v52 =	vmul.f32 v46, v3;
	[tilespmem:s31+$0xD0] =	vst v47  }
0x10d: {  	v38 =	vld [tilespmem:s31+$0xB0];
	[tilespmem:s31+$0x0] =	vst v1;
	v1 =	vmul.f32 v25, v5  }
0x10e: {  	v55 =	vmul.f32 v49, v3;
	v34 =	vld [tilespmem:s31+$0x80];
	[tilespmem:s31+$0x110] =	vst v52  }
0x10f: {  	v2 =	vld.idx.msk [tilespmem:v2+s21+$0x0], $0xffff;
	[tilespmem:s31+$0x20] =	vst v1;
	v1 =	vmul.f32 v28, v5  }
0x110: {  	v37 =	vld [tilespmem:s31+$0xA0];
	v33 =	vmul.f32 v26, v5;
	[tilespmem:s31+$0x130] =	vst v55  }
0x111: {  	v17 =	vld [tilespmem:s31+$0xFFFFFFD0];
	[tilespmem:s31+$0x40] =	vst v1;
	v1 =	vmul.f32 v31, v5  }
0x112: {  	v44 =	vmul.f32 v38, v4;
	[tilespmem:s31+$0x30] =	vst v33;
	v39 =	vld [tilespmem:s31+$0xC0]  }
0x113: {  	v29 =	vld [tilespmem:s31+$0x50];
	[tilespmem:s31+$0x60] =	vst v1;
	v1 =	vmul.f32 v34, v4  }
0x114: {  	v8 =	vmul.f32 v24, v2;
	[tilespmem:s31+$0xB0] =	vst v44;
	v42 =	vld [tilespmem:s31+$0xE0]  }
0x115: {  	v20 =	vld [tilespmem:s31+$0xFFFFFFF0];
	[tilespmem:s31+$0x80] =	vst v1;
	v1 =	vmul.f32 v37, v4  }
0x116: {  	v24 =	vmul.f32 v17, v12;
	[tilespmem:s31+$0x1F0] =	vst v8;
	v45 =	vld [tilespmem:s31+$0x100]  }
0x117: {  	v51 =	vld [tilespmem:s31+$0x150];
	[tilespmem:s31+$0xA0] =	vst v1;
	v1 =	vmul.f32 v39, v4  }
0x118: {  	v36 =	vmul.f32 v29, v5;
	[tilespmem:s31+$0xFFFFFFD0] =	vst v24;
	v48 =	vld [tilespmem:s31+$0x120]  }
0x119: {  	v32 =	vld [tilespmem:s31+$0x70];
	[tilespmem:s31+$0xC0] =	vst v1;
	v1 =	vmul.f32 v42, v4  }
0x11a: {  	v50 =	vld [tilespmem:s31+$0x140];
	[tilespmem:s31+$0x50] =	vst v36;
	v27 =	vmul.f32 v20, v12  }
0x11b: {  	v43 =	vld [tilespmem:s31+$0xF0];
	[tilespmem:s31+$0xE0] =	vst v1;
	v1 =	vmul.f32 v45, v3  }
0x11c: {  	v53 =	vld [tilespmem:s31+$0x160];
	[tilespmem:s31+$0xFFFFFFF0] =	vst v27;
	v58 =	vmul.f32 v51, v3  }
0x11d: {  	v54 =	vld [tilespmem:s31+$0x170];
	[tilespmem:s31+$0x100] =	vst v1;
	v1 =	vmul.f32 v48, v3  }
0x11e: {  	v56 =	vld [tilespmem:s31+$0x180];
	[tilespmem:s31+$0x150] =	vst v58;
	v5 =	vmul.f32 v32, v5  }
0x11f: {  	v57 =	vld [tilespmem:s31+$0x190];
	[tilespmem:s31+$0x120] =	vst v1;
	v1 =	vmul.f32 v50, v3  }
0x120: {  	v59 =	vld [tilespmem:s31+$0x1A0];
	[tilespmem:s31+$0x70] =	vst v5;
	v4 =	vmul.f32 v43, v4  }
0x121: {  	v60 =	vld [tilespmem:s31+$0x1B0];
	[tilespmem:s31+$0x140] =	vst v1;
	v1 =	vmul.f32 v53, v3  }
0x122: {  	v61 =	vld [tilespmem:s31+$0x1C0];
	[tilespmem:s31+$0xF0] =	vst v4;
	v3 =	vmul.f32 v54, v3  }
0x123: {  	v62 =	vld [tilespmem:s31+$0x1D0];
	[tilespmem:s31+$0x160] =	vst v1;
	v1 =	vmul.f32 v56, v2  }
0x124: {  	v63 =	vld [tilespmem:s31+$0x1E0];
	[tilespmem:s31+$0x170] =	vst v3;
	v3 =	vmul.f32 v57, v2  }
0x125: {  	[tilespmem:s31+$0x180] =	vst v1;
	v1 =	vmul.f32 v59, v2  }
0x126: {  	[tilespmem:s31+$0x190] =	vst v3;
	v3 =	vmul.f32 v60, v2  }
0x127: {  	[tilespmem:s31+$0x1A0] =	vst v1;
	v1 =	vmul.f32 v61, v2  }
0x128: {  	[tilespmem:s31+$0x1B0] =	vst v3;
	v3 =	vmul.f32 v62, v2  }
0x129: {  	s28 =	sadd.s32 $0x1, s28;
	[tilespmem:s31+$0x1C0] =	vst v1;
	v1 =	vmul.f32 v63, v2  }
0x12a: {  	p0 =	sne.s32 s28, $0x50;
	[tilespmem:s31+$0x1D0] =	vst v3  }
.Ltmp2:
0x12b: {  	[tilespmem:s31+$0x1E0] =	vst v1;
	s31 =	sadd.s32 $0x2800, s29;
	(pc) =	sbr.rel @p0 .LBB2_4-.Ltmp2, $4  }
0x12c: {  	[spmem:s3] =	stream.indirect.scatter.add.f32 [tilespmem:s22], [sflag:$0x2], $0x80, s31, s23, $0xb8;
	[tilespmem:$0x1F800] =	vst v63  }
0x12d: {  	_ =	swait.ge [sflag:s19], $0x4000  }
0x12e: {  	[sflag:s19] =	ssyncset.done $0x0  }
0x12f: {  	[sflag:s19] =	ssyncadd.s32 $0xFFFFC000  }
0x130: {  	s2 =	sshll.u32 s0, $0x6  }
0x131: {  	[bflag:$0x0] =	sbarrier.arrive $0xFFFF;
	s20 =	sshrl.u32 s8, $0x3;
	s2 =	sor.u32 $0x1C02, s2  }
0x132: {  	[hbm:s13], [sflag:s2] =	dma.local [spmem:s20], $0x800  }
0x133: {  	_ =	swait.ge [sflag:s19], $0x800  }
0x134: {  	[sflag:s19] =	ssyncset.done $0x0  }
0x135: {  	s28 =	sshrl.u32 s9, $0x3;
	[sflag:s19] =	ssyncadd.s32 $0xFFFFF800  }
0x136: {  	[hbm:s14], [sflag:s2] =	dma.local [spmem:s28], $0x800  }
0x137: {  	_ =	swait.ge [sflag:s19], $0x800  }
0x138: {  	[sflag:s19] =	ssyncset.done $0x0  }
0x139: {  	s29 =	sshrl.u32 s10, $0x3;
	[sflag:s19] =	ssyncadd.s32 $0xFFFFF800  }
0x13a: {  	[hbm:s15], [sflag:s2] =	dma.local [spmem:s29], $0x800  }
0x13b: {  	_ =	swait.ge [sflag:s19], $0x800  }
0x13c: {  	[sflag:s19] =	ssyncset.done $0x0  }
0x13d: {  	s30 =	sshrl.u32 s11, $0x3;
	[sflag:s19] =	ssyncadd.s32 $0xFFFFF800  }
0x13e: {  	[hbm:s16], [sflag:s2] =	dma.local [spmem:s30], $0x800  }
0x13f: {  	s25 =	sadd.s32 $0x1, s25;
	_ =	swait.ge [sflag:s19], $0x800  }
0x140: {  	p0 =	sne.s32 s25, s18;
	[sflag:s19] =	ssyncset.done $0x0  }
.Ltmp3:
0x141: {  	s31 =	sshrl.u32 s12, $0x3;
	[sflag:s19] =	ssyncadd.s32 $0xFFFFF800;
	(pc) =	sbr.rel @p0 .LBB2_1-.Ltmp3, $4  }
0x142: {  	[hbm:s17], [sflag:s2] =	dma.local [spmem:s31], $0x800  }
0x143: {  	_ =	swait.ge [sflag:s19], $0x800  }
0x144: {  	[sflag:s19] =	ssyncset.done $0x0  }
0x145: {  	[sflag:s19] =	ssyncadd.s32 $0xFFFFF800  }
0x146: {  	_ =	sfence.sel $0x180000  }
0x147: {  	[bflag:$0x0] =	sbarrier.arrive $0xFFFF  }
0x148: {  	_ =	strace $0x90000047  }
0x149: {  	[bflag:$0x2] =	sbarrier.arrive $0xFFFF  }
0x14a: {  	p0 =	sne.s32 s0, $0x0;
	s0 =	rddreg [dreg:$0x3]  }
0x14b: {  	s0 =	sadd.s32 @!p0 $0x100000, s0  }
0x14c: {  	[sflag:s0] =	ssyncadd.tile.s32 @!p0 $0x1;
	_ =	shalt  }
.Lfunc_end2:
_tile_overlayer_lowered:
.L_overlay_start_2:
0x14d: {  	(tag) =	ssettag $0x2  }
0x14e: {  	s0 =	rddreg [dreg:$0x0];
	s2 =	stileid.u32  }
0x14f: {  	s1 =	rddreg [dreg:$0x1];
	p0 =	sne.s32 s2, $0x0  }
0x150: {  	s3 =	rddreg [dreg:$0x2];
	[bflag:$0x3] =	sbarrier.arrive $0xFFFF;
	s2 =	simm.s32 @!p0 $0x1C02  }
0x151: {  	[timem:s3], [sflag:s2] =	dma.local @!p0 [hbm:s0], s1  }
0x152: {  	s0 =	simm.s32 @!p0 $0x2  }
0x153: {  	_ =	swait.ge @!p0 [sflag:s0], s1  }
0x154: {  	s1 =	ssub.s32 @!p0 $0x0, s1;
	[sflag:s0] =	ssyncset.done @!p0 $0x0  }
0x155: {  	[sflag:s0] =	ssyncadd.s32 @!p0 s1  }
0x156: {  	[bflag:$0x3] =	sbarrier.arrive $0xFFFF  }
0x157: {  	_ =	shalt  }

// kernel: kernel.9.cloned.1.call-start
scs
__scs_entry_jumppad:
0x0: {  	(pc) =	sbr.rel $0x88, $3  }
0x1: {  	(tag) =	ssettag $0x0;
	lr =	simm.s32 $0x1  }
0x2: {  	[smem:$0x3F8D] =	sst lr;
	_ =	strace $0xD0000000  }
0x3: {  	_ = 	snop  }
0x4: {  	_ = 	snop  }
0x5: {  	_ = 	snop  }
0x6: {  	_ = 	snop  }
0x7: {  	_ = 	snop  }
__scs_overlays_trampoline_lowered:
0x8: {  	[smem:$0x3F9C] =	sst s0  }
0x9: {  	[smem:$0x3F9D] =	sst s1  }
0xa: {  	[smem:$0x3F9E] =	sst s2  }
0xb: {  	[smem:$0x3F9F] =	sst s3  }
0xc: {  	[smem:$0x3FA0] =	sst s4  }
0xd: {  	[smem:$0x3FA1] =	sst s5  }
0xe: {  	[smem:$0x3FA2] =	sst s6  }
0xf: {  	[smem:$0x3FA3] =	sst s7  }
0x10: {  	[smem:$0x3FA4] =	sst s8  }
0x11: {  	[smem:$0x3FA5] =	sst s9;
	s0 =	simm.s32 @!p0 $0x0  }
0x12: {  	s1 =	sld [smem:$0x3F8B];
	s0 =	simm.s32 @p0 $0x1  }
0x13: {  	[smem:$0x3FA6] =	sst s0;
	s0 =	simm.s32 @!p1 $0x0  }
0x14: {  	s2 =	sld [smem:$0x3F8A];
	s0 =	simm.s32 @p1 $0x1  }
0x15: {  	[smem:$0x3FA7] =	sst s0;
	s0 =	simm.s32 @!p2 $0x0  }
0x16: {  	s3 =	sld [smem:$0x3FDB];
	s0 =	simm.s32 @p2 $0x1  }
0x17: {  	s4 =	simm.s32 $0x1BF5;
	[smem:$0x3FA9] =	sst s0  }
0x18: {  	s0 =	sld [smem:$0x3F8C];
	_ =	swait.ge [sflag:s4], $0x0  }
0x19: {  	s7 =	sld [smem:$0x3F8D]  }
0x1a: {  	s8 =	sadd.s32 $0xFFFFE003, lr  }
0x1b: {  	s9 =	sadd.s32 $0xFFFFFEF7, lr;
	s5 =	simm.s32 $0xFFFFFFFF;
	p2 =	slt.u32 s8, $0xFFFFF086  }
0x1c: {  	p1 =	slt.u32 s9, $0xF7A;
	s5 =	simm.s32 @!p2 $0x0  }
0x1d: {  	s5 =	simm.s32 @p1 $0x1;
	p0 =	seq.s32 s7, s2  }
0x1e: {  	s7 =	smul.u32 @!p0 $0xF7A, s2;
	p2 =	seq.s32 @!p0 s5, $0x0  }
0x1f: {  	s9 =	smul.u32 $0xF7A, s1;
	s8 =	simm.s32 @!p0 $0x1BF5;
	p2 =	por !p2, p0  }
0x20: {  	[sflag:s8] =	ssyncset.s32 @!p0 $0xFFFFF086;
	s6 =	sadd.s32 @!p0 s3, s7;
	s7 =	simm.s32 @!p0 $0x108  }
0x21: {  	s3 =	sadd.s32 s3, s9;
	s6 =	sadd.s32 @!p0 $0x88, s6;
	s7 =	simm.s32 @p2 $0x1082  }
0x22: {  	[simem:s7], [sflag:s8] =	dma.local @!p0 [hbm:s6], $0xF7A  }
0x23: {  	s9 =	sor.u32 $0xD0000000, s2;
	s6 =	simm.s32 $0x108;
	_ =	swait.ge @!p0 [sflag:s8], $0x0  }
0x24: {  	s3 =	sadd.s32 $0x88, s3;
	s6 =	simm.s32 @!p1 $0x1082;
	[sflag:s4] =	ssyncset.s32 $0xFFFFF086  }
0x25: {  	[simem:s6], [sflag:s4] =	dma.local [hbm:s3], $0xF7A  }
0x26: {  	[smem:$0x3F8D] =	sst s1;
	(tag) =	ssettag s2;
	_ =	strace s9  }
0x27: {  	s1 =	sld [smem:$0x3F9D]  }
0x28: {  	s2 =	sld [smem:$0x3F9E]  }
0x29: {  	s4 =	sld [smem:$0x3FA0]  }
0x2a: {  	p0 =	seq.s32 s5, $0x0;
	s5 =	sld [smem:$0x3FA1]  }
0x2b: {  	s6 =	sld [smem:$0x3FA2]  }
0x2c: {  	s7 =	sld [smem:$0x3FA3]  }
0x2d: {  	s3 =	simm.s32 $0x108;
	s8 =	sld [smem:$0x3FA4]  }
0x2e: {  	s3 =	simm.s32 @!p0 $0x1082;
	s9 =	sld [smem:$0x3FA5]  }
0x2f: {  	lr =	sadd.s32 s0, s3;
	s0 =	sld [smem:$0x3F9C]  }
0x30: {  	s3 =	sld [smem:$0x3F9F]  }
0x31: {  	[smem:$0x3FA8] =	sst s10  }
0x32: {  	s10 =	sld [smem:$0x3FA6];
	_ =	sdelay $0x3  }
0x33: {  	p0 =	seq.s32 s10, $0x1;
	s10 =	sld [smem:$0x3FA8];
	_ =	sdelay $0x3  }
0x34: {  	[smem:$0x3FA8] =	sst s10  }
0x35: {  	s10 =	sld [smem:$0x3FA7];
	_ =	sdelay $0x3  }
0x36: {  	p1 =	seq.s32 s10, $0x1;
	s10 =	sld [smem:$0x3FA8];
	_ =	sdelay $0x3  }
0x37: {  	[smem:$0x3FA8] =	sst s10  }
0x38: {  	s10 =	sld [smem:$0x3FA9]  }
0x39: {  	_ = 	snop;
	(pc) =	sbr.ind lr, $3  }
0x3a: {  	_ = 	snop  }
0x3b: {  	_ = 	snop  }
0x3c: {  	p2 =	seq.s32 s10, $0x1;
	s10 =	sld [smem:$0x3FA8]  }
0x3d: {  	_ =	shalt  }
0x3e: {  	_ =	shalt  }
0x3f: {  	_ =	shalt  }
0x40: {  	_ =	shalt  }
0x41: {  	_ =	shalt  }
0x42: {  	_ =	shalt  }
0x43: {  	_ =	shalt  }
0x44: {  	_ =	shalt  }
0x45: {  	_ =	shalt  }
0x46: {  	_ =	shalt  }
0x47: {  	_ =	shalt  }
0x48: {  	_ =	shalt  }
0x49: {  	_ =	shalt  }
0x4a: {  	_ =	shalt  }
0x4b: {  	_ =	shalt  }
0x4c: {  	_ =	shalt  }
0x4d: {  	_ =	shalt  }
0x4e: {  	_ =	shalt  }
0x4f: {  	_ =	shalt  }
0x50: {  	_ =	shalt  }
0x51: {  	_ =	shalt  }
0x52: {  	_ =	shalt  }
0x53: {  	_ =	shalt  }
0x54: {  	_ =	shalt  }
0x55: {  	_ =	shalt  }
0x56: {  	_ =	shalt  }
0x57: {  	_ =	shalt  }
0x58: {  	_ =	shalt  }
0x59: {  	_ =	shalt  }
0x5a: {  	_ =	shalt  }
0x5b: {  	_ =	shalt  }
0x5c: {  	_ =	shalt  }
0x5d: {  	_ =	shalt  }
0x5e: {  	_ =	shalt  }
0x5f: {  	_ =	shalt  }
0x60: {  	_ =	shalt  }
0x61: {  	_ =	shalt  }
0x62: {  	_ =	shalt  }
0x63: {  	_ =	shalt  }
0x64: {  	_ =	shalt  }
0x65: {  	_ =	shalt  }
0x66: {  	_ =	shalt  }
0x67: {  	_ =	shalt  }
0x68: {  	_ =	shalt  }
0x69: {  	_ =	shalt  }
0x6a: {  	_ =	shalt  }
0x6b: {  	_ =	shalt  }
0x6c: {  	_ =	shalt  }
0x6d: {  	_ =	shalt  }
0x6e: {  	_ =	shalt  }
0x6f: {  	_ =	shalt  }
0x70: {  	_ =	shalt  }
0x71: {  	_ =	shalt  }
0x72: {  	_ =	shalt  }
0x73: {  	_ =	shalt  }
0x74: {  	_ =	shalt  }
0x75: {  	_ =	shalt  }
0x76: {  	_ =	shalt  }
0x77: {  	_ =	shalt  }
0x78: {  	_ =	shalt  }
0x79: {  	_ =	shalt  }
0x7a: {  	_ =	shalt  }
0x7b: {  	_ =	shalt  }
0x7c: {  	_ =	shalt  }
0x7d: {  	_ =	shalt  }
0x7e: {  	_ =	shalt  }
0x7f: {  	_ =	shalt  }
0x80: {  	_ =	shalt  }
0x81: {  	_ =	shalt  }
0x82: {  	_ =	shalt  }
0x83: {  	_ =	shalt  }
0x84: {  	_ =	shalt  }
0x85: {  	_ =	shalt  }
0x86: {  	_ =	shalt  }
0x87: {  	_ =	shalt  }
.Lfunc_end0:
.L_simem_size_0:
called_computation.1_lowered:
.L_overlay_start_0:
0x88: {  	s2 =	sld [smem:$0x3FD9]  }
0x89: {  	s3 =	sld [smem:$0x3FFE];
	_ =	sdelay $0x1  }
0x8a: {  	s1 =	srdreg.scid  }
0x8b: {  	s0 =	sand.u32 $0x1, s1  }
0x8c: {  	s16 =	sshll.u32 s0, $0xA;
	s2 =	sadd.s32 s3, s2  }
0x8d: {  	s2 =	sadd.s32 s2, s16  }
0x8e: {  	[smem:$0x3FB4] =	sst s2  }
0x8f: {  	_ = 	snop  }
0x90: {  	(tm) =	ssettm $0x1  }
0x91: {  	s17 =	sld [smem:$0x3FFB];
	_ =	sdelay $0x3  }
0x92: {  	_ =	strace s17  }
0x93: {  	s2 =	sld [smem:$0x3FFC];
	_ =	sdelay $0x3  }
0x94: {  	_ =	strace s2  }
0x95: {  	s2 =	sld [smem:$0x3FFD];
	_ =	sdelay $0x3  }
0x96: {  	_ =	strace s2  }
0x97: {  	_ =	strace $0x8FFFFFFF  }
0x98: {  	s18 =	sld [smem:$0x3FDB];
	_ =	sdelay $0x1  }
0x99: {  	s19 =	simm.s32 $_scs_section_size  }
0x9a: {  	s4 =	simm.s32 $_size__tile_overlayer_lowered;
	s5 =	simm.s32 $_tile_overlayer_lowered  }
0x9b: {  	s22 =	simm.s32 $0x1BFF;
	s21 =	sshll.u32 s5, $0x1;
	s2 =	sadd.s32 s19, s18  }
0x9c: {  	s6 =	simm.s32 $0x0;
	s20 =	sshll.u32 s4, $0x1;
	s4 =	sadd.s32 s21, s2  }
0x9d: {  	[timem:s6], [sflag:s22] =	dma.local [hbm:s4], s20  }
0x9e: {  	_ =	swait.ge [sflag:s22], s20  }
0x9f: {  	s3 =	ssub.s32 $0x0, s20;
	[sflag:s22] =	ssyncset.done $0x0  }
0xa0: {  	[sflag:s22] =	ssyncadd.s32 s3;
	_ =	sdelay $0x1  }
0xa1: {  	s23 =	simm.s32 $0x1B8B  }
0xa2: {  	_ =	swait.ge [sflag:s23], $0x1  }
0xa3: {  	[sflag:s23] =	ssyncset.done $0x0  }
0xa4: {  	s25 =	simm.s32 $0x1B8E;
	s24 =	sld [smem:$0x3FFE];
	[sflag:s23] =	ssyncadd.s32 $0xFFFFFFFF  }
0xa5: {  	s26 =	simm.s32 $execute0_lowered;
	[smem:$0x3FD2] =	sst s25  }
0xa6: {  	s4 =	sshll.u32 s26, $0x1;
	_ =	strace $0x80000049;
	[dreg:$0x1] =	wrdreg $0xFFFFFFFF  }
0xa7: {  	s28 =	simm.s32 $_size_execute0_lowered;
	s2 =	sadd.s32 s2, s4;
	[dreg:$0x0] =	wrdreg $0x0  }
0xa8: {  	s4 =	sshll.u32 s28, $0x1;
	[dreg:$0x2] =	wrdreg s2  }
0xa9: {  	[dreg:$0x3] =	wrdreg s4  }
0xaa: {  	[dreg:$0x4] =	wrdreg $0xC0  }
0xab: {  	_ =	task [dreg:s6], $0x5FFFF  }
0xac: {  	[dreg:$0x1] =	wrdreg $0xFFFFFFFF  }
0xad: {  	[dreg:$0x0] =	wrdreg $0x60  }
0xae: {  	[dreg:$0x2] =	wrdreg s24  }
0xaf: {  	[dreg:$0x3] =	wrdreg $0xB8000  }
0xb0: {  	[dreg:$0x4] =	wrdreg $0x9  }
0xb1: {  	_ =	task.clear_ibuf [dreg:s6], $0x5FFFF;
	_ =	strace $0x90000049  }
0xb2: {  	s29 =	simm.s32 $0x9;
	_ =	strace $0x8000004B  }
0xb3: {  	_ =	swait.ge [sflag:s29], $0x1  }
0xb4: {  	[sflag:s29] =	ssyncadd.s32 $0xFFFFFFFF  }
0xb5: {  	_ =	strace $0x9000004B  }
0xb6: {  	_ =	sfence  }
0xb7: {  	s30 =	sld [smem:$0x0];
	_ =	sdelay $0x2  }
0xb8: {  	s31 =	sshll.u32 s1, $0xD;
	s1 =	sshrl.u32 s1, $0x2  }
0xb9: {  	s3 =	sand.u32 $0x4000, s31;
	s1 =	sadd.s32 s1, s30  }
0xba: {  	s0 =	sor.u32 s3, s0;
	s1 =	sshll.u32 s1, $0x11  }
0xbb: {  	s0 =	sor.u32 s1, s0  }
0xbc: {  	s0 =	sadd.s32 $0x8F2B, s0  }
0xbd: {  	[sflag:s0] =	ssyncadd.remote.s32 $0x1  }
0xbe: {  	_ =	sfence.sel $0xFFFF  }
0xbf: {  	[dreg:$0x0] =	wrdreg $0xFFFFFFFF;
	(pc) =	sbr.abs _section_cstart, $3  }
0xc0: {  	[dreg:$0x1] =	wrdreg $0xFFFFFFFF  }
0xc1: {  	_ =	task.clear_ibuf [dreg:s6], $0x2FFFF;
	_ =	strace $0x9FFFFFFF  }
0xc2: {  	(tm) =	ssettm $0x7FFFFFFF  }
0xc3: {  	_ =	shalt  }
tec
execute0_lowered:
.L_overlay_start_1:
0x0: {  	(tag) =	ssettag $0x1  }
0x1: {  	s0 =	srdreg.scid;
	s5 =	rddreg [dreg:$0x0]  }
0x2: {  	s2 =	rddreg [dreg:$0x1];
	s1 =	stileid.u32  }
0x3: {  	s3 =	simm.s32 $0x0;
	s21 =	simm.s32 $0x5000;
	s22 =	simm.s32 $0x7800  }
0x4: {  	s23 =	simm.s32 $0x80;
	s24 =	simm.s32 $0x1;
	s25 =	simm.s32 $0x0  }
0x5: {  	s0 =	sand.u32 $0x1, s0;
	[smem:$0x7FF] =	sst s3;
	s8 =	smul.u32 $0x50000, s1  }
0x6: {  	s17 =	sadd.s32 $0x48600, s5;
	s12 =	smul.u32 $0x14000, s1;
	s4 =	sshll.u32 s0, $0x4  }
0x7: {  	_ =	strace $0x8000004A;
	s29 =	ssub.s32 $0x2, s0;
	s0 =	smul.u32 $0x140000, s0  }
0x8: {  	s4 =	sor.u32 s1, s4;
	s30 =	sshrl.u32 s29, $0x1;
	s8 =	sshrl.u32 s8, $0x2  }
0x9: {  	s13 =	sadd.s32 $0x4000, s12;
	s15 =	sadd.s32 $0x8000, s12;
	s16 =	sadd.s32 $0xC000, s12  }
0xa: {  	s19 =	sadd.s32 $0x10000, s12;
	s6 =	smul.u32 $0x500, s4;
	s4 =	sadd.s32 $0x21400, s5  }
0xb: {  	s18 =	ssub.s32 s29, s30;
	s8 =	sadd.s32 s8, s2;
	s9 =	sadd.s32 s13, s2  }
0xc: {  	s10 =	sadd.s32 s15, s2;
	s11 =	sadd.s32 s16, s2;
	s14 =	sadd.s32 s12, s0  }
0xd: {  	s20 =	sadd.s32 s0, s13;
	s12 =	sadd.s32 s19, s2;
	s15 =	sadd.s32 s0, s15  }
0xe: {  	s16 =	sadd.s32 s0, s16;
	s0 =	sadd.s32 s0, s19;
	s19 =	simm.s32 $0x2  }
0xf: {  	s14 =	sshrl.u32 s14, $0x3;
	s31 =	sshrl.u32 s20, $0x3;
	s15 =	sshrl.u32 s15, $0x3  }
0x10: {  	s16 =	sshrl.u32 s16, $0x3;
	s0 =	sshrl.u32 s0, $0x3;
	s18 =	smax.u32 s18, $0x1  }
0x11: {  	s7 =	sadd.s32 s6, s5;
	s13 =	sadd.s32 s17, s14;
	s14 =	sadd.s32 s17, s31  }
0x12: {  	s15 =	sadd.s32 s17, s15;
	s16 =	sadd.s32 s17, s16;
	s17 =	sadd.s32 s17, s0  }
0x13: {  	v0 =	vimm.f32 $0.0e+00;
	s5 =	sadd.s32 $0x3400, s7;
	s6 =	sadd.s32 $0xD400, s7;
	s7 =	sadd.s32 $0x17400, s7  }
.LBB2_1:
0x14: {  	[tilespmem:s3], [sflag:$0x2] =	stream.linear.gather [hbm4b:s5+s3], $0x2800, $0x38;
	[tilespmem:$0x1F800] =	vst v63  }
0x15: {  	_ =	swait.ge [sflag:s19], $0x2800  }
0x16: {  	[sflag:s19] =	ssyncset.done $0x0  }
0x17: {  	s0 =	simm.s32 $0x2800;
	[sflag:s19] =	ssyncadd.s32 $0xFFFFD800  }
0x18: {  	[tilespmem:s0], [sflag:$0x2] =	stream.linear.gather [hbm4b:s6+s3], $0x2800, $0x38;
	[tilespmem:$0x1F800] =	vst v63  }
0x19: {  	_ =	swait.ge [sflag:s19], $0x2800  }
0x1a: {  	[sflag:s19] =	ssyncset.done $0x0  }
0x1b: {  	[sflag:s19] =	ssyncadd.s32 $0xFFFFD800  }
0x1c: {  	[tilespmem:s21], [sflag:$0x2] =	stream.linear.gather [hbm4b:s7+s3], $0x2800, $0x38;
	[tilespmem:$0x1F800] =	vst v63  }
0x1d: {  	_ =	swait.ge [sflag:s19], $0x2800  }
0x1e: {  	[sflag:s19] =	ssyncset.done $0x0  }
0x1f: {  	s26 =	simm.s32 $0x0;
	s28 =	simm.s32 $0x200;
	[sflag:s19] =	ssyncadd.s32 $0xFFFFD800  }
.LBB2_2:
0x20: {  	p0 =	sne.s32 s28, $0xFE00;
	[tilespmem:s26+$0x7870] =	vst v0  }
0x21: {  	[tilespmem:s26+$0x7800] =	vst v0  }
0x22: {  	[tilespmem:s26+$0x7810] =	vst v0  }
.Ltmp0:
0x23: {  	[tilespmem:s26+$0x7820] =	vst v0;
	(pc) =	sbr.rel @p0 .LBB2_2-.Ltmp0, $4  }
0x24: {  	[tilespmem:s26+$0x7830] =	vst v0  }
0x25: {  	[tilespmem:s26+$0x7840] =	vst v0  }
0x26: {  	[tilespmem:s26+$0x7850] =	vst v0  }
0x27: {  	[tilespmem:s26+$0x7860] =	vst v0;
	s26 =	sshra.s32 s28, $0x2;
	s28 =	sadd.s32 $0x200, s28  }
0x28: {  	[tilespmem:s26+$0x7870] =	vst v0  }
0x29: {  	[tilespmem:s26+$0x7800] =	vst v0  }
0x2a: {  	[tilespmem:s26+$0x7810] =	vst v0  }
0x2b: {  	[tilespmem:s26+$0x7820] =	vst v0  }
0x2c: {  	[tilespmem:s26+$0x7830] =	vst v0  }
0x2d: {  	[tilespmem:s26+$0x7840] =	vst v0  }
0x2e: {  	[tilespmem:s26+$0x7850] =	vst v0  }
0x2f: {  	[tilespmem:s26+$0x7860] =	vst v0  }
0x30: {  	[spmem:s8] =	stream.linear.scatter [tilespmem:s22], [sflag:$0x2], $0x4000, $0x38;
	[tilespmem:$0x1F800] =	vst v63  }
0x31: {  	_ =	swait.ge [sflag:s19], $0x4000  }
0x32: {  	[sflag:s19] =	ssyncset.done $0x0  }
0x33: {  	[sflag:s19] =	ssyncadd.s32 $0xFFFFC000  }
0x34: {  	[spmem:s9] =	stream.linear.scatter [tilespmem:s22], [sflag:$0x2], $0x4000, $0x38;
	[tilespmem:$0x1F800] =	vst v63  }
0x35: {  	_ =	swait.ge [sflag:s19], $0x4000  }
0x36: {  	[sflag:s19] =	ssyncset.done $0x0  }
0x37: {  	[sflag:s19] =	ssyncadd.s32 $0xFFFFC000  }
0x38: {  	[spmem:s10] =	stream.linear.scatter [tilespmem:s22], [sflag:$0x2], $0x4000, $0x38;
	[tilespmem:$0x1F800] =	vst v63  }
0x39: {  	_ =	swait.ge [sflag:s19], $0x4000  }
0x3a: {  	[sflag:s19] =	ssyncset.done $0x0  }
0x3b: {  	[sflag:s19] =	ssyncadd.s32 $0xFFFFC000  }
0x3c: {  	[spmem:s11] =	stream.linear.scatter [tilespmem:s22], [sflag:$0x2], $0x4000, $0x38;
	[tilespmem:$0x1F800] =	vst v63  }
0x3d: {  	_ =	swait.ge [sflag:s19], $0x4000  }
0x3e: {  	[sflag:s19] =	ssyncset.done $0x0  }
0x3f: {  	[sflag:s19] =	ssyncadd.s32 $0xFFFFC000  }
0x40: {  	[spmem:s12] =	stream.linear.scatter [tilespmem:s22], [sflag:$0x2], $0x4000, $0x38;
	[tilespmem:$0x1F800] =	vst v63  }
0x41: {  	_ =	swait.ge [sflag:s19], $0x4000  }
0x42: {  	[sflag:s19] =	ssyncset.done $0x0  }
0x43: {  	[sflag:s19] =	ssyncadd.s32 $0xFFFFC000  }
0x44: {  	s26 =	simm.s32 $0x0;
	s28 =	simm.s32 $0x0;
	[bflag:$0x0] =	sbarrier.arrive $0xFFFF  }
.LBB2_4:
0x45: {  	s29 =	sshll.u32 s28, $0x7  }
0x46: {  	[tilespmem:s22], [sflag:$0x1] =	stream.indirect.gather [hbm4b:s4+s23], $0x80, s29, s23, $0xb8;
	[tilespmem:$0x1F800] =	vst v63  }
0x47: {  	_ =	swait.ge [sflag:s24], $0x4000  }
0x48: {  	[sflag:s24] =	ssyncset.done $0x0  }
0x49: {  	v1 =	vmov s26;
	s20 =	simm.s32 $0x7;
	s30 =	simm.s32 $0x7A00;
	[sflag:s24] =	ssyncadd.s32 $0xFFFFC000  }
0x4a: {  	v2 =	vmov s29;
	v1 =	vand.u32 $0x78, v1;
	v4 =	vmov s20;
	v6 =	vld [tilespmem:s30+$0xFFFFFE10]  }
0x4b: {  	v1 =	vor.u32 v2, v1;
	v4 =	vand.u32 $0x7F, v4;
	v7 =	vld [tilespmem:s30+$0xFFFFFE20]  }
0x4c: {  	v1 =	vbroadcast v1, $0x0;
	v4 =	vor.u32 v2, v4;
	v8 =	vld [tilespmem:s30+$0xFFFFFE30]  }
0x4d: {  	v4 =	vbroadcast v4, $0x0;
	v9 =	vld [tilespmem:s30+$0xFFFFFE40]  }
0x4e: {  	s0 =	simm.s32 $0x1;
	v10 =	vld [tilespmem:s30+$0xFFFFFE50]  }
0x4f: {  	v3 =	vmov s0;
	v11 =	vld [tilespmem:s30+$0xFFFFFE60]  }
0x50: {  	v3 =	vand.u32 $0x79, v3;
	v13 =	vld [tilespmem:s30+$0x1F0]  }
0x51: {  	v3 =	vor.u32 v2, v3;
	v14 =	vld [tilespmem:s30+$0xFFFFFE80]  }
0x52: {  	v3 =	vbroadcast v3, $0x0;
	v5 =	vld.idx.msk [tilespmem:v1+s21+$0x0], $0xffff  }
0x53: {  	v1 =	vld.idx.msk [tilespmem:v4+s21+$0x0], $0xffff  }
0x54: {  	v4 =	vld [tilespmem:s30+$0xFFFFFE00]  }
0x55: {  	v15 =	vld [tilespmem:s30+$0xFFFFFE90]  }
0x56: {  	v16 =	vld [tilespmem:s30+$0xFFFFFEA0]  }
0x57: {  	v17 =	vld [tilespmem:s30+$0xFFFFFEB0];
	v6 =	vmul.f32 v6, v5  }
0x58: {  	v3 =	vld.idx.msk [tilespmem:v3+s21+$0x0], $0xffff;
	v7 =	vmul.f32 v7, v5  }
0x59: {  	s20 =	simm.s32 $0x2;
	v18 =	vld [tilespmem:s30+$0xFFFFFEC0];
	v4 =	vmul.f32 v4, v5;
	[tilespmem:s30+$0xFFFFFE10] =	vst v6  }
0x5a: {  	v12 =	vmov s20;
	v8 =	vmul.f32 v8, v5;
	v6 =	vld [tilespmem:s30+$0xFFFFFEE0];
	[tilespmem:s30+$0xFFFFFE20] =	vst v7  }
0x5b: {  	v13 =	vmul.f32 v13, v1;
	v7 =	vmul.f32 v9, v5;
	v9 =	vld [tilespmem:s30+$0xFFFFFEF0];
	[tilespmem:s30+$0xFFFFFE00] =	vst v4;
	v4 =	vand.u32 $0x7A, v12  }
0x5c: {  	[tilespmem:s30+$0xFFFFFE30] =	vst v8;
	v8 =	vmul.f32 v10, v5;
	v12 =	vld [tilespmem:s30+$0xFFFFFE70];
	v4 =	vor.u32 v2, v4  }
0x5d: {  	v10 =	vld [tilespmem:s30+$0xFFFFFF00];
	[tilespmem:s30+$0x1F0] =	vst v13;
	v13 =	vmul.f32 v14, v3;
	v4 =	vbroadcast v4, $0x0  }
0x5e: {  	s20 =	simm.s32 $0x3;
	v14 =	vld [tilespmem:s30+$0xFFFFFED0];
	[tilespmem:s30+$0xFFFFFE40] =	vst v7  }
0x5f: {  	v7 =	vmul.f32 v11, v5;
	v11 =	vld [tilespmem:s30+$0xFFFFFF10];
	[tilespmem:s30+$0xFFFFFE80] =	vst v13;
	v13 =	vmov s20  }
0x60: {  	v18 =	vmul.f32 v18, v3;
	[tilespmem:s30+$0xFFFFFE50] =	vst v8;
	v8 =	vld [tilespmem:s30+$0xFFFFFF20];
	v13 =	vand.u32 $0x7B, v13  }
0x61: {  	[tilespmem:s30+$0xFFFFFE60] =	vst v7;
	v7 =	vmul.f32 v15, v3;
	v15 =	vld [tilespmem:s30+$0xFFFFFF40];
	v13 =	vor.u32 v2, v13;
	v5 =	vmul.f32 v12, v5  }
0x62: {  	v6 =	vmul.f32 v6, v3;
	v13 =	vbroadcast v13, $0x0;
	v12 =	vld [tilespmem:s30+$0xFFFFFF30]  }
0x63: {  	v14 =	vmul.f32 v14, v3;
	[tilespmem:s30+$0xFFFFFE70] =	vst v5;
	v5 =	vmul.f32 v16, v3;
	v4 =	vld.idx.msk [tilespmem:v4+s21+$0x0], $0xffff  }
0x64: {  	[tilespmem:s30+$0xFFFFFE90] =	vst v7;
	v16 =	vmul.f32 v17, v3;
	v3 =	vmul.f32 v9, v3;
	v9 =	vld [tilespmem:s30+$0xFFFFFF90]  }
0x65: {  	[tilespmem:s30+$0xFFFFFED0] =	vst v14;
	v14 =	vld [tilespmem:s30+$0xFFFFFFD0]  }
0x66: {  	[tilespmem:s30+$0xFFFFFEA0] =	vst v5;
	v5 =	vld [tilespmem:s30+$0xFFFFFF60]  }
0x67: {  	[tilespmem:s30+$0xFFFFFEB0] =	vst v16;
	v16 =	vld [tilespmem:s30+$0xFFFFFF70]  }
0x68: {  	[tilespmem:s30+$0xFFFFFEE0] =	vst v6;
	v13 =	vld.idx.msk [tilespmem:v13+s21+$0x0], $0xffff;
	v7 =	vmul.f32 v10, v4  }
0x69: {  	s20 =	simm.s32 $0x4;
	[tilespmem:s30+$0xFFFFFEF0] =	vst v3;
	v10 =	vld [tilespmem:s30+$0xFFFFFF50];
	v6 =	vmul.f32 v11, v4  }
0x6a: {  	v17 =	vmov s20;
	v11 =	vld [tilespmem:s30+$0xFFFFFFA0];
	v3 =	vmul.f32 v8, v4;
	[tilespmem:s30+$0xFFFFFF00] =	vst v7  }
0x6b: {  	v15 =	vmul.f32 v15, v4;
	v7 =	vand.u32 $0x7C, v17;
	v17 =	vld [tilespmem:s30+$0xFFFFFF80];
	[tilespmem:s30+$0xFFFFFF10] =	vst v6  }
0x6c: {  	v8 =	vld [tilespmem:s30+$0xFFFFFFB0];
	v5 =	vmul.f32 v5, v4;
	[tilespmem:s30+$0xFFFFFF20] =	vst v3;
	v7 =	vor.u32 v2, v7  }
0x6d: {  	v6 =	vmul.f32 v12, v4;
	v12 =	vld [tilespmem:s30+$0xFFFFFFC0];
	[tilespmem:s30+$0xFFFFFF40] =	vst v15;
	v7 =	vbroadcast v7, $0x0  }
0x6e: {  	v15 =	vld [tilespmem:s30+$0xFFFFFFF0];
	[tilespmem:s30+$0xFFFFFF60] =	vst v5;
	v5 =	vmul.f32 v9, v13  }
0x6f: {  	v9 =	vld [tilespmem:s30+$0x10];
	[tilespmem:s30+$0xFFFFFF30] =	vst v6;
	v10 =	vmul.f32 v10, v4  }
0x70: {  	s20 =	simm.s32 $0x5;
	v6 =	vld [tilespmem:s30+$0xFFFFFFE0];
	[tilespmem:s30+$0xFFFFFF90] =	vst v5;
	v3 =	vmul.f32 v17, v13  }
0x71: {  	v4 =	vmul.f32 v16, v4;
	v5 =	vmul.f32 v8, v13;
	v8 =	vld [tilespmem:s30+$0x30];
	v17 =	vmov s20;
	[tilespmem:s30+$0xFFFFFF50] =	vst v10  }
0x72: {  	v14 =	vmul.f32 v14, v13;
	v10 =	vld [tilespmem:s30+$0x0];
	[tilespmem:s30+$0xFFFFFF80] =	vst v3;
	v3 =	vand.u32 $0x7D, v17  }
0x73: {  	[tilespmem:s30+$0xFFFFFF70] =	vst v4;
	v4 =	vmul.f32 v11, v13;
	v7 =	vld.idx.msk [tilespmem:v7+s21+$0x0], $0xffff;
	v3 =	vor.u32 v2, v3  }
0x74: {  	[tilespmem:s30+$0xFFFFFFD0] =	vst v14;
	v14 =	vld [tilespmem:s30+$0x70];
	v3 =	vbroadcast v3, $0x0  }
0x75: {  	v11 =	vld [tilespmem:s30+$0x20];
	[tilespmem:s30+$0xFFFFFFA0] =	vst v4;
	v4 =	vmul.f32 v12, v13  }
0x76: {  	[tilespmem:s30+$0xFFFFFFB0] =	vst v5;
	v12 =	vld [tilespmem:s30+$0x40];
	v6 =	vmul.f32 v6, v13;
	v13 =	vmul.f32 v15, v13  }
0x77: {  	[tilespmem:s30+$0xFFFFFFC0] =	vst v4;
	v4 =	vld [tilespmem:s30+$0x60]  }
0x78: {  	s20 =	simm.s32 $0x6;
	[tilespmem:s30+$0xFFFFFFF0] =	vst v13;
	v13 =	vld [tilespmem:s30+$0x90];
	v5 =	vmul.f32 v10, v7  }
0x79: {  	v16 =	vmov s20;
	[tilespmem:s30+$0xFFFFFFE0] =	vst v6;
	v10 =	vld [tilespmem:s30+$0x50];
	v6 =	vmul.f32 v9, v7  }
0x7a: {  	v11 =	vmul.f32 v11, v7;
	v3 =	vld.idx.msk [tilespmem:v3+s21+$0x0], $0xffff;
	[tilespmem:s30+$0x0] =	vst v5;
	v5 =	vand.u32 $0x7E, v16  }
0x7b: {  	v9 =	vld [tilespmem:s30+$0x80];
	[tilespmem:s30+$0x10] =	vst v6;
	v6 =	vmul.f32 v8, v7;
	v5 =	vor.u32 v2, v5  }
0x7c: {  	[tilespmem:s30+$0x20] =	vst v11;
	v11 =	vmul.f32 v12, v7;
	v12 =	vld [tilespmem:s30+$0xB0];
	v5 =	vbroadcast v5, $0x0  }
0x7d: {  	v4 =	vmul.f32 v4, v7;
	v8 =	vld [tilespmem:s30+$0xA0];
	[tilespmem:s30+$0x30] =	vst v6  }
0x7e: {  	[tilespmem:s30+$0x40] =	vst v11;
	v11 =	vld [tilespmem:s30+$0xD0];
	v6 =	vmul.f32 v10, v7  }
0x7f: {  	[tilespmem:s30+$0x60] =	vst v4;
	v10 =	vld [tilespmem:s30+$0xC0];
	v4 =	vmul.f32 v13, v3  }
0x80: {  	[tilespmem:s30+$0x50] =	vst v6;
	v6 =	vld [tilespmem:s30+$0xE0]  }
0x81: {  	v9 =	vmul.f32 v9, v3;
	[tilespmem:s30+$0x90] =	vst v4;
	v4 =	vmul.f32 v12, v3;
	v12 =	vld [tilespmem:s30+$0x110]  }
0x82: {  	[tilespmem:s30+$0xFFFFFEC0] =	vst v18;
	v17 =	vld.idx.msk [tilespmem:v5+s21+$0x0], $0xffff;
	v5 =	vmul.f32 v14, v7  }
0x83: {  	s20 =	simm.s32 $0x8;
	[tilespmem:s30+$0x80] =	vst v9;
	v7 =	vld [tilespmem:s30+$0xF0]  }
0x84: {  	s31 =	simm.s32 $0xB;
	v9 =	vmov s20;
	s20 =	simm.s32 $0x9;
	[tilespmem:s30+$0x70] =	vst v5;
	v5 =	vmul.f32 v8, v3;
	v8 =	vld [tilespmem:s30+$0x100]  }
0x85: {  	v15 =	vmov s31;
	s31 =	simm.s32 $0xD;
	v13 =	vmov s20;
	s20 =	simm.s32 $0xA;
	[tilespmem:s30+$0xB0] =	vst v4;
	v4 =	vmul.f32 v11, v3  }
0x86: {  	v18 =	vmov s31;
	v14 =	vmov s20;
	s20 =	simm.s32 $0xC;
	[tilespmem:s30+$0xA0] =	vst v5;
	v5 =	vmul.f32 v10, v3;
	v10 =	vld [tilespmem:s30+$0x120]  }
0x87: {  	v9 =	vand.u32 $0x78, v9;
	v11 =	vld [tilespmem:s30+$0x130];
	v16 =	vmov s20;
	[tilespmem:s30+$0xD0] =	vst v4;
	v12 =	vmul.f32 v12, v17  }
0x88: {  	v19 =	vld [tilespmem:s30+$0x140];
	s20 =	simm.s32 $0xE;
	[tilespmem:s30+$0xC0] =	vst v5;
	v5 =	vmul.f32 v6, v3;
	v6 =	vor.u32 v2, v9;
	v3 =	vmul.f32 v7, v3  }
0x89: {  	v7 =	vmov s20;
	v9 =	vand.u32 $0x79, v13;
	v4 =	vmul.f32 v8, v17;
	v8 =	vld [tilespmem:s30+$0x150];
	[tilespmem:s30+$0x110] =	vst v12  }
0x8a: {  	v20 =	vld [tilespmem:s30+$0x160];
	v13 =	vand.u32 $0x7A, v14;
	v14 =	vand.u32 $0x7C, v16;
	[tilespmem:s30+$0xE0] =	vst v5;
	v5 =	vand.u32 $0x7B, v15  }
0x8b: {  	[tilespmem:s30+$0xF0] =	vst v3;
	v3 =	vand.u32 $0x7D, v18;
	v15 =	vand.u32 $0x7E, v7;
	v18 =	vld [tilespmem:s30+$0x170];
	v7 =	vmul.f32 v10, v17  }
0x8c: {  	v9 =	vor.u32 v2, v9;
	[tilespmem:s30+$0x100] =	vst v4;
	v4 =	vbroadcast v6, $0x0;
	v10 =	vmul.f32 v11, v17;
	v6 =	vld [tilespmem:s30+$0x180]  }
0x8d: {  	v14 =	vor.u32 v2, v14;
	v11 =	vor.u32 v2, v13;
	v13 =	vmul.f32 v19, v17;
	[tilespmem:s30+$0x120] =	vst v7;
	v7 =	vld [tilespmem:s30+$0x190]  }
0x8e: {  	v12 =	vor.u32 v2, v5;
	v5 =	vbroadcast v9, $0x0;
	[tilespmem:s30+$0x130] =	vst v10;
	v19 =	vmul.f32 v8, v17;
	v8 =	vld [tilespmem:s30+$0x1A0]  }
0x8f: {  	v16 =	vor.u32 v2, v3;
	v9 =	vld [tilespmem:s30+$0x1B0];
	v10 =	vbroadcast v11, $0x0;
	[tilespmem:s30+$0x140] =	vst v13;
	v13 =	vmul.f32 v20, v17  }
0x90: {  	s0 =	simm.s32 $0xF;
	s31 =	simm.s32 $0x10;
	v15 =	vor.u32 v2, v15;
	v12 =	vbroadcast v12, $0x0;
	v11 =	vld [tilespmem:s30+$0x1C0];
	v17 =	vmul.f32 v18, v17;
	[tilespmem:s30+$0x150] =	vst v19  }
.LBB2_5:
0x91: {  	p0 =	slt.u32 s31, $0x78;
	v3 =	vbroadcast v14, $0x0;
	v14 =	vmov s0;
	[tilespmem:s30+$0x160] =	vst v13;
	v6 =	vmul.f32 v6, v1;
	v13 =	vld [tilespmem:s30+$0x1D0]  }
0x92: {  	v16 =	vbroadcast v16, $0x0;
	v14 =	vand.u32 $0x7F, v14;
	[tilespmem:s30+$0x170] =	vst v17;
	v7 =	vmul.f32 v7, v1;
	v17 =	vld [tilespmem:s30+$0x1E0]  }
0x93: {  	v15 =	vbroadcast v15, $0x0;
	v18 =	vld.idx.msk [tilespmem:v4+s21+$0x0], $0xffff;
	v4 =	vor.u32 v2, v14;
	[tilespmem:s30+$0x180] =	vst v6;
	v6 =	vmul.f32 v8, v1  }
0x94: {  	v8 =	vld.idx.msk [tilespmem:v5+s21+$0x0], $0xffff;
	v14 =	vbroadcast v4, $0x0;
	[tilespmem:s30+$0x190] =	vst v7;
	v4 =	vmul.f32 v9, v1  }
0x95: {  	v7 =	vld.idx.msk [tilespmem:v10+s21+$0x0], $0xffff;
	[tilespmem:s30+$0x1A0] =	vst v6;
	v9 =	vmul.f32 v11, v1  }
0x96: {  	v6 =	vld.idx.msk [tilespmem:v12+s21+$0x0], $0xffff;
	[tilespmem:s30+$0x1B0] =	vst v4;
	v10 =	vmul.f32 v13, v1  }
0x97: {  	v5 =	vld.idx.msk [tilespmem:v3+s21+$0x0], $0xffff;
	[tilespmem:s30+$0x1C0] =	vst v9;
	v1 =	vmul.f32 v17, v1  }
0x98: {  	v4 =	vld.idx.msk [tilespmem:v16+s21+$0x0], $0xffff;
	[tilespmem:s30+$0x1D0] =	vst v10  }
0x99: {  	v3 =	vld.idx.msk [tilespmem:v15+s21+$0x0], $0xffff;
	[tilespmem:s30+$0x1E0] =	vst v1  }
0x9a: {  	s30 =	sadd.s32 $0x400, s30;
	v1 =	vld.idx.msk [tilespmem:v14+s21+$0x0], $0xffff  }
0x9b: {  	v9 =	vld [tilespmem:s30+$0x1F0]  }
0x9c: {  	v10 =	vld [tilespmem:s30+$0xFFFFFE00]  }
0x9d: {  	v11 =	vld [tilespmem:s30+$0xFFFFFE10]  }
0x9e: {  	v12 =	vld [tilespmem:s30+$0xFFFFFE20]  }
0x9f: {  	v13 =	vld [tilespmem:s30+$0xFFFFFE30]  }
0xa0: {  	v14 =	vld [tilespmem:s30+$0xFFFFFE40];
	v9 =	vmul.f32 v9, v1  }
0xa1: {  	v10 =	vmul.f32 v10, v18;
	v15 =	vld [tilespmem:s30+$0xFFFFFE50]  }
0xa2: {  	v11 =	vmul.f32 v11, v18;
	v16 =	vld [tilespmem:s30+$0xFFFFFE60];
	[tilespmem:s30+$0x1F0] =	vst v9  }
0xa3: {  	[tilespmem:s30+$0xFFFFFE00] =	vst v10;
	v9 =	vmul.f32 v12, v18;
	v10 =	vld [tilespmem:s30+$0xFFFFFE70]  }
0xa4: {  	[tilespmem:s30+$0xFFFFFE10] =	vst v11;
	v11 =	vmul.f32 v13, v18;
	v12 =	vld [tilespmem:s30+$0xFFFFFE80]  }
0xa5: {  	[tilespmem:s30+$0xFFFFFE20] =	vst v9;
	v9 =	vmul.f32 v14, v18;
	v13 =	vld [tilespmem:s30+$0xFFFFFE90]  }
0xa6: {  	[tilespmem:s30+$0xFFFFFE30] =	vst v11;
	v11 =	vmul.f32 v15, v18;
	v14 =	vld [tilespmem:s30+$0xFFFFFEA0]  }
0xa7: {  	[tilespmem:s30+$0xFFFFFE40] =	vst v9;
	v9 =	vmul.f32 v16, v18;
	v15 =	vld [tilespmem:s30+$0xFFFFFEB0]  }
0xa8: {  	[tilespmem:s30+$0xFFFFFE50] =	vst v11;
	v10 =	vmul.f32 v10, v18;
	v11 =	vld [tilespmem:s30+$0xFFFFFEC0]  }
0xa9: {  	[tilespmem:s30+$0xFFFFFE60] =	vst v9;
	v9 =	vmul.f32 v12, v8;
	v12 =	vld [tilespmem:s30+$0xFFFFFED0]  }
0xaa: {  	[tilespmem:s30+$0xFFFFFE70] =	vst v10;
	v10 =	vmul.f32 v13, v8;
	v13 =	vld [tilespmem:s30+$0xFFFFFEE0]  }
0xab: {  	[tilespmem:s30+$0xFFFFFE80] =	vst v9;
	v9 =	vmul.f32 v14, v8;
	v14 =	vld [tilespmem:s30+$0xFFFFFEF0]  }
0xac: {  	[tilespmem:s30+$0xFFFFFE90] =	vst v10;
	v10 =	vmul.f32 v15, v8;
	v15 =	vld [tilespmem:s30+$0xFFFFFF00]  }
0xad: {  	[tilespmem:s30+$0xFFFFFEA0] =	vst v9;
	v9 =	vmul.f32 v11, v8;
	v11 =	vld [tilespmem:s30+$0xFFFFFF10]  }
0xae: {  	[tilespmem:s30+$0xFFFFFEB0] =	vst v10;
	v10 =	vmul.f32 v12, v8;
	v12 =	vld [tilespmem:s30+$0xFFFFFF20]  }
0xaf: {  	[tilespmem:s30+$0xFFFFFEC0] =	vst v9;
	v9 =	vmul.f32 v13, v8;
	v13 =	vld [tilespmem:s30+$0xFFFFFF30]  }
0xb0: {  	[tilespmem:s30+$0xFFFFFED0] =	vst v10;
	v8 =	vmul.f32 v14, v8;
	v10 =	vld [tilespmem:s30+$0xFFFFFF40]  }
0xb1: {  	[tilespmem:s30+$0xFFFFFEE0] =	vst v9;
	v9 =	vmul.f32 v15, v7;
	v14 =	vld [tilespmem:s30+$0xFFFFFF50]  }
0xb2: {  	[tilespmem:s30+$0xFFFFFEF0] =	vst v8;
	v8 =	vmul.f32 v11, v7;
	v11 =	vld [tilespmem:s30+$0xFFFFFF60]  }
0xb3: {  	[tilespmem:s30+$0xFFFFFF00] =	vst v9;
	v9 =	vmul.f32 v12, v7;
	v12 =	vld [tilespmem:s30+$0xFFFFFF70]  }
0xb4: {  	[tilespmem:s30+$0xFFFFFF10] =	vst v8;
	v8 =	vmul.f32 v13, v7;
	v13 =	vld [tilespmem:s30+$0xFFFFFF80]  }
0xb5: {  	[tilespmem:s30+$0xFFFFFF20] =	vst v9;
	v9 =	vmul.f32 v10, v7;
	v10 =	vld [tilespmem:s30+$0xFFFFFF90]  }
0xb6: {  	[tilespmem:s30+$0xFFFFFF30] =	vst v8;
	v8 =	vmul.f32 v14, v7;
	v14 =	vld [tilespmem:s30+$0xFFFFFFA0]  }
0xb7: {  	[tilespmem:s30+$0xFFFFFF40] =	vst v9;
	v9 =	vmul.f32 v11, v7;
	v11 =	vld [tilespmem:s30+$0xFFFFFFB0]  }
0xb8: {  	[tilespmem:s30+$0xFFFFFF50] =	vst v8;
	v7 =	vmul.f32 v12, v7;
	v8 =	vld [tilespmem:s30+$0xFFFFFFC0]  }
0xb9: {  	[tilespmem:s30+$0xFFFFFF60] =	vst v9;
	v9 =	vmul.f32 v13, v6;
	v12 =	vld [tilespmem:s30+$0xFFFFFFD0]  }
0xba: {  	[tilespmem:s30+$0xFFFFFF70] =	vst v7;
	v7 =	vmul.f32 v10, v6;
	v10 =	vld [tilespmem:s30+$0xFFFFFFE0]  }
0xbb: {  	[tilespmem:s30+$0xFFFFFF80] =	vst v9;
	v9 =	vmul.f32 v14, v6;
	v13 =	vld [tilespmem:s30+$0xFFFFFFF0]  }
0xbc: {  	[tilespmem:s30+$0xFFFFFF90] =	vst v7;
	v7 =	vmul.f32 v11, v6;
	v11 =	vld [tilespmem:s30+$0x0]  }
0xbd: {  	[tilespmem:s30+$0xFFFFFFA0] =	vst v9;
	v8 =	vmul.f32 v8, v6;
	v9 =	vld [tilespmem:s30+$0x10]  }
0xbe: {  	[tilespmem:s30+$0xFFFFFFB0] =	vst v7;
	v7 =	vmul.f32 v12, v6;
	v12 =	vld [tilespmem:s30+$0x20]  }
0xbf: {  	[tilespmem:s30+$0xFFFFFFC0] =	vst v8;
	v8 =	vmul.f32 v10, v6;
	v10 =	vld [tilespmem:s30+$0x30]  }
0xc0: {  	[tilespmem:s30+$0xFFFFFFD0] =	vst v7;
	v6 =	vmul.f32 v13, v6;
	v7 =	vld [tilespmem:s30+$0x40]  }
0xc1: {  	[tilespmem:s30+$0xFFFFFFE0] =	vst v8;
	v8 =	vmul.f32 v11, v5;
	v11 =	vld [tilespmem:s30+$0x50]  }
0xc2: {  	[tilespmem:s30+$0xFFFFFFF0] =	vst v6;
	v6 =	vmul.f32 v9, v5;
	v9 =	vld [tilespmem:s30+$0x60]  }
0xc3: {  	[tilespmem:s30+$0x0] =	vst v8;
	v8 =	vmul.f32 v12, v5;
	v12 =	vld [tilespmem:s30+$0x70]  }
0xc4: {  	[tilespmem:s30+$0x10] =	vst v6;
	v6 =	vmul.f32 v10, v5;
	v10 =	vld [tilespmem:s30+$0x80]  }
0xc5: {  	[tilespmem:s30+$0x20] =	vst v8;
	v7 =	vmul.f32 v7, v5;
	v8 =	vld [tilespmem:s30+$0x90]  }
0xc6: {  	[tilespmem:s30+$0x30] =	vst v6;
	v6 =	vmul.f32 v11, v5;
	v11 =	vld [tilespmem:s30+$0xA0]  }
0xc7: {  	[tilespmem:s30+$0x40] =	vst v7;
	v7 =	vmul.f32 v9, v5;
	v9 =	vld [tilespmem:s30+$0xB0]  }
0xc8: {  	[tilespmem:s30+$0x50] =	vst v6;
	v5 =	vmul.f32 v12, v5;
	v6 =	vld [tilespmem:s30+$0xC0]  }
0xc9: {  	[tilespmem:s30+$0x60] =	vst v7;
	v7 =	vmul.f32 v10, v4;
	v10 =	vld [tilespmem:s30+$0xD0]  }
0xca: {  	[tilespmem:s30+$0x70] =	vst v5;
	v5 =	vmul.f32 v8, v4;
	v8 =	vld [tilespmem:s30+$0xE0]  }
0xcb: {  	[tilespmem:s30+$0x80] =	vst v7;
	v7 =	vmul.f32 v11, v4;
	v11 =	vld [tilespmem:s30+$0xF0]  }
0xcc: {  	s0 =	sadd.s32 $0x1, s31;
	v12 =	vmov s31;
	[tilespmem:s30+$0x90] =	vst v5;
	v5 =	vmul.f32 v9, v4;
	v9 =	vld [tilespmem:s30+$0x100]  }
0xcd: {  	s20 =	sadd.s32 $0x3, s31;
	v13 =	vmov s0;
	s0 =	sadd.s32 $0x2, s31;
	v12 =	vand.u32 $0x78, v12;
	[tilespmem:s30+$0xA0] =	vst v7;
	v6 =	vmul.f32 v6, v4;
	v7 =	vld [tilespmem:s30+$0x110]  }
0xce: {  	v15 =	vmov s20;
	s20 =	sadd.s32 $0x5, s31;
	v14 =	vmov s0;
	s0 =	sadd.s32 $0x4, s31;
	[tilespmem:s30+$0xB0] =	vst v5;
	v5 =	vmul.f32 v10, v4;
	v10 =	vld [tilespmem:s30+$0x120]  }
0xcf: {  	v17 =	vmov s20;
	v16 =	vmov s0;
	s0 =	sadd.s32 $0x6, s31;
	[tilespmem:s30+$0xC0] =	vst v6;
	v6 =	vmul.f32 v8, v4;
	v8 =	vld [tilespmem:s30+$0x130]  }
0xd0: {  	v18 =	vmov s0;
	v12 =	vor.u32 v2, v12;
	[tilespmem:s30+$0xD0] =	vst v5;
	v4 =	vmul.f32 v11, v4;
	v5 =	vld [tilespmem:s30+$0x140]  }
0xd1: {  	v11 =	vand.u32 $0x79, v13;
	v13 =	vand.u32 $0x7A, v14;
	[tilespmem:s30+$0xE0] =	vst v6;
	v6 =	vmul.f32 v9, v3;
	v9 =	vld [tilespmem:s30+$0x150]  }
0xd2: {  	v14 =	vand.u32 $0x7B, v15;
	v15 =	vand.u32 $0x7C, v16;
	[tilespmem:s30+$0xF0] =	vst v4;
	v7 =	vmul.f32 v7, v3;
	v19 =	vld [tilespmem:s30+$0x160]  }
0xd3: {  	v16 =	vand.u32 $0x7D, v17;
	v17 =	vand.u32 $0x7E, v18;
	[tilespmem:s30+$0x100] =	vst v6;
	v10 =	vmul.f32 v10, v3;
	v18 =	vld [tilespmem:s30+$0x170]  }
.Ltmp1:
0xd4: {  	v11 =	vor.u32 v2, v11;
	v4 =	vbroadcast v12, $0x0;
	[tilespmem:s30+$0x110] =	vst v7;
	v8 =	vmul.f32 v8, v3;
	v6 =	vld [tilespmem:s30+$0x180];
	(pc) =	sbr.rel @p0 .LBB2_5-.Ltmp1, $4  }
0xd5: {  	v20 =	vor.u32 v2, v14;
	v12 =	vor.u32 v2, v13;
	[tilespmem:s30+$0x120] =	vst v10;
	v13 =	vmul.f32 v5, v3;
	v7 =	vld [tilespmem:s30+$0x190]  }
0xd6: {  	v14 =	vor.u32 v2, v15;
	v5 =	vbroadcast v11, $0x0;
	[tilespmem:s30+$0x130] =	vst v8;
	v11 =	vmul.f32 v9, v3;
	v8 =	vld [tilespmem:s30+$0x1A0]  }
0xd7: {  	v16 =	vor.u32 v2, v16;
	v10 =	vbroadcast v12, $0x0;
	[tilespmem:s30+$0x140] =	vst v13;
	v13 =	vmul.f32 v19, v3;
	v9 =	vld [tilespmem:s30+$0x1B0]  }
0xd8: {  	s0 =	sadd.s32 $0x7, s31;
	s31 =	sadd.s32 $0x8, s31;
	v15 =	vor.u32 v2, v17;
	v12 =	vbroadcast v20, $0x0;
	[tilespmem:s30+$0x150] =	vst v11;
	v17 =	vmul.f32 v18, v3;
	v11 =	vld [tilespmem:s30+$0x1C0]  }
0xd9: {  	_ =	sdelay $0x1  }
0xda: {  	v18 =	vld [tilespmem:s30+$0x1D0]  }
0xdb: {  	v19 =	vld [tilespmem:s30+$0x1E0]  }
0xdc: {  	v63 =	vld.idx.msk [tilespmem:v4+s21+$0x0], $0xffff  }
0xdd: {  	v20 =	vld.idx.msk [tilespmem:v5+s21+$0x0], $0xffff  }
0xde: {  	v10 =	vld.idx.msk [tilespmem:v10+s21+$0x0], $0xffff  }
0xdf: {  	s31 =	sadd.s32 $0x400, s30;
	v12 =	vld.idx.msk [tilespmem:v12+s21+$0x0], $0xffff  }
0xe0: {  	v24 =	vld [tilespmem:s31+$0x1F0]  }
0xe1: {  	v26 =	vld [tilespmem:s31+$0xFFFFFE00]  }
0xe2: {  	[tilespmem:s30+$0x160] =	vst v13;
	v6 =	vmul.f32 v6, v1;
	v28 =	vld [tilespmem:s31+$0xFFFFFE10]  }
0xe3: {  	[tilespmem:s30+$0x170] =	vst v17;
	v7 =	vmul.f32 v7, v1;
	v30 =	vld [tilespmem:s31+$0xFFFFFE20]  }
0xe4: {  	v31 =	vld [tilespmem:s31+$0xFFFFFE30];
	[tilespmem:s30+$0x180] =	vst v6;
	v23 =	vmul.f32 v8, v1  }
0xe5: {  	v32 =	vld [tilespmem:s31+$0xFFFFFE40];
	[tilespmem:s30+$0x190] =	vst v7;
	v25 =	vmul.f32 v9, v1  }
0xe6: {  	v33 =	vld [tilespmem:s31+$0xFFFFFE50];
	[tilespmem:s30+$0x1A0] =	vst v23;
	v27 =	vmul.f32 v11, v1  }
0xe7: {  	v34 =	vld [tilespmem:s31+$0xFFFFFE60];
	[tilespmem:s30+$0x1B0] =	vst v25;
	v29 =	vmul.f32 v18, v1  }
0xe8: {  	v35 =	vld [tilespmem:s31+$0xFFFFFE70];
	v1 =	vmul.f32 v19, v1;
	[tilespmem:s30+$0x1C0] =	vst v27  }
0xe9: {  	v36 =	vld [tilespmem:s31+$0xFFFFFE80];
	v11 =	vmul.f32 v28, v63;
	[tilespmem:s30+$0x1D0] =	vst v29  }
0xea: {  	v37 =	vld [tilespmem:s31+$0xFFFFFE90];
	[tilespmem:s30+$0x1E0] =	vst v1;
	v1 =	vmul.f32 v26, v63  }
0xeb: {  	v39 =	vld [tilespmem:s31+$0xFFFFFEA0];
	v6 =	vmul.f32 v31, v63;
	[tilespmem:s31+$0xFFFFFE10] =	vst v11  }
0xec: {  	v40 =	vld [tilespmem:s31+$0xFFFFFEB0];
	[tilespmem:s31+$0xFFFFFE00] =	vst v1;
	v1 =	vmul.f32 v30, v63  }
0xed: {  	v42 =	vld [tilespmem:s31+$0xFFFFFEC0];
	v38 =	vmul.f32 v33, v63;
	[tilespmem:s31+$0xFFFFFE30] =	vst v6  }
0xee: {  	v43 =	vld [tilespmem:s31+$0xFFFFFED0];
	[tilespmem:s31+$0xFFFFFE20] =	vst v1;
	v1 =	vmul.f32 v32, v63  }
0xef: {  	v45 =	vld [tilespmem:s31+$0xFFFFFEE0];
	v41 =	vmul.f32 v35, v63;
	[tilespmem:s31+$0xFFFFFE50] =	vst v38  }
0xf0: {  	v46 =	vld [tilespmem:s31+$0xFFFFFEF0];
	[tilespmem:s31+$0xFFFFFE40] =	vst v1;
	v1 =	vmul.f32 v34, v63  }
0xf1: {  	v48 =	vld [tilespmem:s31+$0xFFFFFF00];
	v44 =	vmul.f32 v37, v20;
	[tilespmem:s31+$0xFFFFFE70] =	vst v41  }
0xf2: {  	v49 =	vld [tilespmem:s31+$0xFFFFFF10];
	[tilespmem:s31+$0xFFFFFE60] =	vst v1;
	v1 =	vmul.f32 v36, v20  }
0xf3: {  	v51 =	vld [tilespmem:s31+$0xFFFFFF20];
	v47 =	vmul.f32 v40, v20;
	[tilespmem:s31+$0xFFFFFE90] =	vst v44  }
0xf4: {  	v52 =	vld [tilespmem:s31+$0xFFFFFF30];
	[tilespmem:s31+$0xFFFFFE80] =	vst v1;
	v1 =	vmul.f32 v39, v20  }
0xf5: {  	v54 =	vld [tilespmem:s31+$0xFFFFFF40];
	v50 =	vmul.f32 v43, v20;
	[tilespmem:s31+$0xFFFFFEB0] =	vst v47  }
0xf6: {  	v55 =	vld [tilespmem:s31+$0xFFFFFF50];
	[tilespmem:s31+$0xFFFFFEA0] =	vst v1;
	v1 =	vmul.f32 v42, v20  }
0xf7: {  	v3 =	vbroadcast v14, $0x0;
	v57 =	vld [tilespmem:s31+$0xFFFFFF60];
	v53 =	vmul.f32 v46, v20;
	[tilespmem:s31+$0xFFFFFED0] =	vst v50  }
0xf8: {  	v15 =	vbroadcast v15, $0x0;
	v58 =	vld [tilespmem:s31+$0xFFFFFF70];
	[tilespmem:s31+$0xFFFFFEC0] =	vst v1;
	v1 =	vmul.f32 v45, v20  }
0xf9: {  	v62 =	vmov s0;
	v60 =	vld [tilespmem:s31+$0xFFFFFF80];
	v56 =	vmul.f32 v49, v10;
	[tilespmem:s31+$0xFFFFFEF0] =	vst v53  }
0xfa: {  	v16 =	vbroadcast v16, $0x0;
	v14 =	vand.u32 $0x7F, v62;
	v61 =	vld [tilespmem:s31+$0xFFFFFF90];
	[tilespmem:s31+$0xFFFFFEE0] =	vst v1;
	v1 =	vmul.f32 v48, v10  }
0xfb: {  	v2 =	vor.u32 v2, v14;
	v14 =	vld [tilespmem:s31+$0xFFFFFFB0];
	v59 =	vmul.f32 v52, v10;
	[tilespmem:s31+$0xFFFFFF10] =	vst v56  }
0xfc: {  	v23 =	vld [tilespmem:s31+$0x10];
	[tilespmem:s31+$0xFFFFFF00] =	vst v1;
	v1 =	vmul.f32 v51, v10  }
0xfd: {  	v5 =	vld.idx.msk [tilespmem:v3+s21+$0x0], $0xffff;
	v62 =	vmul.f32 v55, v10;
	[tilespmem:s31+$0xFFFFFF30] =	vst v59  }
0xfe: {  	v3 =	vld.idx.msk [tilespmem:v15+s21+$0x0], $0xffff;
	[tilespmem:s31+$0xFFFFFF20] =	vst v1;
	v1 =	vmul.f32 v54, v10  }
0xff: {  	v15 =	vmul.f32 v58, v10;
	[tilespmem:s31+$0xFFFFFF50] =	vst v62;
	v63 =	vld [tilespmem:s31+$0xFFFFFFA0]  }
0x100: {  	v4 =	vld.idx.msk [tilespmem:v16+s21+$0x0], $0xffff;
	[tilespmem:s31+$0xFFFFFF40] =	vst v1;
	v1 =	vmul.f32 v57, v10  }
0x101: {  	v16 =	vld [tilespmem:s31+$0xFFFFFFC0];
	v18 =	vmul.f32 v61, v12;
	[tilespmem:s31+$0xFFFFFF70] =	vst v15  }
0x102: {  	v35 =	vld [tilespmem:s31+$0x90];
	[tilespmem:s31+$0xFFFFFF60] =	vst v1;
	v1 =	vmul.f32 v60, v12  }
0x103: {  	v19 =	vld [tilespmem:s31+$0xFFFFFFE0];
	v21 =	vmul.f32 v14, v12;
	[tilespmem:s31+$0xFFFFFF90] =	vst v18  }
0x104: {  	v40 =	vld [tilespmem:s31+$0xD0];
	[tilespmem:s31+$0xFFFFFF80] =	vst v1;
	v1 =	vmul.f32 v63, v12  }
0x105: {  	v22 =	vld [tilespmem:s31+$0x0];
	[tilespmem:s31+$0xFFFFFFB0] =	vst v21;
	v30 =	vmul.f32 v23, v5  }
0x106: {  	v46 =	vld [tilespmem:s31+$0x110];
	[tilespmem:s31+$0xFFFFFFA0] =	vst v1;
	v1 =	vmul.f32 v16, v12  }
0x107: {  	v25 =	vld [tilespmem:s31+$0x20];
	v41 =	vmul.f32 v35, v4;
	[tilespmem:s31+$0x10] =	vst v30  }
0x108: {  	v2 =	vbroadcast v2, $0x0;
	v49 =	vld [tilespmem:s31+$0x130];
	[tilespmem:s31+$0xFFFFFFC0] =	vst v1;
	v1 =	vmul.f32 v19, v12  }
0x109: {  	v28 =	vld [tilespmem:s31+$0x40];
	v47 =	vmul.f32 v40, v4;
	[tilespmem:s31+$0x90] =	vst v41  }
0x10a: {  	v26 =	vld [tilespmem:s31+$0x30];
	[tilespmem:s31+$0xFFFFFFE0] =	vst v1;
	v1 =	vmul.f32 v22, v5  }
0x10b: {  	v31 =	vld [tilespmem:s31+$0x60];
	v52 =	vmul.f32 v46, v3;
	[tilespmem:s31+$0xD0] =	vst v47  }
0x10c: {  	v38 =	vld [tilespmem:s31+$0xB0];
	[tilespmem:s31+$0x0] =	vst v1;
	v1 =	vmul.f32 v25, v5  }
0x10d: {  	v55 =	vmul.f32 v49, v3;
	v34 =	vld [tilespmem:s31+$0x80];
	[tilespmem:s31+$0x110] =	vst v52  }
0x10e: {  	v2 =	vld.idx.msk [tilespmem:v2+s21+$0x0], $0xffff;
	[tilespmem:s31+$0x20] =	vst v1;
	v1 =	vmul.f32 v28, v5  }
0x10f: {  	v37 =	vld [tilespmem:s31+$0xA0];
	v33 =	vmul.f32 v26, v5;
	[tilespmem:s31+$0x130] =	vst v55  }
0x110: {  	v17 =	vld [tilespmem:s31+$0xFFFFFFD0];
	[tilespmem:s31+$0x40] =	vst v1;
	v1 =	vmul.f32 v31, v5  }
0x111: {  	v44 =	vmul.f32 v38, v4;
	[tilespmem:s31+$0x30] =	vst v33;
	v39 =	vld [tilespmem:s31+$0xC0]  }
0x112: {  	v29 =	vld [tilespmem:s31+$0x50];
	[tilespmem:s31+$0x60] =	vst v1;
	v1 =	vmul.f32 v34, v4  }
0x113: {  	v8 =	vmul.f32 v24, v2;
	[tilespmem:s31+$0xB0] =	vst v44;
	v42 =	vld [tilespmem:s31+$0xE0]  }
0x114: {  	v20 =	vld [tilespmem:s31+$0xFFFFFFF0];
	[tilespmem:s31+$0x80] =	vst v1;
	v1 =	vmul.f32 v37, v4  }
0x115: {  	v24 =	vmul.f32 v17, v12;
	[tilespmem:s31+$0x1F0] =	vst v8;
	v45 =	vld [tilespmem:s31+$0x100]  }
0x116: {  	v51 =	vld [tilespmem:s31+$0x150];
	[tilespmem:s31+$0xA0] =	vst v1;
	v1 =	vmul.f32 v39, v4  }
0x117: {  	v36 =	vmul.f32 v29, v5;
	[tilespmem:s31+$0xFFFFFFD0] =	vst v24;
	v48 =	vld [tilespmem:s31+$0x120]  }
0x118: {  	v32 =	vld [tilespmem:s31+$0x70];
	[tilespmem:s31+$0xC0] =	vst v1;
	v1 =	vmul.f32 v42, v4  }
0x119: {  	v50 =	vld [tilespmem:s31+$0x140];
	[tilespmem:s31+$0x50] =	vst v36;
	v27 =	vmul.f32 v20, v12  }
0x11a: {  	v43 =	vld [tilespmem:s31+$0xF0];
	[tilespmem:s31+$0xE0] =	vst v1;
	v1 =	vmul.f32 v45, v3  }
0x11b: {  	v53 =	vld [tilespmem:s31+$0x160];
	[tilespmem:s31+$0xFFFFFFF0] =	vst v27;
	v58 =	vmul.f32 v51, v3  }
0x11c: {  	v54 =	vld [tilespmem:s31+$0x170];
	[tilespmem:s31+$0x100] =	vst v1;
	v1 =	vmul.f32 v48, v3  }
0x11d: {  	v56 =	vld [tilespmem:s31+$0x180];
	[tilespmem:s31+$0x150] =	vst v58;
	v5 =	vmul.f32 v32, v5  }
0x11e: {  	v57 =	vld [tilespmem:s31+$0x190];
	[tilespmem:s31+$0x120] =	vst v1;
	v1 =	vmul.f32 v50, v3  }
0x11f: {  	v59 =	vld [tilespmem:s31+$0x1A0];
	[tilespmem:s31+$0x70] =	vst v5;
	v4 =	vmul.f32 v43, v4  }
0x120: {  	v60 =	vld [tilespmem:s31+$0x1B0];
	[tilespmem:s31+$0x140] =	vst v1;
	v1 =	vmul.f32 v53, v3  }
0x121: {  	v61 =	vld [tilespmem:s31+$0x1C0];
	[tilespmem:s31+$0xF0] =	vst v4;
	v3 =	vmul.f32 v54, v3  }
0x122: {  	v62 =	vld [tilespmem:s31+$0x1D0];
	[tilespmem:s31+$0x160] =	vst v1;
	v1 =	vmul.f32 v56, v2  }
0x123: {  	v63 =	vld [tilespmem:s31+$0x1E0];
	[tilespmem:s31+$0x170] =	vst v3;
	v3 =	vmul.f32 v57, v2  }
0x124: {  	[tilespmem:s31+$0x180] =	vst v1;
	v1 =	vmul.f32 v59, v2  }
0x125: {  	[tilespmem:s31+$0x190] =	vst v3;
	v3 =	vmul.f32 v60, v2  }
0x126: {  	[tilespmem:s31+$0x1A0] =	vst v1;
	v1 =	vmul.f32 v61, v2  }
0x127: {  	[tilespmem:s31+$0x1B0] =	vst v3;
	v3 =	vmul.f32 v62, v2  }
0x128: {  	s28 =	sadd.s32 $0x1, s28;
	[tilespmem:s31+$0x1C0] =	vst v1;
	v1 =	vmul.f32 v63, v2  }
0x129: {  	p0 =	sne.s32 s28, $0x50;
	[tilespmem:s31+$0x1D0] =	vst v3  }
.Ltmp2:
0x12a: {  	[tilespmem:s31+$0x1E0] =	vst v1;
	s31 =	sadd.s32 $0x2800, s29;
	(pc) =	sbr.rel @p0 .LBB2_4-.Ltmp2, $4  }
0x12b: {  	[spmem:s2] =	stream.indirect.scatter.add.f32 [tilespmem:s22], [sflag:$0x2], $0x80, s31, s23, $0xb8;
	[tilespmem:$0x1F800] =	vst v63  }
0x12c: {  	_ =	swait.ge [sflag:s19], $0x4000  }
0x12d: {  	[sflag:s19] =	ssyncset.done $0x0  }
0x12e: {  	[sflag:s19] =	ssyncadd.s32 $0xFFFFC000  }
0x12f: {  	s0 =	sshll.u32 s1, $0x6  }
0x130: {  	[bflag:$0x0] =	sbarrier.arrive $0xFFFF;
	s20 =	sshrl.u32 s8, $0x3;
	s0 =	sor.u32 $0x1C02, s0  }
0x131: {  	[hbm:s13], [sflag:s0] =	dma.local [spmem:s20], $0x800  }
0x132: {  	_ =	swait.ge [sflag:s19], $0x800  }
0x133: {  	[sflag:s19] =	ssyncset.done $0x0  }
0x134: {  	s28 =	sshrl.u32 s9, $0x3;
	[sflag:s19] =	ssyncadd.s32 $0xFFFFF800  }
0x135: {  	[hbm:s14], [sflag:s0] =	dma.local [spmem:s28], $0x800  }
0x136: {  	_ =	swait.ge [sflag:s19], $0x800  }
0x137: {  	[sflag:s19] =	ssyncset.done $0x0  }
0x138: {  	s29 =	sshrl.u32 s10, $0x3;
	[sflag:s19] =	ssyncadd.s32 $0xFFFFF800  }
0x139: {  	[hbm:s15], [sflag:s0] =	dma.local [spmem:s29], $0x800  }
0x13a: {  	_ =	swait.ge [sflag:s19], $0x800  }
0x13b: {  	[sflag:s19] =	ssyncset.done $0x0  }
0x13c: {  	s30 =	sshrl.u32 s11, $0x3;
	[sflag:s19] =	ssyncadd.s32 $0xFFFFF800  }
0x13d: {  	[hbm:s16], [sflag:s0] =	dma.local [spmem:s30], $0x800  }
0x13e: {  	s25 =	sadd.s32 $0x1, s25;
	_ =	swait.ge [sflag:s19], $0x800  }
0x13f: {  	p0 =	sne.s32 s25, s18;
	[sflag:s19] =	ssyncset.done $0x0  }
.Ltmp3:
0x140: {  	s31 =	sshrl.u32 s12, $0x3;
	[sflag:s19] =	ssyncadd.s32 $0xFFFFF800;
	(pc) =	sbr.rel @p0 .LBB2_1-.Ltmp3, $4  }
0x141: {  	[hbm:s17], [sflag:s0] =	dma.local [spmem:s31], $0x800  }
0x142: {  	_ =	swait.ge [sflag:s19], $0x800  }
0x143: {  	[sflag:s19] =	ssyncset.done $0x0  }
0x144: {  	[sflag:s19] =	ssyncadd.s32 $0xFFFFF800  }
0x145: {  	_ =	sfence.sel $0x180000  }
0x146: {  	[bflag:$0x0] =	sbarrier.arrive $0xFFFF  }
0x147: {  	_ =	strace $0x9000004A  }
0x148: {  	[bflag:$0x2] =	sbarrier.arrive $0xFFFF  }
0x149: {  	p0 =	sne.s32 s1, $0x0;
	s0 =	rddreg [dreg:$0x2]  }
0x14a: {  	s0 =	sadd.s32 @!p0 $0x100000, s0  }
0x14b: {  	[sflag:s0] =	ssyncadd.tile.s32 @!p0 $0x1;
	_ =	shalt  }
.Lfunc_end2:
_tile_overlayer_lowered:
.L_overlay_start_2:
0x14c: {  	(tag) =	ssettag $0x2  }
0x14d: {  	s0 =	rddreg [dreg:$0x0];
	s2 =	stileid.u32  }
0x14e: {  	s1 =	rddreg [dreg:$0x1];
	p0 =	sne.s32 s2, $0x0  }
0x14f: {  	s3 =	rddreg [dreg:$0x2];
	[bflag:$0x3] =	sbarrier.arrive $0xFFFF;
	s2 =	simm.s32 @!p0 $0x1C02  }
0x150: {  	[timem:s3], [sflag:s2] =	dma.local @!p0 [hbm:s0], s1  }
0x151: {  	s0 =	simm.s32 @!p0 $0x2  }
0x152: {  	_ =	swait.ge @!p0 [sflag:s0], s1  }
0x153: {  	s1 =	ssub.s32 @!p0 $0x0, s1;
	[sflag:s0] =	ssyncset.done @!p0 $0x0  }
0x154: {  	[sflag:s0] =	ssyncadd.s32 @!p0 s1  }
0x155: {  	[bflag:$0x3] =	sbarrier.arrive $0xFFFF  }
0x156: {  	_ =	shalt  }

</sc_bundles>
